<compile_context>
chip_gen: v7x
topology: tpu7x:2x2x1
jax: 0.10.2.dev20260603
libtpu: 0.0.44.dev20260713+nightly
codegen_flags: <defaults>
</compile_context>

<pallas_src>
import functools

import jax
import jax.numpy as jnp
from jax import lax
from jax.experimental import pallas as pl
from jax.experimental.pallas import tpu as pltpu
from jax.experimental.pallas import tpu_sc as plsc

N = 10000
E = 320000
D_IN = 128
D_HID = 512

NC = 2
NS = 16
NT = NC * NS
STRIPE = (N // NS) // 8 * 8
REM = N - NS * STRIPE

_mesh = plsc.VectorSubcoreMesh(core_axis_name="c", subcore_axis_name="s")


DEPT = E // NT
DCH = 128
DFULL = DEPT // DCH
DTAIL = DEPT - DFULL * DCH


@functools.partial(
    pl.kernel,
    out_type=jax.ShapeDtypeStruct((NC, N, 16), jnp.float32),
    mesh=_mesh,
    scratch_types=[
        pltpu.VMEM((DCH, 16), jnp.float32),
        [pltpu.VMEM((DCH,), jnp.int32) for _ in range(8)],
        pltpu.VMEM((DTAIL,), jnp.int32),
        pltpu.VMEM_SHARED((N, 16), jnp.float32),
        [pltpu.SemaphoreType.DMA for _ in range(8)],
        pltpu.SemaphoreType.DMA,
    ],
)
def _degree_kernel(edge_hbm, zeros16_hbm, deg_hbm, ones_v, dstD, dstT,
                   deg_sh, isem, asem):
    c = lax.axis_index("c")
    s = lax.axis_index("s")
    t = c * NS + s
    base_e = E + t * DEPT

    def init_ones(r, carry):
        ones_v[r, :] = jnp.ones((16,), jnp.float32)
        return carry

    lax.fori_loop(0, DCH, init_ones, 0)

    pltpu.sync_copy(zeros16_hbm.at[pl.ds(s * STRIPE, STRIPE)],
                    deg_sh.at[pl.ds(s * STRIPE, STRIPE)])

    @pl.when(s == NS - 1)
    def _():
        pltpu.sync_copy(zeros16_hbm.at[pl.ds(NS * STRIPE, REM)],
                        deg_sh.at[pl.ds(NS * STRIPE, REM)])

    plsc.subcore_barrier()

    def start_idx(k, m):
        pltpu.async_copy(edge_hbm.at[pl.ds(base_e + k * DCH, DCH)],
                         dstD[m], isem[m])

    for m in range(4):
        start_idx(m, m)

    def step(i, carry):
        for m in range(8):
            k = 8 * i + m
            pltpu.make_async_copy(edge_hbm.at[pl.ds(base_e + k * DCH, DCH)],
                                  dstD[m], isem[m]).wait()
            pltpu.async_copy(ones_v, deg_sh.at[dstD[m]], asem, add=True)

            @pl.when(k >= 4)
            def _():
                pltpu.make_async_copy(ones_v, deg_sh.at[dstD[(m + 4) % 8]],
                                      asem).wait()

            @pl.when(k + 4 < DFULL)
            def _():
                start_idx(k + 4, (m + 4) % 8)

        return carry

    lax.fori_loop(0, DFULL // 8, step, 0)
    for k in range(8 * (DFULL // 8), DFULL):
        m = k % 8
        pltpu.make_async_copy(edge_hbm.at[pl.ds(base_e + k * DCH, DCH)],
                              dstD[m], isem[m]).wait()
        pltpu.async_copy(ones_v, deg_sh.at[dstD[m]], asem, add=True)
        pltpu.make_async_copy(ones_v, deg_sh.at[dstD[(m + 4) % 8]],
                              asem).wait()
        if k + 4 < DFULL:
            start_idx(k + 4, (m + 4) % 8)

    for k in range(DFULL - 4, DFULL):
        pltpu.make_async_copy(ones_v, deg_sh.at[dstD[k % 8]], asem).wait()

    pltpu.sync_copy(edge_hbm.at[pl.ds(base_e + DFULL * DCH, DTAIL)], dstT)
    pltpu.sync_copy(ones_v.at[pl.ds(0, DTAIL)], deg_sh.at[dstT], add=True)

    plsc.subcore_barrier()
    pltpu.sync_copy(deg_sh.at[pl.ds(s * STRIPE, STRIPE)],
                    deg_hbm.at[c, pl.ds(s * STRIPE, STRIPE)])

    @pl.when(s == NS - 1)
    def _():
        pltpu.sync_copy(deg_sh.at[pl.ds(NS * STRIPE, REM)],
                        deg_hbm.at[c, pl.ds(NS * STRIPE, REM)])


EPT = E // NT
CH2 = 104
FULL = EPT // CH2
TAIL = EPT - FULL * CH2
RI = 6
RR = 3


@functools.partial(
    pl.kernel,
    out_type=jax.ShapeDtypeStruct((NC, N, D_IN), jnp.float32),
    mesh=_mesh,
    scratch_types=[
        [pltpu.VMEM((CH2,), jnp.int32) for _ in range(RI)],
        [pltpu.VMEM((CH2,), jnp.int32) for _ in range(RI)],
        [pltpu.VMEM((CH2, D_IN), jnp.float32) for _ in range(RR)],
        pltpu.VMEM((TAIL,), jnp.int32),
        pltpu.VMEM((TAIL,), jnp.int32),
        pltpu.VMEM((TAIL, D_IN), jnp.float32),
        pltpu.VMEM_SHARED((N, D_IN), jnp.float32),
        [pltpu.SemaphoreType.DMA for _ in range(RI)],
        [pltpu.SemaphoreType.DMA for _ in range(RR)],
        [pltpu.SemaphoreType.DMA for _ in range(RR)],
    ],
)
def _scatter_kernel(edge_hbm, y_hbm, zeros_hbm, out_hbm,
                    srcJ, dstJ, rows, srcT, dstT, rowsT, acc_sh,
                    isem, gsem, ssem):
    c = lax.axis_index("c")
    s = lax.axis_index("s")
    t = c * NS + s
    base_e = t * EPT

    pltpu.sync_copy(zeros_hbm.at[pl.ds(s * STRIPE, STRIPE)],
                    acc_sh.at[pl.ds(s * STRIPE, STRIPE)])

    @pl.when(s == NS - 1)
    def _():
        pltpu.sync_copy(zeros_hbm.at[pl.ds(NS * STRIPE, REM)],
                        acc_sh.at[pl.ds(NS * STRIPE, REM)])

    plsc.subcore_barrier()

    def start_idx(k, m):
        pltpu.async_copy(edge_hbm.at[pl.ds(base_e + k * CH2, CH2)],
                         srcJ[m], isem[m])
        pltpu.async_copy(edge_hbm.at[pl.ds(E + base_e + k * CH2, CH2)],
                         dstJ[m], isem[m])

    def wait_idx(k, m):
        pltpu.make_async_copy(edge_hbm.at[pl.ds(base_e + k * CH2, CH2)],
                              srcJ[m], isem[m]).wait()
        pltpu.make_async_copy(edge_hbm.at[pl.ds(E + base_e + k * CH2, CH2)],
                              dstJ[m], isem[m]).wait()

    def wait_scatter(r, m):
        pltpu.make_async_copy(rows[r], acc_sh.at[dstJ[m]], ssem[r]).wait()

    def issue_scatter(r, m):
        pltpu.async_copy(rows[r], acc_sh.at[dstJ[m]], ssem[r], add=True)

    def wait_gather(r, m):
        pltpu.make_async_copy(y_hbm.at[srcJ[m]], rows[r], gsem[r]).wait()

    for k0 in range(3):
        start_idx(k0, k0)

    def step(i, carry):
        for m in range(RI):
            k = RI * i + m
            r = m % RR
            wait_idx(k, m)

            @pl.when(k >= 3)
            def _():
                wait_scatter(r, m)

            pltpu.async_copy(y_hbm.at[srcJ[m]], rows[r], gsem[r])

            @pl.when(k + 3 < FULL)
            def _():
                start_idx(k + 3, (m + 3) % RI)

            m2 = (m + 4) % RI
            r2 = (m + 1) % RR

            @pl.when(k >= 2)
            def _():
                wait_gather(r2, m2)
                issue_scatter(r2, m2)

        return carry

    lax.fori_loop(0, FULL // RI, step, 0)

    for k in (FULL - 2, FULL - 1):
        m, r = k % RI, k % RR
        wait_gather(r, m)
        issue_scatter(r, m)
    for k in (FULL - 3, FULL - 2, FULL - 1):
        wait_scatter(k % RR, k % RI)

    bt = base_e + FULL * CH2
    pltpu.sync_copy(edge_hbm.at[pl.ds(bt, TAIL)], srcT)
    pltpu.sync_copy(edge_hbm.at[pl.ds(E + bt, TAIL)], dstT)
    pltpu.async_copy(y_hbm.at[srcT], rowsT, gsem[0]).wait()
    pltpu.sync_copy(rowsT, acc_sh.at[dstT], add=True)

    plsc.subcore_barrier()
    pltpu.sync_copy(acc_sh.at[pl.ds(s * STRIPE, STRIPE)],
                    out_hbm.at[c, pl.ds(s * STRIPE, STRIPE)])

    @pl.when(s == NS - 1)
    def _():
        pltpu.sync_copy(acc_sh.at[pl.ds(NS * STRIPE, REM)],
                        out_hbm.at[c, pl.ds(NS * STRIPE, REM)])


_RB = 1000


def _scale_body(deg_ref, x_ref, y_ref):
    d16 = deg_ref[0] + deg_ref[1]
    deg = jnp.sum(d16, axis=1) * (1.0 / 16.0) + 1.0
    dinv = lax.rsqrt(deg)
    y_ref[...] = x_ref[...] * dinv[:, None]


def _scale(deg16, x):
    return pl.pallas_call(
        _scale_body,
        grid=(N // _RB,),
        in_specs=[
            pl.BlockSpec((NC, _RB, 16), lambda i: (0, i, 0)),
            pl.BlockSpec((_RB, D_IN), lambda i: (i, 0)),
        ],
        out_specs=pl.BlockSpec((_RB, D_IN), lambda i: (i, 0)),
        out_shape=jax.ShapeDtypeStruct((N, D_IN), jnp.float32),
    )(deg16, x)


def _mlp_body(p_ref, y_ref, deg_ref, w1_ref, b1_ref, w2_ref, b2_ref,
              w3_ref, b3_ref, out_ref):
    d16 = deg_ref[0] + deg_ref[1]
    deg = jnp.sum(d16, axis=1) * (1.0 / 16.0) + 1.0
    dinv = lax.rsqrt(deg)
    agg = (p_ref[0] + p_ref[1] + y_ref[...]) * dinv[:, None]
    h = jnp.dot(agg, w1_ref[...], preferred_element_type=jnp.float32) + b1_ref[...]
    h = jnp.where(h > 0, h, 0.2 * h)
    h = jnp.dot(h, w2_ref[...], preferred_element_type=jnp.float32) + b2_ref[...]
    h = jnp.where(h > 0, h, 0.2 * h)
    out_ref[...] = jnp.dot(h, w3_ref[...], preferred_element_type=jnp.float32) + b3_ref[...]


def _mlp(parts, y, deg16, W1, b1, W2, b2, W3, b3):
    return pl.pallas_call(
        _mlp_body,
        grid=(N // _RB,),
        in_specs=[
            pl.BlockSpec((NC, _RB, D_IN), lambda i: (0, i, 0)),
            pl.BlockSpec((_RB, D_IN), lambda i: (i, 0)),
            pl.BlockSpec((NC, _RB, 16), lambda i: (0, i, 0)),
            pl.BlockSpec((D_IN, D_HID), lambda i: (0, 0)),
            pl.BlockSpec((D_HID,), lambda i: (0,)),
            pl.BlockSpec((D_HID, D_HID), lambda i: (0, 0)),
            pl.BlockSpec((D_HID,), lambda i: (0,)),
            pl.BlockSpec((D_HID, 1), lambda i: (0, 0)),
            pl.BlockSpec((1,), lambda i: (0,)),
        ],
        out_specs=pl.BlockSpec((_RB, 1), lambda i: (i, 0)),
        out_shape=jax.ShapeDtypeStruct((N, 1), jnp.float32),
    )(parts, y, deg16, W1, b1, W2, b2, W3, b3)


def kernel(input_embd, edge_index, W1, b1, W2, b2, W3, b3):
    edge_flat = edge_index.reshape(-1)
    zeros16 = jnp.zeros((N, 16), jnp.float32)
    zeros128 = jnp.zeros((N, D_IN), jnp.float32)
    deg16 = _degree_kernel(edge_flat, zeros16)
    y = _scale(deg16, input_embd)
    parts = _scatter_kernel(edge_flat, y, zeros128)
    return _mlp(parts, y, deg16, W1, b1, W2, b2, W3, b3)

# --- scband reference (transcript-rebuilt; emitter-appended) ---
"""Pipeline reference for scband-wdiscriminator-2353642078846 (READ-ONLY COPY).

The authoritative reference and input builder live on the scoring server;
editing this copy changes nothing except your own understanding.
"""

import jax, jax.numpy as jnp
import numpy as np

N = 10000
E = 320000
D_IN = 128
D_HID = 512


def setup_inputs(seed: int = 0) -> dict:
    key = jax.random.key(seed)
    ks = jax.random.split(key, 8)
    x = jax.random.normal(ks[0], (N, D_IN), dtype=jnp.float32)
    edge_index = jax.random.randint(ks[1], (2, E), 0, N, dtype=jnp.int32)
    # GCNConv (MyGCNConv) linear weight + bias: in=D_IN, out=D_HID
    s1 = np.sqrt(6.0 / (D_IN + D_HID))
    W1 = jax.random.uniform(ks[2], (D_IN, D_HID), dtype=jnp.float32, minval=-s1, maxval=s1)
    b1 = jnp.zeros((D_HID,), dtype=jnp.float32)
    # hidden2: Linear(D_HID, D_HID)
    s2 = np.sqrt(6.0 / (D_HID + D_HID))
    W2 = jax.random.uniform(ks[3], (D_HID, D_HID), dtype=jnp.float32, minval=-s2, maxval=s2)
    b2 = jnp.zeros((D_HID,), dtype=jnp.float32)
    # output: Linear(D_HID, 1)
    s3 = np.sqrt(6.0 / (D_HID + 1))
    W3 = jax.random.uniform(ks[4], (D_HID, 1), dtype=jnp.float32, minval=-s3, maxval=s3)
    b3 = jnp.zeros((1,), dtype=jnp.float32)
    return {"input_embd": x, "edge_index": edge_index, "W1": W1, "b1": b1,
            "W2": W2, "b2": b2, "W3": W3, "b3": b3}


def _gcn_conv(x, edge_index, W, b):
    # Standard GCNConv: linear transform, add self-loops, symmetric normalization,
    # scatter-add aggregation over destination nodes.
    n = x.shape[0]
    loop = jnp.arange(n, dtype=edge_index.dtype)
    src = jnp.concatenate([edge_index[0], loop])
    dst = jnp.concatenate([edge_index[1], loop])
    deg = jnp.zeros((n,), dtype=x.dtype).at[dst].add(1.0)
    deg_inv_sqrt = jnp.where(deg > 0, 1.0 / jnp.sqrt(deg), 0.0)
    norm = deg_inv_sqrt[src] * deg_inv_sqrt[dst]
    h = x @ W
    msg = h[src] * norm[:, None]
    out = jnp.zeros((n, h.shape[1]), dtype=h.dtype).at[dst].add(msg)
    return out + b


def reference(input_embd, edge_index, W1, b1, W2, b2, W3, b3):
    h = _gcn_conv(input_embd, edge_index, W1, b1)
    h = jax.nn.leaky_relu(h, negative_slope=0.2)
    h = h @ W2 + b2
    h = jax.nn.leaky_relu(h, negative_slope=0.2)
    out = h @ W3 + b3
    return out

if __name__ == "__main__":
    import jax
    _d = setup_inputs()
    print(jax.jit(kernel)(*tuple(_d.values())))

</pallas_src>

<mosaic_0001>
#map = affine_map<(d0, d1) -> (0)>
#map1 = affine_map<(d0, d1) -> (0, 0)>
#map2 = affine_map<(d0, d1) -> (0, 0, 0)>
module attributes {stable_mosaic.version = 14 : i64} {
  func.func @_degree_kernel(%arg0: i32, %arg1: i32, %arg2: memref<640000xi32, #tpu.memory_space<hbm>>, %arg3: memref<10000x16xf32, #tpu.memory_space<hbm>>, %arg4: memref<2x10000x16xf32, #tpu.memory_space<hbm>>, %arg5: memref<128x16xf32, #tpu.memory_space<vmem>>, %arg6: memref<128xi32, #tpu.memory_space<vmem>>, %arg7: memref<128xi32, #tpu.memory_space<vmem>>, %arg8: memref<128xi32, #tpu.memory_space<vmem>>, %arg9: memref<128xi32, #tpu.memory_space<vmem>>, %arg10: memref<128xi32, #tpu.memory_space<vmem>>, %arg11: memref<128xi32, #tpu.memory_space<vmem>>, %arg12: memref<128xi32, #tpu.memory_space<vmem>>, %arg13: memref<128xi32, #tpu.memory_space<vmem>>, %arg14: memref<16xi32, #tpu.memory_space<vmem>>, %arg15: memref<10000x16xf32, #tpu.memory_space<vmem_shared>>, %arg16: memref<!tpu.dma_semaphore, #tpu.memory_space<semaphore_mem>>, %arg17: memref<!tpu.dma_semaphore, #tpu.memory_space<semaphore_mem>>, %arg18: memref<!tpu.dma_semaphore, #tpu.memory_space<semaphore_mem>>, %arg19: memref<!tpu.dma_semaphore, #tpu.memory_space<semaphore_mem>>, %arg20: memref<!tpu.dma_semaphore, #tpu.memory_space<semaphore_mem>>, %arg21: memref<!tpu.dma_semaphore, #tpu.memory_space<semaphore_mem>>, %arg22: memref<!tpu.dma_semaphore, #tpu.memory_space<semaphore_mem>>, %arg23: memref<!tpu.dma_semaphore, #tpu.memory_space<semaphore_mem>>, %arg24: memref<!tpu.dma_semaphore, #tpu.memory_space<semaphore_mem>>) attributes {dimension_semantics = [#tpu.dimension_semantics<core_parallel>, #tpu.dimension_semantics<subcore_parallel>], iteration_bounds = array<i64: 2, 16>, scalar_prefetch = 0 : i64, scratch_operands = 20 : i64, tpu.core_type = #tpu.core_type<sc_vector_subcore>, window_params = [{transform_indices = #map}, {transform_indices = #map1}, {transform_indices = #map2}]} {
    %mul3A = arith.constant 16 : i32
    %mul3A_0 = arith.muli %arg0, %mul3A : i32
    %add3A = arith.addi %mul3A_0, %arg1 : i32
    %mul3A_1 = arith.constant 10000 : i32
    %mul3A_2 = arith.muli %add3A, %mul3A_1 : i32
    %add3A_3 = arith.constant 320000 : i32
    %add3A_4 = arith.addi %add3A_3, %mul3A_2 : i32
    %scan3A = arith.constant 0 : i32
    %scan3A_5 = arith.constant 0 : i32
    %scan3A_6 = arith.constant 128 : i32
    %scan3A_7 = arith.addi %scan3A_5, %scan3A_6 : i32
    %scan3A_8 = arith.constant 1 : i32
    scf.for %scan3A_128 = %scan3A_5 to %scan3A_7 step %scan3A_8  : i32 {
      %broadcast_in_dim3A = arith.constant 1.000000e+00 : f32
      %broadcast_in_dim3A_129 = vector.broadcast %broadcast_in_dim3A : f32 to vector<16xf32>
      %swap3A = arith.index_cast %scan3A_128 : i32 to index
      %swap3A_130 = arith.constant 0 : index
      %swap3A_131 = tpu.vector_load %arg5[%swap3A, %swap3A_130] {strides = array<i32>} : memref<128x16xf32, #tpu.memory_space<vmem>>, vector<1x16xf32>,
      %swap3A_132 = vector.shape_cast %swap3A_131 : vector<1x16xf32> to vector<16xf32>
      %swap3A_133 = vector.shape_cast %broadcast_in_dim3A_129 : vector<16xf32> to vector<1x16xf32>
      tpu.vector_store %arg5[%swap3A, %swap3A_130], %swap3A_133 {strides = array<i32>} : memref<128x16xf32, #tpu.memory_space<vmem>>, vector<1x16xf32>,
    }
    %scan3A_9 = arith.constant 128 : i32
    %mul3A_10 = arith.constant 624 : i32
    %mul3A_11 = arith.muli %arg1, %mul3A_10 : i32
    %mul3A_12 = arith.constant 624 : i32
    %mul3A_13 = arith.muli %arg1, %mul3A_12 : i32
    "tpu.region"() ({
      %run_scoped3A = tpu.sem_alloc : memref<!tpu.dma_semaphore, #tpu.memory_space<semaphore_mem>>
      %dma_start3A_128 = arith.constant 0 : i32
      %dma_start3A_129 = tpu.memref_slice %arg15[%mul3A_13, %dma_start3A_128] : memref<10000x16xf32, #tpu.memory_space<vmem_shared>> -> memref<624x16xf32, #tpu.memory_space<vmem_shared>>
      %dma_start3A_130 = arith.constant 0 : i32
      %dma_start3A_131 = tpu.memref_slice %arg3[%mul3A_11, %dma_start3A_130] : memref<10000x16xf32, #tpu.memory_space<hbm>> -> memref<624x16xf32, #tpu.memory_space<hbm>>
      tpu.enqueue_dma source(%dma_start3A_131 : memref<624x16xf32, #tpu.memory_space<hbm>>) target(%dma_start3A_129 : memref<624x16xf32, #tpu.memory_space<vmem_shared>>) target_semaphore(%run_scoped3A : memref<!tpu.dma_semaphore, #tpu.memory_space<semaphore_mem>>)
      %dma_wait3A_132 = arith.constant 0 : i32
      %dma_wait3A_133 = tpu.memref_slice %arg15[%mul3A_13, %dma_wait3A_132] : memref<10000x16xf32, #tpu.memory_space<vmem_shared>> -> memref<624x16xf32, #tpu.memory_space<vmem_shared>>
      %dma_wait3A_134 = arith.constant 0 : i32
      %dma_wait3A_135 = tpu.memref_slice %arg3[%mul3A_11, %dma_wait3A_134] : memref<10000x16xf32, #tpu.memory_space<hbm>> -> memref<624x16xf32, #tpu.memory_space<hbm>>
      tpu.wait_dma2 semaphore(%run_scoped3A : memref<!tpu.dma_semaphore, #tpu.memory_space<semaphore_mem>>) src(%dma_wait3A_135 : memref<624x16xf32, #tpu.memory_space<hbm>>) dst(%dma_wait3A_133 : memref<624x16xf32, #tpu.memory_space<vmem_shared>>)
      tpu.yield
    }) : () -> ()
    %eq3A = arith.constant 15 : i32
    %eq3A_14 = arith.cmpi eq, %arg1, %eq3A : i32
    %convert_element_type3A = arith.extui %eq3A_14 : i1 to i32
    %cond3A = arith.constant 0 : i32
    %cond3A_15 = arith.cmpi ne, %convert_element_type3A, %cond3A : i32
    scf.if %cond3A_15 {
      "tpu.region"() ({
        %run_scoped3A = tpu.sem_alloc : memref<!tpu.dma_semaphore, #tpu.memory_space<semaphore_mem>>
        %dma_start3A_128 = arith.constant 9984 : i32
        %dma_start3A_129 = arith.constant 0 : i32
        %dma_start3A_130 = tpu.memref_slice %arg15[%dma_start3A_128, %dma_start3A_129] : memref<10000x16xf32, #tpu.memory_space<vmem_shared>> -> memref<16x16xf32, #tpu.memory_space<vmem_shared>>
        %dma_start3A_131 = arith.constant 9984 : i32
        %dma_start3A_132 = arith.constant 0 : i32
        %dma_start3A_133 = tpu.memref_slice %arg3[%dma_start3A_131, %dma_start3A_132] : memref<10000x16xf32, #tpu.memory_space<hbm>> -> memref<16x16xf32, #tpu.memory_space<hbm>>
        tpu.enqueue_dma source(%dma_start3A_133 : memref<16x16xf32, #tpu.memory_space<hbm>>) target(%dma_start3A_130 : memref<16x16xf32, #tpu.memory_space<vmem_shared>>) target_semaphore(%run_scoped3A : memref<!tpu.dma_semaphore, #tpu.memory_space<semaphore_mem>>)
        %dma_wait3A_134 = arith.constant 9984 : i32
        %dma_wait3A_135 = arith.constant 0 : i32
        %dma_wait3A_136 = tpu.memref_slice %arg15[%dma_wait3A_134, %dma_wait3A_135] : memref<10000x16xf32, #tpu.memory_space<vmem_shared>> -> memref<16x16xf32, #tpu.memory_space<vmem_shared>>
        %dma_wait3A_137 = arith.constant 9984 : i32
        %dma_wait3A_138 = arith.constant 0 : i32
        %dma_wait3A_139 = tpu.memref_slice %arg3[%dma_wait3A_137, %dma_wait3A_138] : memref<10000x16xf32, #tpu.memory_space<hbm>> -> memref<16x16xf32, #tpu.memory_space<hbm>>
        tpu.wait_dma2 semaphore(%run_scoped3A : memref<!tpu.dma_semaphore, #tpu.memory_space<semaphore_mem>>) src(%dma_wait3A_139 : memref<16x16xf32, #tpu.memory_space<hbm>>) dst(%dma_wait3A_136 : memref<16x16xf32, #tpu.memory_space<vmem_shared>>)
        tpu.yield
      }) : () -> ()
    } else {
    }
    %barrier3A = arith.constant 0 : index
    tpu.barrier barrier_id(%barrier3A)
    %add3A_16 = arith.constant 0 : i32
    %add3A_17 = arith.addi %add3A_4, %add3A_16 : i32
    %dma_start3A = tpu.memref_slice %arg2[%add3A_17] : memref<640000xi32, #tpu.memory_space<hbm>> -> memref<128xi32, #tpu.memory_space<hbm>>
    %dma_start3A_18 = tpu.memref_slice %arg2[%add3A_17] : memref<640000xi32, #tpu.memory_space<hbm>> -> memref<128xi32, #tpu.memory_space<hbm>>
    tpu.enqueue_dma source(%dma_start3A_18 : memref<128xi32, #tpu.memory_space<hbm>>) target(%arg6 : memref<128xi32, #tpu.memory_space<vmem>>) target_semaphore(%arg16 : memref<!tpu.dma_semaphore, #tpu.memory_space<semaphore_mem>>)
    %add3A_19 = arith.constant 128 : i32
    %add3A_20 = arith.addi %add3A_4, %add3A_19 : i32
    %dma_start3A_21 = tpu.memref_slice %arg2[%add3A_20] : memref<640000xi32, #tpu.memory_space<hbm>> -> memref<128xi32, #tpu.memory_space<hbm>>
    %dma_start3A_22 = tpu.memref_slice %arg2[%add3A_20] : memref<640000xi32, #tpu.memory_space<hbm>> -> memref<128xi32, #tpu.memory_space<hbm>>
    tpu.enqueue_dma source(%dma_start3A_22 : memref<128xi32, #tpu.memory_space<hbm>>) target(%arg7 : memref<128xi32, #tpu.memory_space<vmem>>) target_semaphore(%arg17 : memref<!tpu.dma_semaphore, #tpu.memory_space<semaphore_mem>>)
    %add3A_23 = arith.constant 256 : i32
    %add3A_24 = arith.addi %add3A_4, %add3A_23 : i32
    %dma_start3A_25 = tpu.memref_slice %arg2[%add3A_24] : memref<640000xi32, #tpu.memory_space<hbm>> -> memref<128xi32, #tpu.memory_space<hbm>>
    %dma_start3A_26 = tpu.memref_slice %arg2[%add3A_24] : memref<640000xi32, #tpu.memory_space<hbm>> -> memref<128xi32, #tpu.memory_space<hbm>>
    tpu.enqueue_dma source(%dma_start3A_26 : memref<128xi32, #tpu.memory_space<hbm>>) target(%arg8 : memref<128xi32, #tpu.memory_space<vmem>>) target_semaphore(%arg18 : memref<!tpu.dma_semaphore, #tpu.memory_space<semaphore_mem>>)
    %add3A_27 = arith.constant 384 : i32
    %add3A_28 = arith.addi %add3A_4, %add3A_27 : i32
    %dma_start3A_29 = tpu.memref_slice %arg2[%add3A_28] : memref<640000xi32, #tpu.memory_space<hbm>> -> memref<128xi32, #tpu.memory_space<hbm>>
    %dma_start3A_30 = tpu.memref_slice %arg2[%add3A_28] : memref<640000xi32, #tpu.memory_space<hbm>> -> memref<128xi32, #tpu.memory_space<hbm>>
    tpu.enqueue_dma source(%dma_start3A_30 : memref<128xi32, #tpu.memory_space<hbm>>) target(%arg9 : memref<128xi32, #tpu.memory_space<vmem>>) target_semaphore(%arg19 : memref<!tpu.dma_semaphore, #tpu.memory_space<semaphore_mem>>)
    %scan3A_31 = arith.constant 0 : i32
    %scan3A_32 = arith.constant 0 : i32
    %scan3A_33 = arith.constant 9 : i32
    %scan3A_34 = arith.addi %scan3A_32, %scan3A_33 : i32
    %scan3A_35 = arith.constant 1 : i32
    scf.for %scan3A_128 = %scan3A_32 to %scan3A_34 step %scan3A_35  : i32 {
      %mul3A_129 = arith.constant 8 : i32
      %mul3A_130 = arith.muli %mul3A_129, %scan3A_128 : i32
      %add3A_131 = arith.constant 0 : i32
      %add3A_132 = arith.addi %mul3A_130, %add3A_131 : i32
      %mul3A_133 = arith.constant 128 : i32
      %mul3A_134 = arith.muli %add3A_132, %mul3A_133 : i32
      %add3A_135 = arith.addi %add3A_4, %mul3A_134 : i32
      %dma_wait3A_136 = tpu.memref_slice %arg2[%add3A_135] : memref<640000xi32, #tpu.memory_space<hbm>> -> memref<128xi32, #tpu.memory_space<hbm>>
      %dma_wait3A_137 = tpu.memref_slice %arg2[%add3A_135] : memref<640000xi32, #tpu.memory_space<hbm>> -> memref<128xi32, #tpu.memory_space<hbm>>
      tpu.wait_dma2 semaphore(%arg16 : memref<!tpu.dma_semaphore, #tpu.memory_space<semaphore_mem>>) src(%dma_wait3A_137 : memref<128xi32, #tpu.memory_space<hbm>>) dst(%arg6 : memref<128xi32, #tpu.memory_space<vmem>>)
      %dma_start3A_138 = arith.constant 0 : i32
      %dma_start3A_139 = arith.constant 0 : i32
      %dma_start3A_140 = tpu.memref_slice %arg15[%dma_start3A_138, %dma_start3A_139] : memref<10000x16xf32, #tpu.memory_space<vmem_shared>> -> memref<10000x16xf32, #tpu.memory_space<vmem_shared>>
      tpu.enqueue_indirect_dma source(%arg5 : memref<128x16xf32, #tpu.memory_space<vmem>>) target(%dma_start3A_140 : memref<10000x16xf32, #tpu.memory_space<vmem_shared>>) offsets(%arg6 : memref<128xi32, #tpu.memory_space<vmem>>) semaphore(%arg24 : memref<!tpu.dma_semaphore, #tpu.memory_space<semaphore_mem>>) {add = true}
      %ge3A = arith.constant 4 : i32
      %ge3A_141 = arith.cmpi sge, %add3A_132, %ge3A : i32
      %convert_element_type3A_142 = arith.extui %ge3A_141 : i1 to i32
      %cond3A_143 = arith.constant 0 : i32
      %cond3A_144 = arith.cmpi ne, %convert_element_type3A_142, %cond3A_143 : i32
      scf.if %cond3A_144 {
        %dma_wait3A_319 = arith.constant 0 : i32
        %dma_wait3A_320 = arith.constant 0 : i32
        %dma_wait3A_321 = tpu.memref_slice %arg15[%dma_wait3A_319, %dma_wait3A_320] : memref<10000x16xf32, #tpu.memory_space<vmem_shared>> -> memref<10000x16xf32, #tpu.memory_space<vmem_shared>>
        tpu.wait_indirect_dma semaphore(%arg24 : memref<!tpu.dma_semaphore, #tpu.memory_space<semaphore_mem>>) src(%arg5 : memref<128x16xf32, #tpu.memory_space<vmem>>) dst(%dma_wait3A_321 : memref<10000x16xf32, #tpu.memory_space<vmem_shared>>)
      } else {
      }
      %add3A_145 = arith.constant 4 : i32
      %add3A_146 = arith.addi %add3A_132, %add3A_145 : i32
      %lt3A = arith.constant 78 : i32
      %lt3A_147 = arith.cmpi slt, %add3A_146, %lt3A : i32
      %convert_element_type3A_148 = arith.extui %lt3A_147 : i1 to i32
      %cond3A_149 = arith.constant 0 : i32
      %cond3A_150 = arith.cmpi ne, %convert_element_type3A_148, %cond3A_149 : i32
      scf.if %cond3A_150 {
        %add3A_319 = arith.constant 4 : i32
        %add3A_320 = arith.addi %add3A_132, %add3A_319 : i32
        %mul3A_321 = arith.constant 128 : i32
        %mul3A_322 = arith.muli %add3A_320, %mul3A_321 : i32
        %add3A_323 = arith.addi %add3A_4, %mul3A_322 : i32
        %dma_start3A_324 = tpu.memref_slice %arg2[%add3A_323] : memref<640000xi32, #tpu.memory_space<hbm>> -> memref<128xi32, #tpu.memory_space<hbm>>
        %dma_start3A_325 = tpu.memref_slice %arg2[%add3A_323] : memref<640000xi32, #tpu.memory_space<hbm>> -> memref<128xi32, #tpu.memory_space<hbm>>
        tpu.enqueue_dma source(%dma_start3A_325 : memref<128xi32, #tpu.memory_space<hbm>>) target(%arg10 : memref<128xi32, #tpu.memory_space<vmem>>) target_semaphore(%arg20 : memref<!tpu.dma_semaphore, #tpu.memory_space<semaphore_mem>>)
      } else {
      }
      %mul3A_151 = arith.constant 8 : i32
      %mul3A_152 = arith.muli %mul3A_151, %scan3A_128 : i32
      %add3A_153 = arith.constant 1 : i32
      %add3A_154 = arith.addi %mul3A_152, %add3A_153 : i32
      %mul3A_155 = arith.constant 128 : i32
      %mul3A_156 = arith.muli %add3A_154, %mul3A_155 : i32
      %add3A_157 = arith.addi %add3A_4, %mul3A_156 : i32
      %dma_wait3A_158 = tpu.memref_slice %arg2[%add3A_157] : memref<640000xi32, #tpu.memory_space<hbm>> -> memref<128xi32, #tpu.memory_space<hbm>>
      %dma_wait3A_159 = tpu.memref_slice %arg2[%add3A_157] : memref<640000xi32, #tpu.memory_space<hbm>> -> memref<128xi32, #tpu.memory_space<hbm>>
      tpu.wait_dma2 semaphore(%arg17 : memref<!tpu.dma_semaphore, #tpu.memory_space<semaphore_mem>>) src(%dma_wait3A_159 : memref<128xi32, #tpu.memory_space<hbm>>) dst(%arg7 : memref<128xi32, #tpu.memory_space<vmem>>)
      %dma_start3A_160 = arith.constant 0 : i32
      %dma_start3A_161 = arith.constant 0 : i32
      %dma_start3A_162 = tpu.memref_slice %arg15[%dma_start3A_160, %dma_start3A_161] : memref<10000x16xf32, #tpu.memory_space<vmem_shared>> -> memref<10000x16xf32, #tpu.memory_space<vmem_shared>>
      tpu.enqueue_indirect_dma source(%arg5 : memref<128x16xf32, #tpu.memory_space<vmem>>) target(%dma_start3A_162 : memref<10000x16xf32, #tpu.memory_space<vmem_shared>>) offsets(%arg7 : memref<128xi32, #tpu.memory_space<vmem>>) semaphore(%arg24 : memref<!tpu.dma_semaphore, #tpu.memory_space<semaphore_mem>>) {add = true}
      %ge3A_163 = arith.constant 4 : i32
      %ge3A_164 = arith.cmpi sge, %add3A_154, %ge3A_163 : i32
      %convert_element_type3A_165 = arith.extui %ge3A_164 : i1 to i32
      %cond3A_166 = arith.constant 0 : i32
      %cond3A_167 = arith.cmpi ne, %convert_element_type3A_165, %cond3A_166 : i32
      scf.if %cond3A_167 {
        %dma_wait3A_319 = arith.constant 0 : i32
        %dma_wait3A_320 = arith.constant 0 : i32
        %dma_wait3A_321 = tpu.memref_slice %arg15[%dma_wait3A_319, %dma_wait3A_320] : memref<10000x16xf32, #tpu.memory_space<vmem_shared>> -> memref<10000x16xf32, #tpu.memory_space<vmem_shared>>
        tpu.wait_indirect_dma semaphore(%arg24 : memref<!tpu.dma_semaphore, #tpu.memory_space<semaphore_mem>>) src(%arg5 : memref<128x16xf32, #tpu.memory_space<vmem>>) dst(%dma_wait3A_321 : memref<10000x16xf32, #tpu.memory_space<vmem_shared>>)
      } else {
      }
      %add3A_168 = arith.constant 4 : i32
      %add3A_169 = arith.addi %add3A_154, %add3A_168 : i32
      %lt3A_170 = arith.constant 78 : i32
      %lt3A_171 = arith.cmpi slt, %add3A_169, %lt3A_170 : i32
      %convert_element_type3A_172 = arith.extui %lt3A_171 : i1 to i32
      %cond3A_173 = arith.constant 0 : i32
      %cond3A_174 = arith.cmpi ne, %convert_element_type3A_172, %cond3A_173 : i32
      scf.if %cond3A_174 {
        %add3A_319 = arith.constant 4 : i32
        %add3A_320 = arith.addi %add3A_154, %add3A_319 : i32
        %mul3A_321 = arith.constant 128 : i32
        %mul3A_322 = arith.muli %add3A_320, %mul3A_321 : i32
        %add3A_323 = arith.addi %add3A_4, %mul3A_322 : i32
        %dma_start3A_324 = tpu.memref_slice %arg2[%add3A_323] : memref<640000xi32, #tpu.memory_space<hbm>> -> memref<128xi32, #tpu.memory_space<hbm>>
        %dma_start3A_325 = tpu.memref_slice %arg2[%add3A_323] : memref<640000xi32, #tpu.memory_space<hbm>> -> memref<128xi32, #tpu.memory_space<hbm>>
        tpu.enqueue_dma source(%dma_start3A_325 : memref<128xi32, #tpu.memory_space<hbm>>) target(%arg11 : memref<128xi32, #tpu.memory_space<vmem>>) target_semaphore(%arg21 : memref<!tpu.dma_semaphore, #tpu.memory_space<semaphore_mem>>)
      } else {
      }
      %mul3A_175 = arith.constant 8 : i32
      %mul3A_176 = arith.muli %mul3A_175, %scan3A_128 : i32
      %add3A_177 = arith.constant 2 : i32
      %add3A_178 = arith.addi %mul3A_176, %add3A_177 : i32
      %mul3A_179 = arith.constant 128 : i32
      %mul3A_180 = arith.muli %add3A_178, %mul3A_179 : i32
      %add3A_181 = arith.addi %add3A_4, %mul3A_180 : i32
      %dma_wait3A_182 = tpu.memref_slice %arg2[%add3A_181] : memref<640000xi32, #tpu.memory_space<hbm>> -> memref<128xi32, #tpu.memory_space<hbm>>
      %dma_wait3A_183 = tpu.memref_slice %arg2[%add3A_181] : memref<640000xi32, #tpu.memory_space<hbm>> -> memref<128xi32, #tpu.memory_space<hbm>>
      tpu.wait_dma2 semaphore(%arg18 : memref<!tpu.dma_semaphore, #tpu.memory_space<semaphore_mem>>) src(%dma_wait3A_183 : memref<128xi32, #tpu.memory_space<hbm>>) dst(%arg8 : memref<128xi32, #tpu.memory_space<vmem>>)
      %dma_start3A_184 = arith.constant 0 : i32
      %dma_start3A_185 = arith.constant 0 : i32
      %dma_start3A_186 = tpu.memref_slice %arg15[%dma_start3A_184, %dma_start3A_185] : memref<10000x16xf32, #tpu.memory_space<vmem_shared>> -> memref<10000x16xf32, #tpu.memory_space<vmem_shared>>
      tpu.enqueue_indirect_dma source(%arg5 : memref<128x16xf32, #tpu.memory_space<vmem>>) target(%dma_start3A_186 : memref<10000x16xf32, #tpu.memory_space<vmem_shared>>) offsets(%arg8 : memref<128xi32, #tpu.memory_space<vmem>>) semaphore(%arg24 : memref<!tpu.dma_semaphore, #tpu.memory_space<semaphore_mem>>) {add = true}
      %ge3A_187 = arith.constant 4 : i32
      %ge3A_188 = arith.cmpi sge, %add3A_178, %ge3A_187 : i32
      %convert_element_type3A_189 = arith.extui %ge3A_188 : i1 to i32
      %cond3A_190 = arith.constant 0 : i32
      %cond3A_191 = arith.cmpi ne, %convert_element_type3A_189, %cond3A_190 : i32
      scf.if %cond3A_191 {
        %dma_wait3A_319 = arith.constant 0 : i32
        %dma_wait3A_320 = arith.constant 0 : i32
        %dma_wait3A_321 = tpu.memref_slice %arg15[%dma_wait3A_319, %dma_wait3A_320] : memref<10000x16xf32, #tpu.memory_space<vmem_shared>> -> memref<10000x16xf32, #tpu.memory_space<vmem_shared>>
        tpu.wait_indirect_dma semaphore(%arg24 : memref<!tpu.dma_semaphore, #tpu.memory_space<semaphore_mem>>) src(%arg5 : memref<128x16xf32, #tpu.memory_space<vmem>>) dst(%dma_wait3A_321 : memref<10000x16xf32, #tpu.memory_space<vmem_shared>>)
      } else {
      }
      %add3A_192 = arith.constant 4 : i32
      %add3A_193 = arith.addi %add3A_178, %add3A_192 : i32
      %lt3A_194 = arith.constant 78 : i32
      %lt3A_195 = arith.cmpi slt, %add3A_193, %lt3A_194 : i32
      %convert_element_type3A_196 = arith.extui %lt3A_195 : i1 to i32
      %cond3A_197 = arith.constant 0 : i32
      %cond3A_198 = arith.cmpi ne, %convert_element_type3A_196, %cond3A_197 : i32
      scf.if %cond3A_198 {
        %add3A_319 = arith.constant 4 : i32
        %add3A_320 = arith.addi %add3A_178, %add3A_319 : i32
        %mul3A_321 = arith.constant 128 : i32
        %mul3A_322 = arith.muli %add3A_320, %mul3A_321 : i32
        %add3A_323 = arith.addi %add3A_4, %mul3A_322 : i32
        %dma_start3A_324 = tpu.memref_slice %arg2[%add3A_323] : memref<640000xi32, #tpu.memory_space<hbm>> -> memref<128xi32, #tpu.memory_space<hbm>>
        %dma_start3A_325 = tpu.memref_slice %arg2[%add3A_323] : memref<640000xi32, #tpu.memory_space<hbm>> -> memref<128xi32, #tpu.memory_space<hbm>>
        tpu.enqueue_dma source(%dma_start3A_325 : memref<128xi32, #tpu.memory_space<hbm>>) target(%arg12 : memref<128xi32, #tpu.memory_space<vmem>>) target_semaphore(%arg22 : memref<!tpu.dma_semaphore, #tpu.memory_space<semaphore_mem>>)
      } else {
      }
      %mul3A_199 = arith.constant 8 : i32
      %mul3A_200 = arith.muli %mul3A_199, %scan3A_128 : i32
      %add3A_201 = arith.constant 3 : i32
      %add3A_202 = arith.addi %mul3A_200, %add3A_201 : i32
      %mul3A_203 = arith.constant 128 : i32
      %mul3A_204 = arith.muli %add3A_202, %mul3A_203 : i32
      %add3A_205 = arith.addi %add3A_4, %mul3A_204 : i32
      %dma_wait3A_206 = tpu.memref_slice %arg2[%add3A_205] : memref<640000xi32, #tpu.memory_space<hbm>> -> memref<128xi32, #tpu.memory_space<hbm>>
      %dma_wait3A_207 = tpu.memref_slice %arg2[%add3A_205] : memref<640000xi32, #tpu.memory_space<hbm>> -> memref<128xi32, #tpu.memory_space<hbm>>
      tpu.wait_dma2 semaphore(%arg19 : memref<!tpu.dma_semaphore, #tpu.memory_space<semaphore_mem>>) src(%dma_wait3A_207 : memref<128xi32, #tpu.memory_space<hbm>>) dst(%arg9 : memref<128xi32, #tpu.memory_space<vmem>>)
      %dma_start3A_208 = arith.constant 0 : i32
      %dma_start3A_209 = arith.constant 0 : i32
      %dma_start3A_210 = tpu.memref_slice %arg15[%dma_start3A_208, %dma_start3A_209] : memref<10000x16xf32, #tpu.memory_space<vmem_shared>> -> memref<10000x16xf32, #tpu.memory_space<vmem_shared>>
      tpu.enqueue_indirect_dma source(%arg5 : memref<128x16xf32, #tpu.memory_space<vmem>>) target(%dma_start3A_210 : memref<10000x16xf32, #tpu.memory_space<vmem_shared>>) offsets(%arg9 : memref<128xi32, #tpu.memory_space<vmem>>) semaphore(%arg24 : memref<!tpu.dma_semaphore, #tpu.memory_space<semaphore_mem>>) {add = true}
      %ge3A_211 = arith.constant 4 : i32
      %ge3A_212 = arith.cmpi sge, %add3A_202, %ge3A_211 : i32
      %convert_element_type3A_213 = arith.extui %ge3A_212 : i1 to i32
      %cond3A_214 = arith.constant 0 : i32
      %cond3A_215 = arith.cmpi ne, %convert_element_type3A_213, %cond3A_214 : i32
      scf.if %cond3A_215 {
        %dma_wait3A_319 = arith.constant 0 : i32
        %dma_wait3A_320 = arith.constant 0 : i32
        %dma_wait3A_321 = tpu.memref_slice %arg15[%dma_wait3A_319, %dma_wait3A_320] : memref<10000x16xf32, #tpu.memory_space<vmem_shared>> -> memref<10000x16xf32, #tpu.memory_space<vmem_shared>>
        tpu.wait_indirect_dma semaphore(%arg24 : memref<!tpu.dma_semaphore, #tpu.memory_space<semaphore_mem>>) src(%arg5 : memref<128x16xf32, #tpu.memory_space<vmem>>) dst(%dma_wait3A_321 : memref<10000x16xf32, #tpu.memory_space<vmem_shared>>)
      } else {
      }
      %add3A_216 = arith.constant 4 : i32
      %add3A_217 = arith.addi %add3A_202, %add3A_216 : i32
      %lt3A_218 = arith.constant 78 : i32
      %lt3A_219 = arith.cmpi slt, %add3A_217, %lt3A_218 : i32
      %convert_element_type3A_220 = arith.extui %lt3A_219 : i1 to i32
      %cond3A_221 = arith.constant 0 : i32
      %cond3A_222 = arith.cmpi ne, %convert_element_type3A_220, %cond3A_221 : i32
      scf.if %cond3A_222 {
        %add3A_319 = arith.constant 4 : i32
        %add3A_320 = arith.addi %add3A_202, %add3A_319 : i32
        %mul3A_321 = arith.constant 128 : i32
        %mul3A_322 = arith.muli %add3A_320, %mul3A_321 : i32
        %add3A_323 = arith.addi %add3A_4, %mul3A_322 : i32
        %dma_start3A_324 = tpu.memref_slice %arg2[%add3A_323] : memref<640000xi32, #tpu.memory_space<hbm>> -> memref<128xi32, #tpu.memory_space<hbm>>
        %dma_start3A_325 = tpu.memref_slice %arg2[%add3A_323] : memref<640000xi32, #tpu.memory_space<hbm>> -> memref<128xi32, #tpu.memory_space<hbm>>
        tpu.enqueue_dma source(%dma_start3A_325 : memref<128xi32, #tpu.memory_space<hbm>>) target(%arg13 : memref<128xi32, #tpu.memory_space<vmem>>) target_semaphore(%arg23 : memref<!tpu.dma_semaphore, #tpu.memory_space<semaphore_mem>>)
      } else {
      }
      %mul3A_223 = arith.constant 8 : i32
      %mul3A_224 = arith.muli %mul3A_223, %scan3A_128 : i32
      %add3A_225 = arith.constant 4 : i32
      %add3A_226 = arith.addi %mul3A_224, %add3A_225 : i32
      %mul3A_227 = arith.constant 128 : i32
      %mul3A_228 = arith.muli %add3A_226, %mul3A_227 : i32
      %add3A_229 = arith.addi %add3A_4, %mul3A_228 : i32
      %dma_wait3A_230 = tpu.memref_slice %arg2[%add3A_229] : memref<640000xi32, #tpu.memory_space<hbm>> -> memref<128xi32, #tpu.memory_space<hbm>>
      %dma_wait3A_231 = tpu.memref_slice %arg2[%add3A_229] : memref<640000xi32, #tpu.memory_space<hbm>> -> memref<128xi32, #tpu.memory_space<hbm>>
      tpu.wait_dma2 semaphore(%arg20 : memref<!tpu.dma_semaphore, #tpu.memory_space<semaphore_mem>>) src(%dma_wait3A_231 : memref<128xi32, #tpu.memory_space<hbm>>) dst(%arg10 : memref<128xi32, #tpu.memory_space<vmem>>)
      %dma_start3A_232 = arith.constant 0 : i32
      %dma_start3A_233 = arith.constant 0 : i32
      %dma_start3A_234 = tpu.memref_slice %arg15[%dma_start3A_232, %dma_start3A_233] : memref<10000x16xf32, #tpu.memory_space<vmem_shared>> -> memref<10000x16xf32, #tpu.memory_space<vmem_shared>>
      tpu.enqueue_indirect_dma source(%arg5 : memref<128x16xf32, #tpu.memory_space<vmem>>) target(%dma_start3A_234 : memref<10000x16xf32, #tpu.memory_space<vmem_shared>>) offsets(%arg10 : memref<128xi32, #tpu.memory_space<vmem>>) semaphore(%arg24 : memref<!tpu.dma_semaphore, #tpu.memory_space<semaphore_mem>>) {add = true}
      %ge3A_235 = arith.constant 4 : i32
      %ge3A_236 = arith.cmpi sge, %add3A_226, %ge3A_235 : i32
      %convert_element_type3A_237 = arith.extui %ge3A_236 : i1 to i32
      %cond3A_238 = arith.constant 0 : i32
      %cond3A_239 = arith.cmpi ne, %convert_element_type3A_237, %cond3A_238 : i32
      scf.if %cond3A_239 {
        %dma_wait3A_319 = arith.constant 0 : i32
        %dma_wait3A_320 = arith.constant 0 : i32
        %dma_wait3A_321 = tpu.memref_slice %arg15[%dma_wait3A_319, %dma_wait3A_320] : memref<10000x16xf32, #tpu.memory_space<vmem_shared>> -> memref<10000x16xf32, #tpu.memory_space<vmem_shared>>
        tpu.wait_indirect_dma semaphore(%arg24 : memref<!tpu.dma_semaphore, #tpu.memory_space<semaphore_mem>>) src(%arg5 : memref<128x16xf32, #tpu.memory_space<vmem>>) dst(%dma_wait3A_321 : memref<10000x16xf32, #tpu.memory_space<vmem_shared>>)
      } else {
      }
      %add3A_240 = arith.constant 4 : i32
      %add3A_241 = arith.addi %add3A_226, %add3A_240 : i32
      %lt3A_242 = arith.constant 78 : i32
      %lt3A_243 = arith.cmpi slt, %add3A_241, %lt3A_242 : i32
      %convert_element_type3A_244 = arith.extui %lt3A_243 : i1 to i32
      %cond3A_245 = arith.constant 0 : i32
      %cond3A_246 = arith.cmpi ne, %convert_element_type3A_244, %cond3A_245 : i32
      scf.if %cond3A_246 {
        %add3A_319 = arith.constant 4 : i32
        %add3A_320 = arith.addi %add3A_226, %add3A_319 : i32
        %mul3A_321 = arith.constant 128 : i32
        %mul3A_322 = arith.muli %add3A_320, %mul3A_321 : i32
        %add3A_323 = arith.addi %add3A_4, %mul3A_322 : i32
        %dma_start3A_324 = tpu.memref_slice %arg2[%add3A_323] : memref<640000xi32, #tpu.memory_space<hbm>> -> memref<128xi32, #tpu.memory_space<hbm>>
        %dma_start3A_325 = tpu.memref_slice %arg2[%add3A_323] : memref<640000xi32, #tpu.memory_space<hbm>> -> memref<128xi32, #tpu.memory_space<hbm>>
        tpu.enqueue_dma source(%dma_start3A_325 : memref<128xi32, #tpu.memory_space<hbm>>) target(%arg6 : memref<128xi32, #tpu.memory_space<vmem>>) target_semaphore(%arg16 : memref<!tpu.dma_semaphore, #tpu.memory_space<semaphore_mem>>)
      } else {
      }
      %mul3A_247 = arith.constant 8 : i32
      %mul3A_248 = arith.muli %mul3A_247, %scan3A_128 : i32
      %add3A_249 = arith.constant 5 : i32
      %add3A_250 = arith.addi %mul3A_248, %add3A_249 : i32
      %mul3A_251 = arith.constant 128 : i32
      %mul3A_252 = arith.muli %add3A_250, %mul3A_251 : i32
      %add3A_253 = arith.addi %add3A_4, %mul3A_252 : i32
      %dma_wait3A_254 = tpu.memref_slice %arg2[%add3A_253] : memref<640000xi32, #tpu.memory_space<hbm>> -> memref<128xi32, #tpu.memory_space<hbm>>
      %dma_wait3A_255 = tpu.memref_slice %arg2[%add3A_253] : memref<640000xi32, #tpu.memory_space<hbm>> -> memref<128xi32, #tpu.memory_space<hbm>>
      tpu.wait_dma2 semaphore(%arg21 : memref<!tpu.dma_semaphore, #tpu.memory_space<semaphore_mem>>) src(%dma_wait3A_255 : memref<128xi32, #tpu.memory_space<hbm>>) dst(%arg11 : memref<128xi32, #tpu.memory_space<vmem>>)
      %dma_start3A_256 = arith.constant 0 : i32
      %dma_start3A_257 = arith.constant 0 : i32
      %dma_start3A_258 = tpu.memref_slice %arg15[%dma_start3A_256, %dma_start3A_257] : memref<10000x16xf32, #tpu.memory_space<vmem_shared>> -> memref<10000x16xf32, #tpu.memory_space<vmem_shared>>
      tpu.enqueue_indirect_dma source(%arg5 : memref<128x16xf32, #tpu.memory_space<vmem>>) target(%dma_start3A_258 : memref<10000x16xf32, #tpu.memory_space<vmem_shared>>) offsets(%arg11 : memref<128xi32, #tpu.memory_space<vmem>>) semaphore(%arg24 : memref<!tpu.dma_semaphore, #tpu.memory_space<semaphore_mem>>) {add = true}
      %ge3A_259 = arith.constant 4 : i32
      %ge3A_260 = arith.cmpi sge, %add3A_250, %ge3A_259 : i32
      %convert_element_type3A_261 = arith.extui %ge3A_260 : i1 to i32
      %cond3A_262 = arith.constant 0 : i32
      %cond3A_263 = arith.cmpi ne, %convert_element_type3A_261, %cond3A_262 : i32
      scf.if %cond3A_263 {
        %dma_wait3A_319 = arith.constant 0 : i32
        %dma_wait3A_320 = arith.constant 0 : i32
        %dma_wait3A_321 = tpu.memref_slice %arg15[%dma_wait3A_319, %dma_wait3A_320] : memref<10000x16xf32, #tpu.memory_space<vmem_shared>> -> memref<10000x16xf32, #tpu.memory_space<vmem_shared>>
        tpu.wait_indirect_dma semaphore(%arg24 : memref<!tpu.dma_semaphore, #tpu.memory_space<semaphore_mem>>) src(%arg5 : memref<128x16xf32, #tpu.memory_space<vmem>>) dst(%dma_wait3A_321 : memref<10000x16xf32, #tpu.memory_space<vmem_shared>>)
      } else {
      }
      %add3A_264 = arith.constant 4 : i32
      %add3A_265 = arith.addi %add3A_250, %add3A_264 : i32
      %lt3A_266 = arith.constant 78 : i32
      %lt3A_267 = arith.cmpi slt, %add3A_265, %lt3A_266 : i32
      %convert_element_type3A_268 = arith.extui %lt3A_267 : i1 to i32
      %cond3A_269 = arith.constant 0 : i32
      %cond3A_270 = arith.cmpi ne, %convert_element_type3A_268, %cond3A_269 : i32
      scf.if %cond3A_270 {
        %add3A_319 = arith.constant 4 : i32
        %add3A_320 = arith.addi %add3A_250, %add3A_319 : i32
        %mul3A_321 = arith.constant 128 : i32
        %mul3A_322 = arith.muli %add3A_320, %mul3A_321 : i32
        %add3A_323 = arith.addi %add3A_4, %mul3A_322 : i32
        %dma_start3A_324 = tpu.memref_slice %arg2[%add3A_323] : memref<640000xi32, #tpu.memory_space<hbm>> -> memref<128xi32, #tpu.memory_space<hbm>>
        %dma_start3A_325 = tpu.memref_slice %arg2[%add3A_323] : memref<640000xi32, #tpu.memory_space<hbm>> -> memref<128xi32, #tpu.memory_space<hbm>>
        tpu.enqueue_dma source(%dma_start3A_325 : memref<128xi32, #tpu.memory_space<hbm>>) target(%arg7 : memref<128xi32, #tpu.memory_space<vmem>>) target_semaphore(%arg17 : memref<!tpu.dma_semaphore, #tpu.memory_space<semaphore_mem>>)
      } else {
      }
      %mul3A_271 = arith.constant 8 : i32
      %mul3A_272 = arith.muli %mul3A_271, %scan3A_128 : i32
      %add3A_273 = arith.constant 6 : i32
      %add3A_274 = arith.addi %mul3A_272, %add3A_273 : i32
      %mul3A_275 = arith.constant 128 : i32
      %mul3A_276 = arith.muli %add3A_274, %mul3A_275 : i32
      %add3A_277 = arith.addi %add3A_4, %mul3A_276 : i32
      %dma_wait3A_278 = tpu.memref_slice %arg2[%add3A_277] : memref<640000xi32, #tpu.memory_space<hbm>> -> memref<128xi32, #tpu.memory_space<hbm>>
      %dma_wait3A_279 = tpu.memref_slice %arg2[%add3A_277] : memref<640000xi32, #tpu.memory_space<hbm>> -> memref<128xi32, #tpu.memory_space<hbm>>
      tpu.wait_dma2 semaphore(%arg22 : memref<!tpu.dma_semaphore, #tpu.memory_space<semaphore_mem>>) src(%dma_wait3A_279 : memref<128xi32, #tpu.memory_space<hbm>>) dst(%arg12 : memref<128xi32, #tpu.memory_space<vmem>>)
      %dma_start3A_280 = arith.constant 0 : i32
      %dma_start3A_281 = arith.constant 0 : i32
      %dma_start3A_282 = tpu.memref_slice %arg15[%dma_start3A_280, %dma_start3A_281] : memref<10000x16xf32, #tpu.memory_space<vmem_shared>> -> memref<10000x16xf32, #tpu.memory_space<vmem_shared>>
      tpu.enqueue_indirect_dma source(%arg5 : memref<128x16xf32, #tpu.memory_space<vmem>>) target(%dma_start3A_282 : memref<10000x16xf32, #tpu.memory_space<vmem_shared>>) offsets(%arg12 : memref<128xi32, #tpu.memory_space<vmem>>) semaphore(%arg24 : memref<!tpu.dma_semaphore, #tpu.memory_space<semaphore_mem>>) {add = true}
      %ge3A_283 = arith.constant 4 : i32
      %ge3A_284 = arith.cmpi sge, %add3A_274, %ge3A_283 : i32
      %convert_element_type3A_285 = arith.extui %ge3A_284 : i1 to i32
      %cond3A_286 = arith.constant 0 : i32
      %cond3A_287 = arith.cmpi ne, %convert_element_type3A_285, %cond3A_286 : i32
      scf.if %cond3A_287 {
        %dma_wait3A_319 = arith.constant 0 : i32
        %dma_wait3A_320 = arith.constant 0 : i32
        %dma_wait3A_321 = tpu.memref_slice %arg15[%dma_wait3A_319, %dma_wait3A_320] : memref<10000x16xf32, #tpu.memory_space<vmem_shared>> -> memref<10000x16xf32, #tpu.memory_space<vmem_shared>>
        tpu.wait_indirect_dma semaphore(%arg24 : memref<!tpu.dma_semaphore, #tpu.memory_space<semaphore_mem>>) src(%arg5 : memref<128x16xf32, #tpu.memory_space<vmem>>) dst(%dma_wait3A_321 : memref<10000x16xf32, #tpu.memory_space<vmem_shared>>)
      } else {
      }
      %add3A_288 = arith.constant 4 : i32
      %add3A_289 = arith.addi %add3A_274, %add3A_288 : i32
      %lt3A_290 = arith.constant 78 : i32
      %lt3A_291 = arith.cmpi slt, %add3A_289, %lt3A_290 : i32
      %convert_element_type3A_292 = arith.extui %lt3A_291 : i1 to i32
      %cond3A_293 = arith.constant 0 : i32
      %cond3A_294 = arith.cmpi ne, %convert_element_type3A_292, %cond3A_293 : i32
      scf.if %cond3A_294 {
        %add3A_319 = arith.constant 4 : i32
        %add3A_320 = arith.addi %add3A_274, %add3A_319 : i32
        %mul3A_321 = arith.constant 128 : i32
        %mul3A_322 = arith.muli %add3A_320, %mul3A_321 : i32
        %add3A_323 = arith.addi %add3A_4, %mul3A_322 : i32
        %dma_start3A_324 = tpu.memref_slice %arg2[%add3A_323] : memref<640000xi32, #tpu.memory_space<hbm>> -> memref<128xi32, #tpu.memory_space<hbm>>
        %dma_start3A_325 = tpu.memref_slice %arg2[%add3A_323] : memref<640000xi32, #tpu.memory_space<hbm>> -> memref<128xi32, #tpu.memory_space<hbm>>
        tpu.enqueue_dma source(%dma_start3A_325 : memref<128xi32, #tpu.memory_space<hbm>>) target(%arg8 : memref<128xi32, #tpu.memory_space<vmem>>) target_semaphore(%arg18 : memref<!tpu.dma_semaphore, #tpu.memory_space<semaphore_mem>>)
      } else {
      }
      %mul3A_295 = arith.constant 8 : i32
      %mul3A_296 = arith.muli %mul3A_295, %scan3A_128 : i32
      %add3A_297 = arith.constant 7 : i32
      %add3A_298 = arith.addi %mul3A_296, %add3A_297 : i32
      %mul3A_299 = arith.constant 128 : i32
      %mul3A_300 = arith.muli %add3A_298, %mul3A_299 : i32
      %add3A_301 = arith.addi %add3A_4, %mul3A_300 : i32
      %dma_wait3A_302 = tpu.memref_slice %arg2[%add3A_301] : memref<640000xi32, #tpu.memory_space<hbm>> -> memref<128xi32, #tpu.memory_space<hbm>>
      %dma_wait3A_303 = tpu.memref_slice %arg2[%add3A_301] : memref<640000xi32, #tpu.memory_space<hbm>> -> memref<128xi32, #tpu.memory_space<hbm>>
      tpu.wait_dma2 semaphore(%arg23 : memref<!tpu.dma_semaphore, #tpu.memory_space<semaphore_mem>>) src(%dma_wait3A_303 : memref<128xi32, #tpu.memory_space<hbm>>) dst(%arg13 : memref<128xi32, #tpu.memory_space<vmem>>)
      %dma_start3A_304 = arith.constant 0 : i32
      %dma_start3A_305 = arith.constant 0 : i32
      %dma_start3A_306 = tpu.memref_slice %arg15[%dma_start3A_304, %dma_start3A_305] : memref<10000x16xf32, #tpu.memory_space<vmem_shared>> -> memref<10000x16xf32, #tpu.memory_space<vmem_shared>>
      tpu.enqueue_indirect_dma source(%arg5 : memref<128x16xf32, #tpu.memory_space<vmem>>) target(%dma_start3A_306 : memref<10000x16xf32, #tpu.memory_space<vmem_shared>>) offsets(%arg13 : memref<128xi32, #tpu.memory_space<vmem>>) semaphore(%arg24 : memref<!tpu.dma_semaphore, #tpu.memory_space<semaphore_mem>>) {add = true}
      %ge3A_307 = arith.constant 4 : i32
      %ge3A_308 = arith.cmpi sge, %add3A_298, %ge3A_307 : i32
      %convert_element_type3A_309 = arith.extui %ge3A_308 : i1 to i32
      %cond3A_310 = arith.constant 0 : i32
      %cond3A_311 = arith.cmpi ne, %convert_element_type3A_309, %cond3A_310 : i32
      scf.if %cond3A_311 {
        %dma_wait3A_319 = arith.constant 0 : i32
        %dma_wait3A_320 = arith.constant 0 : i32
        %dma_wait3A_321 = tpu.memref_slice %arg15[%dma_wait3A_319, %dma_wait3A_320] : memref<10000x16xf32, #tpu.memory_space<vmem_shared>> -> memref<10000x16xf32, #tpu.memory_space<vmem_shared>>
        tpu.wait_indirect_dma semaphore(%arg24 : memref<!tpu.dma_semaphore, #tpu.memory_space<semaphore_mem>>) src(%arg5 : memref<128x16xf32, #tpu.memory_space<vmem>>) dst(%dma_wait3A_321 : memref<10000x16xf32, #tpu.memory_space<vmem_shared>>)
      } else {
      }
      %add3A_312 = arith.constant 4 : i32
      %add3A_313 = arith.addi %add3A_298, %add3A_312 : i32
      %lt3A_314 = arith.constant 78 : i32
      %lt3A_315 = arith.cmpi slt, %add3A_313, %lt3A_314 : i32
      %convert_element_type3A_316 = arith.extui %lt3A_315 : i1 to i32
      %cond3A_317 = arith.constant 0 : i32
      %cond3A_318 = arith.cmpi ne, %convert_element_type3A_316, %cond3A_317 : i32
      scf.if %cond3A_318 {
        %add3A_319 = arith.constant 4 : i32
        %add3A_320 = arith.addi %add3A_298, %add3A_319 : i32
        %mul3A_321 = arith.constant 128 : i32
        %mul3A_322 = arith.muli %add3A_320, %mul3A_321 : i32
        %add3A_323 = arith.addi %add3A_4, %mul3A_322 : i32
        %dma_start3A_324 = tpu.memref_slice %arg2[%add3A_323] : memref<640000xi32, #tpu.memory_space<hbm>> -> memref<128xi32, #tpu.memory_space<hbm>>
        %dma_start3A_325 = tpu.memref_slice %arg2[%add3A_323] : memref<640000xi32, #tpu.memory_space<hbm>> -> memref<128xi32, #tpu.memory_space<hbm>>
        tpu.enqueue_dma source(%dma_start3A_325 : memref<128xi32, #tpu.memory_space<hbm>>) target(%arg9 : memref<128xi32, #tpu.memory_space<vmem>>) target_semaphore(%arg19 : memref<!tpu.dma_semaphore, #tpu.memory_space<semaphore_mem>>)
      } else {
      }
    }
    %scan3A_36 = arith.constant 9 : i32
    %add3A_37 = arith.constant 9216 : i32
    %add3A_38 = arith.addi %add3A_4, %add3A_37 : i32
    %dma_wait3A = tpu.memref_slice %arg2[%add3A_38] : memref<640000xi32, #tpu.memory_space<hbm>> -> memref<128xi32, #tpu.memory_space<hbm>>
    %dma_wait3A_39 = tpu.memref_slice %arg2[%add3A_38] : memref<640000xi32, #tpu.memory_space<hbm>> -> memref<128xi32, #tpu.memory_space<hbm>>
    tpu.wait_dma2 semaphore(%arg16 : memref<!tpu.dma_semaphore, #tpu.memory_space<semaphore_mem>>) src(%dma_wait3A_39 : memref<128xi32, #tpu.memory_space<hbm>>) dst(%arg6 : memref<128xi32, #tpu.memory_space<vmem>>)
    %dma_start3A_40 = arith.constant 0 : i32
    %dma_start3A_41 = arith.constant 0 : i32
    %dma_start3A_42 = tpu.memref_slice %arg15[%dma_start3A_40, %dma_start3A_41] : memref<10000x16xf32, #tpu.memory_space<vmem_shared>> -> memref<10000x16xf32, #tpu.memory_space<vmem_shared>>
    tpu.enqueue_indirect_dma source(%arg5 : memref<128x16xf32, #tpu.memory_space<vmem>>) target(%dma_start3A_42 : memref<10000x16xf32, #tpu.memory_space<vmem_shared>>) offsets(%arg6 : memref<128xi32, #tpu.memory_space<vmem>>) semaphore(%arg24 : memref<!tpu.dma_semaphore, #tpu.memory_space<semaphore_mem>>) {add = true}
    %dma_wait3A_43 = arith.constant 0 : i32
    %dma_wait3A_44 = arith.constant 0 : i32
    %dma_wait3A_45 = tpu.memref_slice %arg15[%dma_wait3A_43, %dma_wait3A_44] : memref<10000x16xf32, #tpu.memory_space<vmem_shared>> -> memref<10000x16xf32, #tpu.memory_space<vmem_shared>>
    tpu.wait_indirect_dma semaphore(%arg24 : memref<!tpu.dma_semaphore, #tpu.memory_space<semaphore_mem>>) src(%arg5 : memref<128x16xf32, #tpu.memory_space<vmem>>) dst(%dma_wait3A_45 : memref<10000x16xf32, #tpu.memory_space<vmem_shared>>)
    %add3A_46 = arith.constant 9728 : i32
    %add3A_47 = arith.addi %add3A_4, %add3A_46 : i32
    %dma_start3A_48 = tpu.memref_slice %arg2[%add3A_47] : memref<640000xi32, #tpu.memory_space<hbm>> -> memref<128xi32, #tpu.memory_space<hbm>>
    %dma_start3A_49 = tpu.memref_slice %arg2[%add3A_47] : memref<640000xi32, #tpu.memory_space<hbm>> -> memref<128xi32, #tpu.memory_space<hbm>>
    tpu.enqueue_dma source(%dma_start3A_49 : memref<128xi32, #tpu.memory_space<hbm>>) target(%arg10 : memref<128xi32, #tpu.memory_space<vmem>>) target_semaphore(%arg20 : memref<!tpu.dma_semaphore, #tpu.memory_space<semaphore_mem>>)
    %add3A_50 = arith.constant 9344 : i32
    %add3A_51 = arith.addi %add3A_4, %add3A_50 : i32
    %dma_wait3A_52 = tpu.memref_slice %arg2[%add3A_51] : memref<640000xi32, #tpu.memory_space<hbm>> -> memref<128xi32, #tpu.memory_space<hbm>>
    %dma_wait3A_53 = tpu.memref_slice %arg2[%add3A_51] : memref<640000xi32, #tpu.memory_space<hbm>> -> memref<128xi32, #tpu.memory_space<hbm>>
    tpu.wait_dma2 semaphore(%arg17 : memref<!tpu.dma_semaphore, #tpu.memory_space<semaphore_mem>>) src(%dma_wait3A_53 : memref<128xi32, #tpu.memory_space<hbm>>) dst(%arg7 : memref<128xi32, #tpu.memory_space<vmem>>)
    %dma_start3A_54 = arith.constant 0 : i32
    %dma_start3A_55 = arith.constant 0 : i32
    %dma_start3A_56 = tpu.memref_slice %arg15[%dma_start3A_54, %dma_start3A_55] : memref<10000x16xf32, #tpu.memory_space<vmem_shared>> -> memref<10000x16xf32, #tpu.memory_space<vmem_shared>>
    tpu.enqueue_indirect_dma source(%arg5 : memref<128x16xf32, #tpu.memory_space<vmem>>) target(%dma_start3A_56 : memref<10000x16xf32, #tpu.memory_space<vmem_shared>>) offsets(%arg7 : memref<128xi32, #tpu.memory_space<vmem>>) semaphore(%arg24 : memref<!tpu.dma_semaphore, #tpu.memory_space<semaphore_mem>>) {add = true}
    %dma_wait3A_57 = arith.constant 0 : i32
    %dma_wait3A_58 = arith.constant 0 : i32
    %dma_wait3A_59 = tpu.memref_slice %arg15[%dma_wait3A_57, %dma_wait3A_58] : memref<10000x16xf32, #tpu.memory_space<vmem_shared>> -> memref<10000x16xf32, #tpu.memory_space<vmem_shared>>
    tpu.wait_indirect_dma semaphore(%arg24 : memref<!tpu.dma_semaphore, #tpu.memory_space<semaphore_mem>>) src(%arg5 : memref<128x16xf32, #tpu.memory_space<vmem>>) dst(%dma_wait3A_59 : memref<10000x16xf32, #tpu.memory_space<vmem_shared>>)
    %add3A_60 = arith.constant 9856 : i32
    %add3A_61 = arith.addi %add3A_4, %add3A_60 : i32
    %dma_start3A_62 = tpu.memref_slice %arg2[%add3A_61] : memref<640000xi32, #tpu.memory_space<hbm>> -> memref<128xi32, #tpu.memory_space<hbm>>
    %dma_start3A_63 = tpu.memref_slice %arg2[%add3A_61] : memref<640000xi32, #tpu.memory_space<hbm>> -> memref<128xi32, #tpu.memory_space<hbm>>
    tpu.enqueue_dma source(%dma_start3A_63 : memref<128xi32, #tpu.memory_space<hbm>>) target(%arg11 : memref<128xi32, #tpu.memory_space<vmem>>) target_semaphore(%arg21 : memref<!tpu.dma_semaphore, #tpu.memory_space<semaphore_mem>>)
    %add3A_64 = arith.constant 9472 : i32
    %add3A_65 = arith.addi %add3A_4, %add3A_64 : i32
    %dma_wait3A_66 = tpu.memref_slice %arg2[%add3A_65] : memref<640000xi32, #tpu.memory_space<hbm>> -> memref<128xi32, #tpu.memory_space<hbm>>
    %dma_wait3A_67 = tpu.memref_slice %arg2[%add3A_65] : memref<640000xi32, #tpu.memory_space<hbm>> -> memref<128xi32, #tpu.memory_space<hbm>>
    tpu.wait_dma2 semaphore(%arg18 : memref<!tpu.dma_semaphore, #tpu.memory_space<semaphore_mem>>) src(%dma_wait3A_67 : memref<128xi32, #tpu.memory_space<hbm>>) dst(%arg8 : memref<128xi32, #tpu.memory_space<vmem>>)
    %dma_start3A_68 = arith.constant 0 : i32
    %dma_start3A_69 = arith.constant 0 : i32
    %dma_start3A_70 = tpu.memref_slice %arg15[%dma_start3A_68, %dma_start3A_69] : memref<10000x16xf32, #tpu.memory_space<vmem_shared>> -> memref<10000x16xf32, #tpu.memory_space<vmem_shared>>
    tpu.enqueue_indirect_dma source(%arg5 : memref<128x16xf32, #tpu.memory_space<vmem>>) target(%dma_start3A_70 : memref<10000x16xf32, #tpu.memory_space<vmem_shared>>) offsets(%arg8 : memref<128xi32, #tpu.memory_space<vmem>>) semaphore(%arg24 : memref<!tpu.dma_semaphore, #tpu.memory_space<semaphore_mem>>) {add = true}
    %dma_wait3A_71 = arith.constant 0 : i32
    %dma_wait3A_72 = arith.constant 0 : i32
    %dma_wait3A_73 = tpu.memref_slice %arg15[%dma_wait3A_71, %dma_wait3A_72] : memref<10000x16xf32, #tpu.memory_space<vmem_shared>> -> memref<10000x16xf32, #tpu.memory_space<vmem_shared>>
    tpu.wait_indirect_dma semaphore(%arg24 : memref<!tpu.dma_semaphore, #tpu.memory_space<semaphore_mem>>) src(%arg5 : memref<128x16xf32, #tpu.memory_space<vmem>>) dst(%dma_wait3A_73 : memref<10000x16xf32, #tpu.memory_space<vmem_shared>>)
    %add3A_74 = arith.constant 9600 : i32
    %add3A_75 = arith.addi %add3A_4, %add3A_74 : i32
    %dma_wait3A_76 = tpu.memref_slice %arg2[%add3A_75] : memref<640000xi32, #tpu.memory_space<hbm>> -> memref<128xi32, #tpu.memory_space<hbm>>
    %dma_wait3A_77 = tpu.memref_slice %arg2[%add3A_75] : memref<640000xi32, #tpu.memory_space<hbm>> -> memref<128xi32, #tpu.memory_space<hbm>>
    tpu.wait_dma2 semaphore(%arg19 : memref<!tpu.dma_semaphore, #tpu.memory_space<semaphore_mem>>) src(%dma_wait3A_77 : memref<128xi32, #tpu.memory_space<hbm>>) dst(%arg9 : memref<128xi32, #tpu.memory_space<vmem>>)
    %dma_start3A_78 = arith.constant 0 : i32
    %dma_start3A_79 = arith.constant 0 : i32
    %dma_start3A_80 = tpu.memref_slice %arg15[%dma_start3A_78, %dma_start3A_79] : memref<10000x16xf32, #tpu.memory_space<vmem_shared>> -> memref<10000x16xf32, #tpu.memory_space<vmem_shared>>
    tpu.enqueue_indirect_dma source(%arg5 : memref<128x16xf32, #tpu.memory_space<vmem>>) target(%dma_start3A_80 : memref<10000x16xf32, #tpu.memory_space<vmem_shared>>) offsets(%arg9 : memref<128xi32, #tpu.memory_space<vmem>>) semaphore(%arg24 : memref<!tpu.dma_semaphore, #tpu.memory_space<semaphore_mem>>) {add = true}
    %dma_wait3A_81 = arith.constant 0 : i32
    %dma_wait3A_82 = arith.constant 0 : i32
    %dma_wait3A_83 = tpu.memref_slice %arg15[%dma_wait3A_81, %dma_wait3A_82] : memref<10000x16xf32, #tpu.memory_space<vmem_shared>> -> memref<10000x16xf32, #tpu.memory_space<vmem_shared>>
    tpu.wait_indirect_dma semaphore(%arg24 : memref<!tpu.dma_semaphore, #tpu.memory_space<semaphore_mem>>) src(%arg5 : memref<128x16xf32, #tpu.memory_space<vmem>>) dst(%dma_wait3A_83 : memref<10000x16xf32, #tpu.memory_space<vmem_shared>>)
    %add3A_84 = arith.constant 9728 : i32
    %add3A_85 = arith.addi %add3A_4, %add3A_84 : i32
    %dma_wait3A_86 = tpu.memref_slice %arg2[%add3A_85] : memref<640000xi32, #tpu.memory_space<hbm>> -> memref<128xi32, #tpu.memory_space<hbm>>
    %dma_wait3A_87 = tpu.memref_slice %arg2[%add3A_85] : memref<640000xi32, #tpu.memory_space<hbm>> -> memref<128xi32, #tpu.memory_space<hbm>>
    tpu.wait_dma2 semaphore(%arg20 : memref<!tpu.dma_semaphore, #tpu.memory_space<semaphore_mem>>) src(%dma_wait3A_87 : memref<128xi32, #tpu.memory_space<hbm>>) dst(%arg10 : memref<128xi32, #tpu.memory_space<vmem>>)
    %dma_start3A_88 = arith.constant 0 : i32
    %dma_start3A_89 = arith.constant 0 : i32
    %dma_start3A_90 = tpu.memref_slice %arg15[%dma_start3A_88, %dma_start3A_89] : memref<10000x16xf32, #tpu.memory_space<vmem_shared>> -> memref<10000x16xf32, #tpu.memory_space<vmem_shared>>
    tpu.enqueue_indirect_dma source(%arg5 : memref<128x16xf32, #tpu.memory_space<vmem>>) target(%dma_start3A_90 : memref<10000x16xf32, #tpu.memory_space<vmem_shared>>) offsets(%arg10 : memref<128xi32, #tpu.memory_space<vmem>>) semaphore(%arg24 : memref<!tpu.dma_semaphore, #tpu.memory_space<semaphore_mem>>) {add = true}
    %dma_wait3A_91 = arith.constant 0 : i32
    %dma_wait3A_92 = arith.constant 0 : i32
    %dma_wait3A_93 = tpu.memref_slice %arg15[%dma_wait3A_91, %dma_wait3A_92] : memref<10000x16xf32, #tpu.memory_space<vmem_shared>> -> memref<10000x16xf32, #tpu.memory_space<vmem_shared>>
    tpu.wait_indirect_dma semaphore(%arg24 : memref<!tpu.dma_semaphore, #tpu.memory_space<semaphore_mem>>) src(%arg5 : memref<128x16xf32, #tpu.memory_space<vmem>>) dst(%dma_wait3A_93 : memref<10000x16xf32, #tpu.memory_space<vmem_shared>>)
    %add3A_94 = arith.constant 9856 : i32
    %add3A_95 = arith.addi %add3A_4, %add3A_94 : i32
    %dma_wait3A_96 = tpu.memref_slice %arg2[%add3A_95] : memref<640000xi32, #tpu.memory_space<hbm>> -> memref<128xi32, #tpu.memory_space<hbm>>
    %dma_wait3A_97 = tpu.memref_slice %arg2[%add3A_95] : memref<640000xi32, #tpu.memory_space<hbm>> -> memref<128xi32, #tpu.memory_space<hbm>>
    tpu.wait_dma2 semaphore(%arg21 : memref<!tpu.dma_semaphore, #tpu.memory_space<semaphore_mem>>) src(%dma_wait3A_97 : memref<128xi32, #tpu.memory_space<hbm>>) dst(%arg11 : memref<128xi32, #tpu.memory_space<vmem>>)
    %dma_start3A_98 = arith.constant 0 : i32
    %dma_start3A_99 = arith.constant 0 : i32
    %dma_start3A_100 = tpu.memref_slice %arg15[%dma_start3A_98, %dma_start3A_99] : memref<10000x16xf32, #tpu.memory_space<vmem_shared>> -> memref<10000x16xf32, #tpu.memory_space<vmem_shared>>
    tpu.enqueue_indirect_dma source(%arg5 : memref<128x16xf32, #tpu.memory_space<vmem>>) target(%dma_start3A_100 : memref<10000x16xf32, #tpu.memory_space<vmem_shared>>) offsets(%arg11 : memref<128xi32, #tpu.memory_space<vmem>>) semaphore(%arg24 : memref<!tpu.dma_semaphore, #tpu.memory_space<semaphore_mem>>) {add = true}
    %dma_wait3A_101 = arith.constant 0 : i32
    %dma_wait3A_102 = arith.constant 0 : i32
    %dma_wait3A_103 = tpu.memref_slice %arg15[%dma_wait3A_101, %dma_wait3A_102] : memref<10000x16xf32, #tpu.memory_space<vmem_shared>> -> memref<10000x16xf32, #tpu.memory_space<vmem_shared>>
    tpu.wait_indirect_dma semaphore(%arg24 : memref<!tpu.dma_semaphore, #tpu.memory_space<semaphore_mem>>) src(%arg5 : memref<128x16xf32, #tpu.memory_space<vmem>>) dst(%dma_wait3A_103 : memref<10000x16xf32, #tpu.memory_space<vmem_shared>>)
    %dma_wait3A_104 = arith.constant 0 : i32
    %dma_wait3A_105 = arith.constant 0 : i32
    %dma_wait3A_106 = tpu.memref_slice %arg15[%dma_wait3A_104, %dma_wait3A_105] : memref<10000x16xf32, #tpu.memory_space<vmem_shared>> -> memref<10000x16xf32, #tpu.memory_space<vmem_shared>>
    tpu.wait_indirect_dma semaphore(%arg24 : memref<!tpu.dma_semaphore, #tpu.memory_space<semaphore_mem>>) src(%arg5 : memref<128x16xf32, #tpu.memory_space<vmem>>) dst(%dma_wait3A_106 : memref<10000x16xf32, #tpu.memory_space<vmem_shared>>)
    %dma_wait3A_107 = arith.constant 0 : i32
    %dma_wait3A_108 = arith.constant 0 : i32
    %dma_wait3A_109 = tpu.memref_slice %arg15[%dma_wait3A_107, %dma_wait3A_108] : memref<10000x16xf32, #tpu.memory_space<vmem_shared>> -> memref<10000x16xf32, #tpu.memory_space<vmem_shared>>
    tpu.wait_indirect_dma semaphore(%arg24 : memref<!tpu.dma_semaphore, #tpu.memory_space<semaphore_mem>>) src(%arg5 : memref<128x16xf32, #tpu.memory_space<vmem>>) dst(%dma_wait3A_109 : memref<10000x16xf32, #tpu.memory_space<vmem_shared>>)
    %dma_wait3A_110 = arith.constant 0 : i32
    %dma_wait3A_111 = arith.constant 0 : i32
    %dma_wait3A_112 = tpu.memref_slice %arg15[%dma_wait3A_110, %dma_wait3A_111] : memref<10000x16xf32, #tpu.memory_space<vmem_shared>> -> memref<10000x16xf32, #tpu.memory_space<vmem_shared>>
    tpu.wait_indirect_dma semaphore(%arg24 : memref<!tpu.dma_semaphore, #tpu.memory_space<semaphore_mem>>) src(%arg5 : memref<128x16xf32, #tpu.memory_space<vmem>>) dst(%dma_wait3A_112 : memref<10000x16xf32, #tpu.memory_space<vmem_shared>>)
    %dma_wait3A_113 = arith.constant 0 : i32
    %dma_wait3A_114 = arith.constant 0 : i32
    %dma_wait3A_115 = tpu.memref_slice %arg15[%dma_wait3A_113, %dma_wait3A_114] : memref<10000x16xf32, #tpu.memory_space<vmem_shared>> -> memref<10000x16xf32, #tpu.memory_space<vmem_shared>>
    tpu.wait_indirect_dma semaphore(%arg24 : memref<!tpu.dma_semaphore, #tpu.memory_space<semaphore_mem>>) src(%arg5 : memref<128x16xf32, #tpu.memory_space<vmem>>) dst(%dma_wait3A_115 : memref<10000x16xf32, #tpu.memory_space<vmem_shared>>)
    %add3A_116 = arith.constant 9984 : i32
    %add3A_117 = arith.addi %add3A_4, %add3A_116 : i32
    "tpu.region"() ({
      %run_scoped3A = tpu.sem_alloc : memref<!tpu.dma_semaphore, #tpu.memory_space<semaphore_mem>>
      %dma_start3A_128 = tpu.memref_slice %arg2[%add3A_117] : memref<640000xi32, #tpu.memory_space<hbm>> -> memref<16xi32, #tpu.memory_space<hbm>>
      %dma_start3A_129 = tpu.memref_slice %arg2[%add3A_117] : memref<640000xi32, #tpu.memory_space<hbm>> -> memref<16xi32, #tpu.memory_space<hbm>>
      tpu.enqueue_dma source(%dma_start3A_129 : memref<16xi32, #tpu.memory_space<hbm>>) target(%arg14 : memref<16xi32, #tpu.memory_space<vmem>>) target_semaphore(%run_scoped3A : memref<!tpu.dma_semaphore, #tpu.memory_space<semaphore_mem>>)
      %dma_wait3A_130 = tpu.memref_slice %arg2[%add3A_117] : memref<640000xi32, #tpu.memory_space<hbm>> -> memref<16xi32, #tpu.memory_space<hbm>>
      %dma_wait3A_131 = tpu.memref_slice %arg2[%add3A_117] : memref<640000xi32, #tpu.memory_space<hbm>> -> memref<16xi32, #tpu.memory_space<hbm>>
      tpu.wait_dma2 semaphore(%run_scoped3A : memref<!tpu.dma_semaphore, #tpu.memory_space<semaphore_mem>>) src(%dma_wait3A_131 : memref<16xi32, #tpu.memory_space<hbm>>) dst(%arg14 : memref<16xi32, #tpu.memory_space<vmem>>)
      tpu.yield
    }) : () -> ()
    "tpu.region"() ({
      %run_scoped3A = tpu.sem_alloc : memref<!tpu.dma_semaphore, #tpu.memory_space<semaphore_mem>>
      %dma_start3A_128 = arith.constant 0 : i32
      %dma_start3A_129 = arith.constant 0 : i32
      %dma_start3A_130 = tpu.memref_slice %arg5[%dma_start3A_128, %dma_start3A_129] : memref<128x16xf32, #tpu.memory_space<vmem>> -> memref<16x16xf32, #tpu.memory_space<vmem>>
      %dma_start3A_131 = arith.constant 0 : i32
      %dma_start3A_132 = arith.constant 0 : i32
      %dma_start3A_133 = tpu.memref_slice %arg15[%dma_start3A_131, %dma_start3A_132] : memref<10000x16xf32, #tpu.memory_space<vmem_shared>> -> memref<10000x16xf32, #tpu.memory_space<vmem_shared>>
      tpu.enqueue_indirect_dma source(%dma_start3A_130 : memref<16x16xf32, #tpu.memory_space<vmem>>) target(%dma_start3A_133 : memref<10000x16xf32, #tpu.memory_space<vmem_shared>>) offsets(%arg14 : memref<16xi32, #tpu.memory_space<vmem>>) semaphore(%run_scoped3A : memref<!tpu.dma_semaphore, #tpu.memory_space<semaphore_mem>>) {add = true}
      %dma_wait3A_134 = arith.constant 0 : i32
      %dma_wait3A_135 = arith.constant 0 : i32
      %dma_wait3A_136 = tpu.memref_slice %arg5[%dma_wait3A_134, %dma_wait3A_135] : memref<128x16xf32, #tpu.memory_space<vmem>> -> memref<16x16xf32, #tpu.memory_space<vmem>>
      %dma_wait3A_137 = arith.constant 0 : i32
      %dma_wait3A_138 = arith.constant 0 : i32
      %dma_wait3A_139 = tpu.memref_slice %arg15[%dma_wait3A_137, %dma_wait3A_138] : memref<10000x16xf32, #tpu.memory_space<vmem_shared>> -> memref<10000x16xf32, #tpu.memory_space<vmem_shared>>
      tpu.wait_indirect_dma semaphore(%run_scoped3A : memref<!tpu.dma_semaphore, #tpu.memory_space<semaphore_mem>>) src(%dma_wait3A_136 : memref<16x16xf32, #tpu.memory_space<vmem>>) dst(%dma_wait3A_139 : memref<10000x16xf32, #tpu.memory_space<vmem_shared>>)
      tpu.yield
    }) : () -> ()
    %barrier3A_118 = arith.constant 0 : index
    tpu.barrier barrier_id(%barrier3A_118)
    %mul3A_119 = arith.constant 624 : i32
    %mul3A_120 = arith.muli %arg1, %mul3A_119 : i32
    %mul3A_121 = arith.constant 624 : i32
    %mul3A_122 = arith.muli %arg1, %mul3A_121 : i32
    "tpu.region"() ({
      %run_scoped3A = tpu.sem_alloc : memref<!tpu.dma_semaphore, #tpu.memory_space<semaphore_mem>>
      %dma_start3A_128 = arith.constant 0 : i32
      %dma_start3A_129 = tpu.memref_slice %arg4[%arg0, %mul3A_122, %dma_start3A_128] : memref<2x10000x16xf32, #tpu.memory_space<hbm>> -> memref<1x624x16xf32, #tpu.memory_space<hbm>>
      %dma_start3A_130 = tpu.memref_squeeze %dma_start3A_129 : memref<1x624x16xf32, #tpu.memory_space<hbm>> -> memref<624x16xf32, #tpu.memory_space<hbm>>
      %dma_start3A_131 = arith.constant 0 : i32
      %dma_start3A_132 = tpu.memref_slice %arg15[%mul3A_120, %dma_start3A_131] : memref<10000x16xf32, #tpu.memory_space<vmem_shared>> -> memref<624x16xf32, #tpu.memory_space<vmem_shared>>
      tpu.enqueue_dma source(%dma_start3A_132 : memref<624x16xf32, #tpu.memory_space<vmem_shared>>) target(%dma_start3A_130 : memref<624x16xf32, #tpu.memory_space<hbm>>) target_semaphore(%run_scoped3A : memref<!tpu.dma_semaphore, #tpu.memory_space<semaphore_mem>>)
      %dma_wait3A_133 = arith.constant 0 : i32
      %dma_wait3A_134 = tpu.memref_slice %arg4[%arg0, %mul3A_122, %dma_wait3A_133] : memref<2x10000x16xf32, #tpu.memory_space<hbm>> -> memref<1x624x16xf32, #tpu.memory_space<hbm>>
      %dma_wait3A_135 = tpu.memref_squeeze %dma_wait3A_134 : memref<1x624x16xf32, #tpu.memory_space<hbm>> -> memref<624x16xf32, #tpu.memory_space<hbm>>
      %dma_wait3A_136 = arith.constant 0 : i32
      %dma_wait3A_137 = tpu.memref_slice %arg15[%mul3A_120, %dma_wait3A_136] : memref<10000x16xf32, #tpu.memory_space<vmem_shared>> -> memref<624x16xf32, #tpu.memory_space<vmem_shared>>
      tpu.wait_dma2 semaphore(%run_scoped3A : memref<!tpu.dma_semaphore, #tpu.memory_space<semaphore_mem>>) src(%dma_wait3A_137 : memref<624x16xf32, #tpu.memory_space<vmem_shared>>) dst(%dma_wait3A_135 : memref<624x16xf32, #tpu.memory_space<hbm>>)
      tpu.yield
    }) : () -> ()
    %eq3A_123 = arith.constant 15 : i32
    %eq3A_124 = arith.cmpi eq, %arg1, %eq3A_123 : i32
    %convert_element_type3A_125 = arith.extui %eq3A_124 : i1 to i32
    %cond3A_126 = arith.constant 0 : i32
    %cond3A_127 = arith.cmpi ne, %convert_element_type3A_125, %cond3A_126 : i32
    scf.if %cond3A_127 {
      "tpu.region"() ({
        %run_scoped3A = tpu.sem_alloc : memref<!tpu.dma_semaphore, #tpu.memory_space<semaphore_mem>>
        %dma_start3A_128 = arith.constant 9984 : i32
        %dma_start3A_129 = arith.constant 0 : i32
        %dma_start3A_130 = tpu.memref_slice %arg4[%arg0, %dma_start3A_128, %dma_start3A_129] : memref<2x10000x16xf32, #tpu.memory_space<hbm>> -> memref<1x16x16xf32, #tpu.memory_space<hbm>>
        %dma_start3A_131 = tpu.memref_squeeze %dma_start3A_130 : memref<1x16x16xf32, #tpu.memory_space<hbm>> -> memref<16x16xf32, #tpu.memory_space<hbm>>
        %dma_start3A_132 = arith.constant 9984 : i32
        %dma_start3A_133 = arith.constant 0 : i32
        %dma_start3A_134 = tpu.memref_slice %arg15[%dma_start3A_132, %dma_start3A_133] : memref<10000x16xf32, #tpu.memory_space<vmem_shared>> -> memref<16x16xf32, #tpu.memory_space<vmem_shared>>
        tpu.enqueue_dma source(%dma_start3A_134 : memref<16x16xf32, #tpu.memory_space<vmem_shared>>) target(%dma_start3A_131 : memref<16x16xf32, #tpu.memory_space<hbm>>) target_semaphore(%run_scoped3A : memref<!tpu.dma_semaphore, #tpu.memory_space<semaphore_mem>>)
        %dma_wait3A_135 = arith.constant 9984 : i32
        %dma_wait3A_136 = arith.constant 0 : i32
        %dma_wait3A_137 = tpu.memref_slice %arg4[%arg0, %dma_wait3A_135, %dma_wait3A_136] : memref<2x10000x16xf32, #tpu.memory_space<hbm>> -> memref<1x16x16xf32, #tpu.memory_space<hbm>>
        %dma_wait3A_138 = tpu.memref_squeeze %dma_wait3A_137 : memref<1x16x16xf32, #tpu.memory_space<hbm>> -> memref<16x16xf32, #tpu.memory_space<hbm>>
        %dma_wait3A_139 = arith.constant 9984 : i32
        %dma_wait3A_140 = arith.constant 0 : i32
        %dma_wait3A_141 = tpu.memref_slice %arg15[%dma_wait3A_139, %dma_wait3A_140] : memref<10000x16xf32, #tpu.memory_space<vmem_shared>> -> memref<16x16xf32, #tpu.memory_space<vmem_shared>>
        tpu.wait_dma2 semaphore(%run_scoped3A : memref<!tpu.dma_semaphore, #tpu.memory_space<semaphore_mem>>) src(%dma_wait3A_141 : memref<16x16xf32, #tpu.memory_space<vmem_shared>>) dst(%dma_wait3A_138 : memref<16x16xf32, #tpu.memory_space<hbm>>)
        tpu.yield
      }) : () -> ()
    } else {
    }
    return
  }
}

#map = affine_map<(d0, d1) -> (0)>
#map1 = affine_map<(d0, d1) -> (0, 0)>
#map2 = affine_map<(d0, d1) -> (0, 0, 0)>
module attributes {stable_mosaic.version = 14 : i64} {
  func.func @_scatter_kernel(%arg0: i32, %arg1: i32, %arg2: memref<640000xi32, #tpu.memory_space<hbm>>, %arg3: memref<10000x128xf32, #tpu.memory_space<hbm>>, %arg4: memref<10000x128xf32, #tpu.memory_space<hbm>>, %arg5: memref<2x10000x128xf32, #tpu.memory_space<hbm>>, %arg6: memref<104xi32, #tpu.memory_space<vmem>>, %arg7: memref<104xi32, #tpu.memory_space<vmem>>, %arg8: memref<104xi32, #tpu.memory_space<vmem>>, %arg9: memref<104xi32, #tpu.memory_space<vmem>>, %arg10: memref<104xi32, #tpu.memory_space<vmem>>, %arg11: memref<104xi32, #tpu.memory_space<vmem>>, %arg12: memref<104xi32, #tpu.memory_space<vmem>>, %arg13: memref<104xi32, #tpu.memory_space<vmem>>, %arg14: memref<104xi32, #tpu.memory_space<vmem>>, %arg15: memref<104xi32, #tpu.memory_space<vmem>>, %arg16: memref<104xi32, #tpu.memory_space<vmem>>, %arg17: memref<104xi32, #tpu.memory_space<vmem>>, %arg18: memref<104x128xf32, #tpu.memory_space<vmem>>, %arg19: memref<104x128xf32, #tpu.memory_space<vmem>>, %arg20: memref<104x128xf32, #tpu.memory_space<vmem>>, %arg21: memref<16xi32, #tpu.memory_space<vmem>>, %arg22: memref<16xi32, #tpu.memory_space<vmem>>, %arg23: memref<16x128xf32, #tpu.memory_space<vmem>>, %arg24: memref<10000x128xf32, #tpu.memory_space<vmem_shared>>, %arg25: memref<!tpu.dma_semaphore, #tpu.memory_space<semaphore_mem>>, %arg26: memref<!tpu.dma_semaphore, #tpu.memory_space<semaphore_mem>>, %arg27: memref<!tpu.dma_semaphore, #tpu.memory_space<semaphore_mem>>, %arg28: memref<!tpu.dma_semaphore, #tpu.memory_space<semaphore_mem>>, %arg29: memref<!tpu.dma_semaphore, #tpu.memory_space<semaphore_mem>>, %arg30: memref<!tpu.dma_semaphore, #tpu.memory_space<semaphore_mem>>, %arg31: memref<!tpu.dma_semaphore, #tpu.memory_space<semaphore_mem>>, %arg32: memref<!tpu.dma_semaphore, #tpu.memory_space<semaphore_mem>>, %arg33: memref<!tpu.dma_semaphore, #tpu.memory_space<semaphore_mem>>, %arg34: memref<!tpu.dma_semaphore, #tpu.memory_space<semaphore_mem>>, %arg35: memref<!tpu.dma_semaphore, #tpu.memory_space<semaphore_mem>>, %arg36: memref<!tpu.dma_semaphore, #tpu.memory_space<semaphore_mem>>) attributes {dimension_semantics = [#tpu.dimension_semantics<core_parallel>, #tpu.dimension_semantics<subcore_parallel>], iteration_bounds = array<i64: 2, 16>, scalar_prefetch = 0 : i64, scratch_operands = 31 : i64, tpu.core_type = #tpu.core_type<sc_vector_subcore>, window_params = [{transform_indices = #map}, {transform_indices = #map1}, {transform_indices = #map1}, {transform_indices = #map2}]} {
    %mul3A = arith.constant 16 : i32
    %mul3A_0 = arith.muli %arg0, %mul3A : i32
    %add3A = arith.addi %mul3A_0, %arg1 : i32
    %mul3A_1 = arith.constant 10000 : i32
    %mul3A_2 = arith.muli %add3A, %mul3A_1 : i32
    %mul3A_3 = arith.constant 624 : i32
    %mul3A_4 = arith.muli %arg1, %mul3A_3 : i32
    %mul3A_5 = arith.constant 624 : i32
    %mul3A_6 = arith.muli %arg1, %mul3A_5 : i32
    "tpu.region"() ({
      %run_scoped3A = tpu.sem_alloc : memref<!tpu.dma_semaphore, #tpu.memory_space<semaphore_mem>>
      %dma_start3A_83 = arith.constant 0 : i32
      %dma_start3A_84 = tpu.memref_slice %arg24[%mul3A_6, %dma_start3A_83] : memref<10000x128xf32, #tpu.memory_space<vmem_shared>> -> memref<624x128xf32, #tpu.memory_space<vmem_shared>>
      %dma_start3A_85 = arith.constant 0 : i32
      %dma_start3A_86 = tpu.memref_slice %arg4[%mul3A_4, %dma_start3A_85] : memref<10000x128xf32, #tpu.memory_space<hbm>> -> memref<624x128xf32, #tpu.memory_space<hbm>>
      tpu.enqueue_dma source(%dma_start3A_86 : memref<624x128xf32, #tpu.memory_space<hbm>>) target(%dma_start3A_84 : memref<624x128xf32, #tpu.memory_space<vmem_shared>>) target_semaphore(%run_scoped3A : memref<!tpu.dma_semaphore, #tpu.memory_space<semaphore_mem>>)
      %dma_wait3A_87 = arith.constant 0 : i32
      %dma_wait3A_88 = tpu.memref_slice %arg24[%mul3A_6, %dma_wait3A_87] : memref<10000x128xf32, #tpu.memory_space<vmem_shared>> -> memref<624x128xf32, #tpu.memory_space<vmem_shared>>
      %dma_wait3A_89 = arith.constant 0 : i32
      %dma_wait3A_90 = tpu.memref_slice %arg4[%mul3A_4, %dma_wait3A_89] : memref<10000x128xf32, #tpu.memory_space<hbm>> -> memref<624x128xf32, #tpu.memory_space<hbm>>
      tpu.wait_dma2 semaphore(%run_scoped3A : memref<!tpu.dma_semaphore, #tpu.memory_space<semaphore_mem>>) src(%dma_wait3A_90 : memref<624x128xf32, #tpu.memory_space<hbm>>) dst(%dma_wait3A_88 : memref<624x128xf32, #tpu.memory_space<vmem_shared>>)
      tpu.yield
    }) : () -> ()
    %eq3A = arith.constant 15 : i32
    %eq3A_7 = arith.cmpi eq, %arg1, %eq3A : i32
    %convert_element_type3A = arith.extui %eq3A_7 : i1 to i32
    %cond3A = arith.constant 0 : i32
    %cond3A_8 = arith.cmpi ne, %convert_element_type3A, %cond3A : i32
    scf.if %cond3A_8 {
      "tpu.region"() ({
        %run_scoped3A = tpu.sem_alloc : memref<!tpu.dma_semaphore, #tpu.memory_space<semaphore_mem>>
        %dma_start3A_83 = arith.constant 9984 : i32
        %dma_start3A_84 = arith.constant 0 : i32
        %dma_start3A_85 = tpu.memref_slice %arg24[%dma_start3A_83, %dma_start3A_84] : memref<10000x128xf32, #tpu.memory_space<vmem_shared>> -> memref<16x128xf32, #tpu.memory_space<vmem_shared>>
        %dma_start3A_86 = arith.constant 9984 : i32
        %dma_start3A_87 = arith.constant 0 : i32
        %dma_start3A_88 = tpu.memref_slice %arg4[%dma_start3A_86, %dma_start3A_87] : memref<10000x128xf32, #tpu.memory_space<hbm>> -> memref<16x128xf32, #tpu.memory_space<hbm>>
        tpu.enqueue_dma source(%dma_start3A_88 : memref<16x128xf32, #tpu.memory_space<hbm>>) target(%dma_start3A_85 : memref<16x128xf32, #tpu.memory_space<vmem_shared>>) target_semaphore(%run_scoped3A : memref<!tpu.dma_semaphore, #tpu.memory_space<semaphore_mem>>)
        %dma_wait3A_89 = arith.constant 9984 : i32
        %dma_wait3A_90 = arith.constant 0 : i32
        %dma_wait3A_91 = tpu.memref_slice %arg24[%dma_wait3A_89, %dma_wait3A_90] : memref<10000x128xf32, #tpu.memory_space<vmem_shared>> -> memref<16x128xf32, #tpu.memory_space<vmem_shared>>
        %dma_wait3A_92 = arith.constant 9984 : i32
        %dma_wait3A_93 = arith.constant 0 : i32
        %dma_wait3A_94 = tpu.memref_slice %arg4[%dma_wait3A_92, %dma_wait3A_93] : memref<10000x128xf32, #tpu.memory_space<hbm>> -> memref<16x128xf32, #tpu.memory_space<hbm>>
        tpu.wait_dma2 semaphore(%run_scoped3A : memref<!tpu.dma_semaphore, #tpu.memory_space<semaphore_mem>>) src(%dma_wait3A_94 : memref<16x128xf32, #tpu.memory_space<hbm>>) dst(%dma_wait3A_91 : memref<16x128xf32, #tpu.memory_space<vmem_shared>>)
        tpu.yield
      }) : () -> ()
    } else {
    }
    %barrier3A = arith.constant 0 : index
    tpu.barrier barrier_id(%barrier3A)
    %add3A_9 = arith.constant 0 : i32
    %add3A_10 = arith.addi %mul3A_2, %add3A_9 : i32
    %dma_start3A = tpu.memref_slice %arg2[%add3A_10] : memref<640000xi32, #tpu.memory_space<hbm>> -> memref<104xi32, #tpu.memory_space<hbm>>
    %dma_start3A_11 = tpu.memref_slice %arg2[%add3A_10] : memref<640000xi32, #tpu.memory_space<hbm>> -> memref<104xi32, #tpu.memory_space<hbm>>
    tpu.enqueue_dma source(%dma_start3A_11 : memref<104xi32, #tpu.memory_space<hbm>>) target(%arg6 : memref<104xi32, #tpu.memory_space<vmem>>) target_semaphore(%arg25 : memref<!tpu.dma_semaphore, #tpu.memory_space<semaphore_mem>>)
    %add3A_12 = arith.constant 320000 : i32
    %add3A_13 = arith.addi %add3A_12, %mul3A_2 : i32
    %add3A_14 = arith.constant 0 : i32
    %add3A_15 = arith.addi %add3A_13, %add3A_14 : i32
    %dma_start3A_16 = tpu.memref_slice %arg2[%add3A_15] : memref<640000xi32, #tpu.memory_space<hbm>> -> memref<104xi32, #tpu.memory_space<hbm>>
    %dma_start3A_17 = tpu.memref_slice %arg2[%add3A_15] : memref<640000xi32, #tpu.memory_space<hbm>> -> memref<104xi32, #tpu.memory_space<hbm>>
    tpu.enqueue_dma source(%dma_start3A_17 : memref<104xi32, #tpu.memory_space<hbm>>) target(%arg12 : memref<104xi32, #tpu.memory_space<vmem>>) target_semaphore(%arg25 : memref<!tpu.dma_semaphore, #tpu.memory_space<semaphore_mem>>)
    %add3A_18 = arith.constant 104 : i32
    %add3A_19 = arith.addi %mul3A_2, %add3A_18 : i32
    %dma_start3A_20 = tpu.memref_slice %arg2[%add3A_19] : memref<640000xi32, #tpu.memory_space<hbm>> -> memref<104xi32, #tpu.memory_space<hbm>>
    %dma_start3A_21 = tpu.memref_slice %arg2[%add3A_19] : memref<640000xi32, #tpu.memory_space<hbm>> -> memref<104xi32, #tpu.memory_space<hbm>>
    tpu.enqueue_dma source(%dma_start3A_21 : memref<104xi32, #tpu.memory_space<hbm>>) target(%arg7 : memref<104xi32, #tpu.memory_space<vmem>>) target_semaphore(%arg26 : memref<!tpu.dma_semaphore, #tpu.memory_space<semaphore_mem>>)
    %add3A_22 = arith.constant 320000 : i32
    %add3A_23 = arith.addi %add3A_22, %mul3A_2 : i32
    %add3A_24 = arith.constant 104 : i32
    %add3A_25 = arith.addi %add3A_23, %add3A_24 : i32
    %dma_start3A_26 = tpu.memref_slice %arg2[%add3A_25] : memref<640000xi32, #tpu.memory_space<hbm>> -> memref<104xi32, #tpu.memory_space<hbm>>
    %dma_start3A_27 = tpu.memref_slice %arg2[%add3A_25] : memref<640000xi32, #tpu.memory_space<hbm>> -> memref<104xi32, #tpu.memory_space<hbm>>
    tpu.enqueue_dma source(%dma_start3A_27 : memref<104xi32, #tpu.memory_space<hbm>>) target(%arg13 : memref<104xi32, #tpu.memory_space<vmem>>) target_semaphore(%arg26 : memref<!tpu.dma_semaphore, #tpu.memory_space<semaphore_mem>>)
    %add3A_28 = arith.constant 208 : i32
    %add3A_29 = arith.addi %mul3A_2, %add3A_28 : i32
    %dma_start3A_30 = tpu.memref_slice %arg2[%add3A_29] : memref<640000xi32, #tpu.memory_space<hbm>> -> memref<104xi32, #tpu.memory_space<hbm>>
    %dma_start3A_31 = tpu.memref_slice %arg2[%add3A_29] : memref<640000xi32, #tpu.memory_space<hbm>> -> memref<104xi32, #tpu.memory_space<hbm>>
    tpu.enqueue_dma source(%dma_start3A_31 : memref<104xi32, #tpu.memory_space<hbm>>) target(%arg8 : memref<104xi32, #tpu.memory_space<vmem>>) target_semaphore(%arg27 : memref<!tpu.dma_semaphore, #tpu.memory_space<semaphore_mem>>)
    %add3A_32 = arith.constant 320000 : i32
    %add3A_33 = arith.addi %add3A_32, %mul3A_2 : i32
    %add3A_34 = arith.constant 208 : i32
    %add3A_35 = arith.addi %add3A_33, %add3A_34 : i32
    %dma_start3A_36 = tpu.memref_slice %arg2[%add3A_35] : memref<640000xi32, #tpu.memory_space<hbm>> -> memref<104xi32, #tpu.memory_space<hbm>>
    %dma_start3A_37 = tpu.memref_slice %arg2[%add3A_35] : memref<640000xi32, #tpu.memory_space<hbm>> -> memref<104xi32, #tpu.memory_space<hbm>>
    tpu.enqueue_dma source(%dma_start3A_37 : memref<104xi32, #tpu.memory_space<hbm>>) target(%arg14 : memref<104xi32, #tpu.memory_space<vmem>>) target_semaphore(%arg27 : memref<!tpu.dma_semaphore, #tpu.memory_space<semaphore_mem>>)
    %scan3A = arith.constant 0 : i32
    %scan3A_38 = arith.constant 0 : i32
    %scan3A_39 = arith.constant 16 : i32
    %scan3A_40 = arith.addi %scan3A_38, %scan3A_39 : i32
    %scan3A_41 = arith.constant 1 : i32
    scf.for %scan3A_83 = %scan3A_38 to %scan3A_40 step %scan3A_41  : i32 {
      %mul3A_84 = arith.constant 6 : i32
      %mul3A_85 = arith.muli %mul3A_84, %scan3A_83 : i32
      %add3A_86 = arith.constant 0 : i32
      %add3A_87 = arith.addi %mul3A_85, %add3A_86 : i32
      %mul3A_88 = arith.constant 104 : i32
      %mul3A_89 = arith.muli %add3A_87, %mul3A_88 : i32
      %add3A_90 = arith.addi %mul3A_2, %mul3A_89 : i32
      %dma_wait3A_91 = tpu.memref_slice %arg2[%add3A_90] : memref<640000xi32, #tpu.memory_space<hbm>> -> memref<104xi32, #tpu.memory_space<hbm>>
      %dma_wait3A_92 = tpu.memref_slice %arg2[%add3A_90] : memref<640000xi32, #tpu.memory_space<hbm>> -> memref<104xi32, #tpu.memory_space<hbm>>
      tpu.wait_dma2 semaphore(%arg25 : memref<!tpu.dma_semaphore, #tpu.memory_space<semaphore_mem>>) src(%dma_wait3A_92 : memref<104xi32, #tpu.memory_space<hbm>>) dst(%arg6 : memref<104xi32, #tpu.memory_space<vmem>>)
      %add3A_93 = arith.constant 320000 : i32
      %add3A_94 = arith.addi %add3A_93, %mul3A_2 : i32
      %mul3A_95 = arith.constant 104 : i32
      %mul3A_96 = arith.muli %add3A_87, %mul3A_95 : i32
      %add3A_97 = arith.addi %add3A_94, %mul3A_96 : i32
      %dma_wait3A_98 = tpu.memref_slice %arg2[%add3A_97] : memref<640000xi32, #tpu.memory_space<hbm>> -> memref<104xi32, #tpu.memory_space<hbm>>
      %dma_wait3A_99 = tpu.memref_slice %arg2[%add3A_97] : memref<640000xi32, #tpu.memory_space<hbm>> -> memref<104xi32, #tpu.memory_space<hbm>>
      tpu.wait_dma2 semaphore(%arg25 : memref<!tpu.dma_semaphore, #tpu.memory_space<semaphore_mem>>) src(%dma_wait3A_99 : memref<104xi32, #tpu.memory_space<hbm>>) dst(%arg12 : memref<104xi32, #tpu.memory_space<vmem>>)
      %ge3A = arith.constant 3 : i32
      %ge3A_100 = arith.cmpi sge, %add3A_87, %ge3A : i32
      %convert_element_type3A_101 = arith.extui %ge3A_100 : i1 to i32
      %cond3A_102 = arith.constant 0 : i32
      %cond3A_103 = arith.cmpi ne, %convert_element_type3A_101, %cond3A_102 : i32
      scf.if %cond3A_103 {
        %dma_wait3A_298 = arith.constant 0 : i32
        %dma_wait3A_299 = arith.constant 0 : i32
        %dma_wait3A_300 = tpu.memref_slice %arg24[%dma_wait3A_298, %dma_wait3A_299] : memref<10000x128xf32, #tpu.memory_space<vmem_shared>> -> memref<10000x128xf32, #tpu.memory_space<vmem_shared>>
        tpu.wait_indirect_dma semaphore(%arg34 : memref<!tpu.dma_semaphore, #tpu.memory_space<semaphore_mem>>) src(%arg18 : memref<104x128xf32, #tpu.memory_space<vmem>>) dst(%dma_wait3A_300 : memref<10000x128xf32, #tpu.memory_space<vmem_shared>>)
      } else {
      }
      %dma_start3A_104 = arith.constant 0 : i32
      %dma_start3A_105 = arith.constant 0 : i32
      %dma_start3A_106 = tpu.memref_slice %arg3[%dma_start3A_104, %dma_start3A_105] : memref<10000x128xf32, #tpu.memory_space<hbm>> -> memref<10000x128xf32, #tpu.memory_space<hbm>>
      tpu.enqueue_indirect_dma source(%dma_start3A_106 : memref<10000x128xf32, #tpu.memory_space<hbm>>) target(%arg18 : memref<104x128xf32, #tpu.memory_space<vmem>>) offsets(%arg6 : memref<104xi32, #tpu.memory_space<vmem>>) semaphore(%arg31 : memref<!tpu.dma_semaphore, #tpu.memory_space<semaphore_mem>>)
      %add3A_107 = arith.constant 3 : i32
      %add3A_108 = arith.addi %add3A_87, %add3A_107 : i32
      %lt3A = arith.constant 96 : i32
      %lt3A_109 = arith.cmpi slt, %add3A_108, %lt3A : i32
      %convert_element_type3A_110 = arith.extui %lt3A_109 : i1 to i32
      %cond3A_111 = arith.constant 0 : i32
      %cond3A_112 = arith.cmpi ne, %convert_element_type3A_110, %cond3A_111 : i32
      scf.if %cond3A_112 {
        %add3A_298 = arith.constant 3 : i32
        %add3A_299 = arith.addi %add3A_87, %add3A_298 : i32
        %mul3A_300 = arith.constant 104 : i32
        %mul3A_301 = arith.muli %add3A_299, %mul3A_300 : i32
        %add3A_302 = arith.addi %mul3A_2, %mul3A_301 : i32
        %dma_start3A_303 = tpu.memref_slice %arg2[%add3A_302] : memref<640000xi32, #tpu.memory_space<hbm>> -> memref<104xi32, #tpu.memory_space<hbm>>
        %dma_start3A_304 = tpu.memref_slice %arg2[%add3A_302] : memref<640000xi32, #tpu.memory_space<hbm>> -> memref<104xi32, #tpu.memory_space<hbm>>
        tpu.enqueue_dma source(%dma_start3A_304 : memref<104xi32, #tpu.memory_space<hbm>>) target(%arg9 : memref<104xi32, #tpu.memory_space<vmem>>) target_semaphore(%arg28 : memref<!tpu.dma_semaphore, #tpu.memory_space<semaphore_mem>>)
        %add3A_305 = arith.constant 320000 : i32
        %add3A_306 = arith.addi %add3A_305, %mul3A_2 : i32
        %mul3A_307 = arith.constant 104 : i32
        %mul3A_308 = arith.muli %add3A_299, %mul3A_307 : i32
        %add3A_309 = arith.addi %add3A_306, %mul3A_308 : i32
        %dma_start3A_310 = tpu.memref_slice %arg2[%add3A_309] : memref<640000xi32, #tpu.memory_space<hbm>> -> memref<104xi32, #tpu.memory_space<hbm>>
        %dma_start3A_311 = tpu.memref_slice %arg2[%add3A_309] : memref<640000xi32, #tpu.memory_space<hbm>> -> memref<104xi32, #tpu.memory_space<hbm>>
        tpu.enqueue_dma source(%dma_start3A_311 : memref<104xi32, #tpu.memory_space<hbm>>) target(%arg15 : memref<104xi32, #tpu.memory_space<vmem>>) target_semaphore(%arg28 : memref<!tpu.dma_semaphore, #tpu.memory_space<semaphore_mem>>)
      } else {
      }
      %ge3A_113 = arith.constant 2 : i32
      %ge3A_114 = arith.cmpi sge, %add3A_87, %ge3A_113 : i32
      %convert_element_type3A_115 = arith.extui %ge3A_114 : i1 to i32
      %cond3A_116 = arith.constant 0 : i32
      %cond3A_117 = arith.cmpi ne, %convert_element_type3A_115, %cond3A_116 : i32
      scf.if %cond3A_117 {
        %dma_wait3A_298 = arith.constant 0 : i32
        %dma_wait3A_299 = arith.constant 0 : i32
        %dma_wait3A_300 = tpu.memref_slice %arg3[%dma_wait3A_298, %dma_wait3A_299] : memref<10000x128xf32, #tpu.memory_space<hbm>> -> memref<10000x128xf32, #tpu.memory_space<hbm>>
        tpu.wait_indirect_dma semaphore(%arg32 : memref<!tpu.dma_semaphore, #tpu.memory_space<semaphore_mem>>) src(%dma_wait3A_300 : memref<10000x128xf32, #tpu.memory_space<hbm>>) dst(%arg19 : memref<104x128xf32, #tpu.memory_space<vmem>>)
        %dma_start3A_301 = arith.constant 0 : i32
        %dma_start3A_302 = arith.constant 0 : i32
        %dma_start3A_303 = tpu.memref_slice %arg24[%dma_start3A_301, %dma_start3A_302] : memref<10000x128xf32, #tpu.memory_space<vmem_shared>> -> memref<10000x128xf32, #tpu.memory_space<vmem_shared>>
        tpu.enqueue_indirect_dma source(%arg19 : memref<104x128xf32, #tpu.memory_space<vmem>>) target(%dma_start3A_303 : memref<10000x128xf32, #tpu.memory_space<vmem_shared>>) offsets(%arg16 : memref<104xi32, #tpu.memory_space<vmem>>) semaphore(%arg35 : memref<!tpu.dma_semaphore, #tpu.memory_space<semaphore_mem>>) {add = true}
      } else {
      }
      %mul3A_118 = arith.constant 6 : i32
      %mul3A_119 = arith.muli %mul3A_118, %scan3A_83 : i32
      %add3A_120 = arith.constant 1 : i32
      %add3A_121 = arith.addi %mul3A_119, %add3A_120 : i32
      %mul3A_122 = arith.constant 104 : i32
      %mul3A_123 = arith.muli %add3A_121, %mul3A_122 : i32
      %add3A_124 = arith.addi %mul3A_2, %mul3A_123 : i32
      %dma_wait3A_125 = tpu.memref_slice %arg2[%add3A_124] : memref<640000xi32, #tpu.memory_space<hbm>> -> memref<104xi32, #tpu.memory_space<hbm>>
      %dma_wait3A_126 = tpu.memref_slice %arg2[%add3A_124] : memref<640000xi32, #tpu.memory_space<hbm>> -> memref<104xi32, #tpu.memory_space<hbm>>
      tpu.wait_dma2 semaphore(%arg26 : memref<!tpu.dma_semaphore, #tpu.memory_space<semaphore_mem>>) src(%dma_wait3A_126 : memref<104xi32, #tpu.memory_space<hbm>>) dst(%arg7 : memref<104xi32, #tpu.memory_space<vmem>>)
      %add3A_127 = arith.constant 320000 : i32
      %add3A_128 = arith.addi %add3A_127, %mul3A_2 : i32
      %mul3A_129 = arith.constant 104 : i32
      %mul3A_130 = arith.muli %add3A_121, %mul3A_129 : i32
      %add3A_131 = arith.addi %add3A_128, %mul3A_130 : i32
      %dma_wait3A_132 = tpu.memref_slice %arg2[%add3A_131] : memref<640000xi32, #tpu.memory_space<hbm>> -> memref<104xi32, #tpu.memory_space<hbm>>
      %dma_wait3A_133 = tpu.memref_slice %arg2[%add3A_131] : memref<640000xi32, #tpu.memory_space<hbm>> -> memref<104xi32, #tpu.memory_space<hbm>>
      tpu.wait_dma2 semaphore(%arg26 : memref<!tpu.dma_semaphore, #tpu.memory_space<semaphore_mem>>) src(%dma_wait3A_133 : memref<104xi32, #tpu.memory_space<hbm>>) dst(%arg13 : memref<104xi32, #tpu.memory_space<vmem>>)
      %ge3A_134 = arith.constant 3 : i32
      %ge3A_135 = arith.cmpi sge, %add3A_121, %ge3A_134 : i32
      %convert_element_type3A_136 = arith.extui %ge3A_135 : i1 to i32
      %cond3A_137 = arith.constant 0 : i32
      %cond3A_138 = arith.cmpi ne, %convert_element_type3A_136, %cond3A_137 : i32
      scf.if %cond3A_138 {
        %dma_wait3A_298 = arith.constant 0 : i32
        %dma_wait3A_299 = arith.constant 0 : i32
        %dma_wait3A_300 = tpu.memref_slice %arg24[%dma_wait3A_298, %dma_wait3A_299] : memref<10000x128xf32, #tpu.memory_space<vmem_shared>> -> memref<10000x128xf32, #tpu.memory_space<vmem_shared>>
        tpu.wait_indirect_dma semaphore(%arg35 : memref<!tpu.dma_semaphore, #tpu.memory_space<semaphore_mem>>) src(%arg19 : memref<104x128xf32, #tpu.memory_space<vmem>>) dst(%dma_wait3A_300 : memref<10000x128xf32, #tpu.memory_space<vmem_shared>>)
      } else {
      }
      %dma_start3A_139 = arith.constant 0 : i32
      %dma_start3A_140 = arith.constant 0 : i32
      %dma_start3A_141 = tpu.memref_slice %arg3[%dma_start3A_139, %dma_start3A_140] : memref<10000x128xf32, #tpu.memory_space<hbm>> -> memref<10000x128xf32, #tpu.memory_space<hbm>>
      tpu.enqueue_indirect_dma source(%dma_start3A_141 : memref<10000x128xf32, #tpu.memory_space<hbm>>) target(%arg19 : memref<104x128xf32, #tpu.memory_space<vmem>>) offsets(%arg7 : memref<104xi32, #tpu.memory_space<vmem>>) semaphore(%arg32 : memref<!tpu.dma_semaphore, #tpu.memory_space<semaphore_mem>>)
      %add3A_142 = arith.constant 3 : i32
      %add3A_143 = arith.addi %add3A_121, %add3A_142 : i32
      %lt3A_144 = arith.constant 96 : i32
      %lt3A_145 = arith.cmpi slt, %add3A_143, %lt3A_144 : i32
      %convert_element_type3A_146 = arith.extui %lt3A_145 : i1 to i32
      %cond3A_147 = arith.constant 0 : i32
      %cond3A_148 = arith.cmpi ne, %convert_element_type3A_146, %cond3A_147 : i32
      scf.if %cond3A_148 {
        %add3A_298 = arith.constant 3 : i32
        %add3A_299 = arith.addi %add3A_121, %add3A_298 : i32
        %mul3A_300 = arith.constant 104 : i32
        %mul3A_301 = arith.muli %add3A_299, %mul3A_300 : i32
        %add3A_302 = arith.addi %mul3A_2, %mul3A_301 : i32
        %dma_start3A_303 = tpu.memref_slice %arg2[%add3A_302] : memref<640000xi32, #tpu.memory_space<hbm>> -> memref<104xi32, #tpu.memory_space<hbm>>
        %dma_start3A_304 = tpu.memref_slice %arg2[%add3A_302] : memref<640000xi32, #tpu.memory_space<hbm>> -> memref<104xi32, #tpu.memory_space<hbm>>
        tpu.enqueue_dma source(%dma_start3A_304 : memref<104xi32, #tpu.memory_space<hbm>>) target(%arg10 : memref<104xi32, #tpu.memory_space<vmem>>) target_semaphore(%arg29 : memref<!tpu.dma_semaphore, #tpu.memory_space<semaphore_mem>>)
        %add3A_305 = arith.constant 320000 : i32
        %add3A_306 = arith.addi %add3A_305, %mul3A_2 : i32
        %mul3A_307 = arith.constant 104 : i32
        %mul3A_308 = arith.muli %add3A_299, %mul3A_307 : i32
        %add3A_309 = arith.addi %add3A_306, %mul3A_308 : i32
        %dma_start3A_310 = tpu.memref_slice %arg2[%add3A_309] : memref<640000xi32, #tpu.memory_space<hbm>> -> memref<104xi32, #tpu.memory_space<hbm>>
        %dma_start3A_311 = tpu.memref_slice %arg2[%add3A_309] : memref<640000xi32, #tpu.memory_space<hbm>> -> memref<104xi32, #tpu.memory_space<hbm>>
        tpu.enqueue_dma source(%dma_start3A_311 : memref<104xi32, #tpu.memory_space<hbm>>) target(%arg16 : memref<104xi32, #tpu.memory_space<vmem>>) target_semaphore(%arg29 : memref<!tpu.dma_semaphore, #tpu.memory_space<semaphore_mem>>)
      } else {
      }
      %ge3A_149 = arith.constant 2 : i32
      %ge3A_150 = arith.cmpi sge, %add3A_121, %ge3A_149 : i32
      %convert_element_type3A_151 = arith.extui %ge3A_150 : i1 to i32
      %cond3A_152 = arith.constant 0 : i32
      %cond3A_153 = arith.cmpi ne, %convert_element_type3A_151, %cond3A_152 : i32
      scf.if %cond3A_153 {
        %dma_wait3A_298 = arith.constant 0 : i32
        %dma_wait3A_299 = arith.constant 0 : i32
        %dma_wait3A_300 = tpu.memref_slice %arg3[%dma_wait3A_298, %dma_wait3A_299] : memref<10000x128xf32, #tpu.memory_space<hbm>> -> memref<10000x128xf32, #tpu.memory_space<hbm>>
        tpu.wait_indirect_dma semaphore(%arg33 : memref<!tpu.dma_semaphore, #tpu.memory_space<semaphore_mem>>) src(%dma_wait3A_300 : memref<10000x128xf32, #tpu.memory_space<hbm>>) dst(%arg20 : memref<104x128xf32, #tpu.memory_space<vmem>>)
        %dma_start3A_301 = arith.constant 0 : i32
        %dma_start3A_302 = arith.constant 0 : i32
        %dma_start3A_303 = tpu.memref_slice %arg24[%dma_start3A_301, %dma_start3A_302] : memref<10000x128xf32, #tpu.memory_space<vmem_shared>> -> memref<10000x128xf32, #tpu.memory_space<vmem_shared>>
        tpu.enqueue_indirect_dma source(%arg20 : memref<104x128xf32, #tpu.memory_space<vmem>>) target(%dma_start3A_303 : memref<10000x128xf32, #tpu.memory_space<vmem_shared>>) offsets(%arg17 : memref<104xi32, #tpu.memory_space<vmem>>) semaphore(%arg36 : memref<!tpu.dma_semaphore, #tpu.memory_space<semaphore_mem>>) {add = true}
      } else {
      }
      %mul3A_154 = arith.constant 6 : i32
      %mul3A_155 = arith.muli %mul3A_154, %scan3A_83 : i32
      %add3A_156 = arith.constant 2 : i32
      %add3A_157 = arith.addi %mul3A_155, %add3A_156 : i32
      %mul3A_158 = arith.constant 104 : i32
      %mul3A_159 = arith.muli %add3A_157, %mul3A_158 : i32
      %add3A_160 = arith.addi %mul3A_2, %mul3A_159 : i32
      %dma_wait3A_161 = tpu.memref_slice %arg2[%add3A_160] : memref<640000xi32, #tpu.memory_space<hbm>> -> memref<104xi32, #tpu.memory_space<hbm>>
      %dma_wait3A_162 = tpu.memref_slice %arg2[%add3A_160] : memref<640000xi32, #tpu.memory_space<hbm>> -> memref<104xi32, #tpu.memory_space<hbm>>
      tpu.wait_dma2 semaphore(%arg27 : memref<!tpu.dma_semaphore, #tpu.memory_space<semaphore_mem>>) src(%dma_wait3A_162 : memref<104xi32, #tpu.memory_space<hbm>>) dst(%arg8 : memref<104xi32, #tpu.memory_space<vmem>>)
      %add3A_163 = arith.constant 320000 : i32
      %add3A_164 = arith.addi %add3A_163, %mul3A_2 : i32
      %mul3A_165 = arith.constant 104 : i32
      %mul3A_166 = arith.muli %add3A_157, %mul3A_165 : i32
      %add3A_167 = arith.addi %add3A_164, %mul3A_166 : i32
      %dma_wait3A_168 = tpu.memref_slice %arg2[%add3A_167] : memref<640000xi32, #tpu.memory_space<hbm>> -> memref<104xi32, #tpu.memory_space<hbm>>
      %dma_wait3A_169 = tpu.memref_slice %arg2[%add3A_167] : memref<640000xi32, #tpu.memory_space<hbm>> -> memref<104xi32, #tpu.memory_space<hbm>>
      tpu.wait_dma2 semaphore(%arg27 : memref<!tpu.dma_semaphore, #tpu.memory_space<semaphore_mem>>) src(%dma_wait3A_169 : memref<104xi32, #tpu.memory_space<hbm>>) dst(%arg14 : memref<104xi32, #tpu.memory_space<vmem>>)
      %ge3A_170 = arith.constant 3 : i32
      %ge3A_171 = arith.cmpi sge, %add3A_157, %ge3A_170 : i32
      %convert_element_type3A_172 = arith.extui %ge3A_171 : i1 to i32
      %cond3A_173 = arith.constant 0 : i32
      %cond3A_174 = arith.cmpi ne, %convert_element_type3A_172, %cond3A_173 : i32
      scf.if %cond3A_174 {
        %dma_wait3A_298 = arith.constant 0 : i32
        %dma_wait3A_299 = arith.constant 0 : i32
        %dma_wait3A_300 = tpu.memref_slice %arg24[%dma_wait3A_298, %dma_wait3A_299] : memref<10000x128xf32, #tpu.memory_space<vmem_shared>> -> memref<10000x128xf32, #tpu.memory_space<vmem_shared>>
        tpu.wait_indirect_dma semaphore(%arg36 : memref<!tpu.dma_semaphore, #tpu.memory_space<semaphore_mem>>) src(%arg20 : memref<104x128xf32, #tpu.memory_space<vmem>>) dst(%dma_wait3A_300 : memref<10000x128xf32, #tpu.memory_space<vmem_shared>>)
      } else {
      }
      %dma_start3A_175 = arith.constant 0 : i32
      %dma_start3A_176 = arith.constant 0 : i32
      %dma_start3A_177 = tpu.memref_slice %arg3[%dma_start3A_175, %dma_start3A_176] : memref<10000x128xf32, #tpu.memory_space<hbm>> -> memref<10000x128xf32, #tpu.memory_space<hbm>>
      tpu.enqueue_indirect_dma source(%dma_start3A_177 : memref<10000x128xf32, #tpu.memory_space<hbm>>) target(%arg20 : memref<104x128xf32, #tpu.memory_space<vmem>>) offsets(%arg8 : memref<104xi32, #tpu.memory_space<vmem>>) semaphore(%arg33 : memref<!tpu.dma_semaphore, #tpu.memory_space<semaphore_mem>>)
      %add3A_178 = arith.constant 3 : i32
      %add3A_179 = arith.addi %add3A_157, %add3A_178 : i32
      %lt3A_180 = arith.constant 96 : i32
      %lt3A_181 = arith.cmpi slt, %add3A_179, %lt3A_180 : i32
      %convert_element_type3A_182 = arith.extui %lt3A_181 : i1 to i32
      %cond3A_183 = arith.constant 0 : i32
      %cond3A_184 = arith.cmpi ne, %convert_element_type3A_182, %cond3A_183 : i32
      scf.if %cond3A_184 {
        %add3A_298 = arith.constant 3 : i32
        %add3A_299 = arith.addi %add3A_157, %add3A_298 : i32
        %mul3A_300 = arith.constant 104 : i32
        %mul3A_301 = arith.muli %add3A_299, %mul3A_300 : i32
        %add3A_302 = arith.addi %mul3A_2, %mul3A_301 : i32
        %dma_start3A_303 = tpu.memref_slice %arg2[%add3A_302] : memref<640000xi32, #tpu.memory_space<hbm>> -> memref<104xi32, #tpu.memory_space<hbm>>
        %dma_start3A_304 = tpu.memref_slice %arg2[%add3A_302] : memref<640000xi32, #tpu.memory_space<hbm>> -> memref<104xi32, #tpu.memory_space<hbm>>
        tpu.enqueue_dma source(%dma_start3A_304 : memref<104xi32, #tpu.memory_space<hbm>>) target(%arg11 : memref<104xi32, #tpu.memory_space<vmem>>) target_semaphore(%arg30 : memref<!tpu.dma_semaphore, #tpu.memory_space<semaphore_mem>>)
        %add3A_305 = arith.constant 320000 : i32
        %add3A_306 = arith.addi %add3A_305, %mul3A_2 : i32
        %mul3A_307 = arith.constant 104 : i32
        %mul3A_308 = arith.muli %add3A_299, %mul3A_307 : i32
        %add3A_309 = arith.addi %add3A_306, %mul3A_308 : i32
        %dma_start3A_310 = tpu.memref_slice %arg2[%add3A_309] : memref<640000xi32, #tpu.memory_space<hbm>> -> memref<104xi32, #tpu.memory_space<hbm>>
        %dma_start3A_311 = tpu.memref_slice %arg2[%add3A_309] : memref<640000xi32, #tpu.memory_space<hbm>> -> memref<104xi32, #tpu.memory_space<hbm>>
        tpu.enqueue_dma source(%dma_start3A_311 : memref<104xi32, #tpu.memory_space<hbm>>) target(%arg17 : memref<104xi32, #tpu.memory_space<vmem>>) target_semaphore(%arg30 : memref<!tpu.dma_semaphore, #tpu.memory_space<semaphore_mem>>)
      } else {
      }
      %ge3A_185 = arith.constant 2 : i32
      %ge3A_186 = arith.cmpi sge, %add3A_157, %ge3A_185 : i32
      %convert_element_type3A_187 = arith.extui %ge3A_186 : i1 to i32
      %cond3A_188 = arith.constant 0 : i32
      %cond3A_189 = arith.cmpi ne, %convert_element_type3A_187, %cond3A_188 : i32
      scf.if %cond3A_189 {
        %dma_wait3A_298 = arith.constant 0 : i32
        %dma_wait3A_299 = arith.constant 0 : i32
        %dma_wait3A_300 = tpu.memref_slice %arg3[%dma_wait3A_298, %dma_wait3A_299] : memref<10000x128xf32, #tpu.memory_space<hbm>> -> memref<10000x128xf32, #tpu.memory_space<hbm>>
        tpu.wait_indirect_dma semaphore(%arg31 : memref<!tpu.dma_semaphore, #tpu.memory_space<semaphore_mem>>) src(%dma_wait3A_300 : memref<10000x128xf32, #tpu.memory_space<hbm>>) dst(%arg18 : memref<104x128xf32, #tpu.memory_space<vmem>>)
        %dma_start3A_301 = arith.constant 0 : i32
        %dma_start3A_302 = arith.constant 0 : i32
        %dma_start3A_303 = tpu.memref_slice %arg24[%dma_start3A_301, %dma_start3A_302] : memref<10000x128xf32, #tpu.memory_space<vmem_shared>> -> memref<10000x128xf32, #tpu.memory_space<vmem_shared>>
        tpu.enqueue_indirect_dma source(%arg18 : memref<104x128xf32, #tpu.memory_space<vmem>>) target(%dma_start3A_303 : memref<10000x128xf32, #tpu.memory_space<vmem_shared>>) offsets(%arg12 : memref<104xi32, #tpu.memory_space<vmem>>) semaphore(%arg34 : memref<!tpu.dma_semaphore, #tpu.memory_space<semaphore_mem>>) {add = true}
      } else {
      }
      %mul3A_190 = arith.constant 6 : i32
      %mul3A_191 = arith.muli %mul3A_190, %scan3A_83 : i32
      %add3A_192 = arith.constant 3 : i32
      %add3A_193 = arith.addi %mul3A_191, %add3A_192 : i32
      %mul3A_194 = arith.constant 104 : i32
      %mul3A_195 = arith.muli %add3A_193, %mul3A_194 : i32
      %add3A_196 = arith.addi %mul3A_2, %mul3A_195 : i32
      %dma_wait3A_197 = tpu.memref_slice %arg2[%add3A_196] : memref<640000xi32, #tpu.memory_space<hbm>> -> memref<104xi32, #tpu.memory_space<hbm>>
      %dma_wait3A_198 = tpu.memref_slice %arg2[%add3A_196] : memref<640000xi32, #tpu.memory_space<hbm>> -> memref<104xi32, #tpu.memory_space<hbm>>
      tpu.wait_dma2 semaphore(%arg28 : memref<!tpu.dma_semaphore, #tpu.memory_space<semaphore_mem>>) src(%dma_wait3A_198 : memref<104xi32, #tpu.memory_space<hbm>>) dst(%arg9 : memref<104xi32, #tpu.memory_space<vmem>>)
      %add3A_199 = arith.constant 320000 : i32
      %add3A_200 = arith.addi %add3A_199, %mul3A_2 : i32
      %mul3A_201 = arith.constant 104 : i32
      %mul3A_202 = arith.muli %add3A_193, %mul3A_201 : i32
      %add3A_203 = arith.addi %add3A_200, %mul3A_202 : i32
      %dma_wait3A_204 = tpu.memref_slice %arg2[%add3A_203] : memref<640000xi32, #tpu.memory_space<hbm>> -> memref<104xi32, #tpu.memory_space<hbm>>
      %dma_wait3A_205 = tpu.memref_slice %arg2[%add3A_203] : memref<640000xi32, #tpu.memory_space<hbm>> -> memref<104xi32, #tpu.memory_space<hbm>>
      tpu.wait_dma2 semaphore(%arg28 : memref<!tpu.dma_semaphore, #tpu.memory_space<semaphore_mem>>) src(%dma_wait3A_205 : memref<104xi32, #tpu.memory_space<hbm>>) dst(%arg15 : memref<104xi32, #tpu.memory_space<vmem>>)
      %ge3A_206 = arith.constant 3 : i32
      %ge3A_207 = arith.cmpi sge, %add3A_193, %ge3A_206 : i32
      %convert_element_type3A_208 = arith.extui %ge3A_207 : i1 to i32
      %cond3A_209 = arith.constant 0 : i32
      %cond3A_210 = arith.cmpi ne, %convert_element_type3A_208, %cond3A_209 : i32
      scf.if %cond3A_210 {
        %dma_wait3A_298 = arith.constant 0 : i32
        %dma_wait3A_299 = arith.constant 0 : i32
        %dma_wait3A_300 = tpu.memref_slice %arg24[%dma_wait3A_298, %dma_wait3A_299] : memref<10000x128xf32, #tpu.memory_space<vmem_shared>> -> memref<10000x128xf32, #tpu.memory_space<vmem_shared>>
        tpu.wait_indirect_dma semaphore(%arg34 : memref<!tpu.dma_semaphore, #tpu.memory_space<semaphore_mem>>) src(%arg18 : memref<104x128xf32, #tpu.memory_space<vmem>>) dst(%dma_wait3A_300 : memref<10000x128xf32, #tpu.memory_space<vmem_shared>>)
      } else {
      }
      %dma_start3A_211 = arith.constant 0 : i32
      %dma_start3A_212 = arith.constant 0 : i32
      %dma_start3A_213 = tpu.memref_slice %arg3[%dma_start3A_211, %dma_start3A_212] : memref<10000x128xf32, #tpu.memory_space<hbm>> -> memref<10000x128xf32, #tpu.memory_space<hbm>>
      tpu.enqueue_indirect_dma source(%dma_start3A_213 : memref<10000x128xf32, #tpu.memory_space<hbm>>) target(%arg18 : memref<104x128xf32, #tpu.memory_space<vmem>>) offsets(%arg9 : memref<104xi32, #tpu.memory_space<vmem>>) semaphore(%arg31 : memref<!tpu.dma_semaphore, #tpu.memory_space<semaphore_mem>>)
      %add3A_214 = arith.constant 3 : i32
      %add3A_215 = arith.addi %add3A_193, %add3A_214 : i32
      %lt3A_216 = arith.constant 96 : i32
      %lt3A_217 = arith.cmpi slt, %add3A_215, %lt3A_216 : i32
      %convert_element_type3A_218 = arith.extui %lt3A_217 : i1 to i32
      %cond3A_219 = arith.constant 0 : i32
      %cond3A_220 = arith.cmpi ne, %convert_element_type3A_218, %cond3A_219 : i32
      scf.if %cond3A_220 {
        %add3A_298 = arith.constant 3 : i32
        %add3A_299 = arith.addi %add3A_193, %add3A_298 : i32
        %mul3A_300 = arith.constant 104 : i32
        %mul3A_301 = arith.muli %add3A_299, %mul3A_300 : i32
        %add3A_302 = arith.addi %mul3A_2, %mul3A_301 : i32
        %dma_start3A_303 = tpu.memref_slice %arg2[%add3A_302] : memref<640000xi32, #tpu.memory_space<hbm>> -> memref<104xi32, #tpu.memory_space<hbm>>
        %dma_start3A_304 = tpu.memref_slice %arg2[%add3A_302] : memref<640000xi32, #tpu.memory_space<hbm>> -> memref<104xi32, #tpu.memory_space<hbm>>
        tpu.enqueue_dma source(%dma_start3A_304 : memref<104xi32, #tpu.memory_space<hbm>>) target(%arg6 : memref<104xi32, #tpu.memory_space<vmem>>) target_semaphore(%arg25 : memref<!tpu.dma_semaphore, #tpu.memory_space<semaphore_mem>>)
        %add3A_305 = arith.constant 320000 : i32
        %add3A_306 = arith.addi %add3A_305, %mul3A_2 : i32
        %mul3A_307 = arith.constant 104 : i32
        %mul3A_308 = arith.muli %add3A_299, %mul3A_307 : i32
        %add3A_309 = arith.addi %add3A_306, %mul3A_308 : i32
        %dma_start3A_310 = tpu.memref_slice %arg2[%add3A_309] : memref<640000xi32, #tpu.memory_space<hbm>> -> memref<104xi32, #tpu.memory_space<hbm>>
        %dma_start3A_311 = tpu.memref_slice %arg2[%add3A_309] : memref<640000xi32, #tpu.memory_space<hbm>> -> memref<104xi32, #tpu.memory_space<hbm>>
        tpu.enqueue_dma source(%dma_start3A_311 : memref<104xi32, #tpu.memory_space<hbm>>) target(%arg12 : memref<104xi32, #tpu.memory_space<vmem>>) target_semaphore(%arg25 : memref<!tpu.dma_semaphore, #tpu.memory_space<semaphore_mem>>)
      } else {
      }
      %ge3A_221 = arith.constant 2 : i32
      %ge3A_222 = arith.cmpi sge, %add3A_193, %ge3A_221 : i32
      %convert_element_type3A_223 = arith.extui %ge3A_222 : i1 to i32
      %cond3A_224 = arith.constant 0 : i32
      %cond3A_225 = arith.cmpi ne, %convert_element_type3A_223, %cond3A_224 : i32
      scf.if %cond3A_225 {
        %dma_wait3A_298 = arith.constant 0 : i32
        %dma_wait3A_299 = arith.constant 0 : i32
        %dma_wait3A_300 = tpu.memref_slice %arg3[%dma_wait3A_298, %dma_wait3A_299] : memref<10000x128xf32, #tpu.memory_space<hbm>> -> memref<10000x128xf32, #tpu.memory_space<hbm>>
        tpu.wait_indirect_dma semaphore(%arg32 : memref<!tpu.dma_semaphore, #tpu.memory_space<semaphore_mem>>) src(%dma_wait3A_300 : memref<10000x128xf32, #tpu.memory_space<hbm>>) dst(%arg19 : memref<104x128xf32, #tpu.memory_space<vmem>>)
        %dma_start3A_301 = arith.constant 0 : i32
        %dma_start3A_302 = arith.constant 0 : i32
        %dma_start3A_303 = tpu.memref_slice %arg24[%dma_start3A_301, %dma_start3A_302] : memref<10000x128xf32, #tpu.memory_space<vmem_shared>> -> memref<10000x128xf32, #tpu.memory_space<vmem_shared>>
        tpu.enqueue_indirect_dma source(%arg19 : memref<104x128xf32, #tpu.memory_space<vmem>>) target(%dma_start3A_303 : memref<10000x128xf32, #tpu.memory_space<vmem_shared>>) offsets(%arg13 : memref<104xi32, #tpu.memory_space<vmem>>) semaphore(%arg35 : memref<!tpu.dma_semaphore, #tpu.memory_space<semaphore_mem>>) {add = true}
      } else {
      }
      %mul3A_226 = arith.constant 6 : i32
      %mul3A_227 = arith.muli %mul3A_226, %scan3A_83 : i32
      %add3A_228 = arith.constant 4 : i32
      %add3A_229 = arith.addi %mul3A_227, %add3A_228 : i32
      %mul3A_230 = arith.constant 104 : i32
      %mul3A_231 = arith.muli %add3A_229, %mul3A_230 : i32
      %add3A_232 = arith.addi %mul3A_2, %mul3A_231 : i32
      %dma_wait3A_233 = tpu.memref_slice %arg2[%add3A_232] : memref<640000xi32, #tpu.memory_space<hbm>> -> memref<104xi32, #tpu.memory_space<hbm>>
      %dma_wait3A_234 = tpu.memref_slice %arg2[%add3A_232] : memref<640000xi32, #tpu.memory_space<hbm>> -> memref<104xi32, #tpu.memory_space<hbm>>
      tpu.wait_dma2 semaphore(%arg29 : memref<!tpu.dma_semaphore, #tpu.memory_space<semaphore_mem>>) src(%dma_wait3A_234 : memref<104xi32, #tpu.memory_space<hbm>>) dst(%arg10 : memref<104xi32, #tpu.memory_space<vmem>>)
      %add3A_235 = arith.constant 320000 : i32
      %add3A_236 = arith.addi %add3A_235, %mul3A_2 : i32
      %mul3A_237 = arith.constant 104 : i32
      %mul3A_238 = arith.muli %add3A_229, %mul3A_237 : i32
      %add3A_239 = arith.addi %add3A_236, %mul3A_238 : i32
      %dma_wait3A_240 = tpu.memref_slice %arg2[%add3A_239] : memref<640000xi32, #tpu.memory_space<hbm>> -> memref<104xi32, #tpu.memory_space<hbm>>
      %dma_wait3A_241 = tpu.memref_slice %arg2[%add3A_239] : memref<640000xi32, #tpu.memory_space<hbm>> -> memref<104xi32, #tpu.memory_space<hbm>>
      tpu.wait_dma2 semaphore(%arg29 : memref<!tpu.dma_semaphore, #tpu.memory_space<semaphore_mem>>) src(%dma_wait3A_241 : memref<104xi32, #tpu.memory_space<hbm>>) dst(%arg16 : memref<104xi32, #tpu.memory_space<vmem>>)
      %ge3A_242 = arith.constant 3 : i32
      %ge3A_243 = arith.cmpi sge, %add3A_229, %ge3A_242 : i32
      %convert_element_type3A_244 = arith.extui %ge3A_243 : i1 to i32
      %cond3A_245 = arith.constant 0 : i32
      %cond3A_246 = arith.cmpi ne, %convert_element_type3A_244, %cond3A_245 : i32
      scf.if %cond3A_246 {
        %dma_wait3A_298 = arith.constant 0 : i32
        %dma_wait3A_299 = arith.constant 0 : i32
        %dma_wait3A_300 = tpu.memref_slice %arg24[%dma_wait3A_298, %dma_wait3A_299] : memref<10000x128xf32, #tpu.memory_space<vmem_shared>> -> memref<10000x128xf32, #tpu.memory_space<vmem_shared>>
        tpu.wait_indirect_dma semaphore(%arg35 : memref<!tpu.dma_semaphore, #tpu.memory_space<semaphore_mem>>) src(%arg19 : memref<104x128xf32, #tpu.memory_space<vmem>>) dst(%dma_wait3A_300 : memref<10000x128xf32, #tpu.memory_space<vmem_shared>>)
      } else {
      }
      %dma_start3A_247 = arith.constant 0 : i32
      %dma_start3A_248 = arith.constant 0 : i32
      %dma_start3A_249 = tpu.memref_slice %arg3[%dma_start3A_247, %dma_start3A_248] : memref<10000x128xf32, #tpu.memory_space<hbm>> -> memref<10000x128xf32, #tpu.memory_space<hbm>>
      tpu.enqueue_indirect_dma source(%dma_start3A_249 : memref<10000x128xf32, #tpu.memory_space<hbm>>) target(%arg19 : memref<104x128xf32, #tpu.memory_space<vmem>>) offsets(%arg10 : memref<104xi32, #tpu.memory_space<vmem>>) semaphore(%arg32 : memref<!tpu.dma_semaphore, #tpu.memory_space<semaphore_mem>>)
      %add3A_250 = arith.constant 3 : i32
      %add3A_251 = arith.addi %add3A_229, %add3A_250 : i32
      %lt3A_252 = arith.constant 96 : i32
      %lt3A_253 = arith.cmpi slt, %add3A_251, %lt3A_252 : i32
      %convert_element_type3A_254 = arith.extui %lt3A_253 : i1 to i32
      %cond3A_255 = arith.constant 0 : i32
      %cond3A_256 = arith.cmpi ne, %convert_element_type3A_254, %cond3A_255 : i32
      scf.if %cond3A_256 {
        %add3A_298 = arith.constant 3 : i32
        %add3A_299 = arith.addi %add3A_229, %add3A_298 : i32
        %mul3A_300 = arith.constant 104 : i32
        %mul3A_301 = arith.muli %add3A_299, %mul3A_300 : i32
        %add3A_302 = arith.addi %mul3A_2, %mul3A_301 : i32
        %dma_start3A_303 = tpu.memref_slice %arg2[%add3A_302] : memref<640000xi32, #tpu.memory_space<hbm>> -> memref<104xi32, #tpu.memory_space<hbm>>
        %dma_start3A_304 = tpu.memref_slice %arg2[%add3A_302] : memref<640000xi32, #tpu.memory_space<hbm>> -> memref<104xi32, #tpu.memory_space<hbm>>
        tpu.enqueue_dma source(%dma_start3A_304 : memref<104xi32, #tpu.memory_space<hbm>>) target(%arg7 : memref<104xi32, #tpu.memory_space<vmem>>) target_semaphore(%arg26 : memref<!tpu.dma_semaphore, #tpu.memory_space<semaphore_mem>>)
        %add3A_305 = arith.constant 320000 : i32
        %add3A_306 = arith.addi %add3A_305, %mul3A_2 : i32
        %mul3A_307 = arith.constant 104 : i32
        %mul3A_308 = arith.muli %add3A_299, %mul3A_307 : i32
        %add3A_309 = arith.addi %add3A_306, %mul3A_308 : i32
        %dma_start3A_310 = tpu.memref_slice %arg2[%add3A_309] : memref<640000xi32, #tpu.memory_space<hbm>> -> memref<104xi32, #tpu.memory_space<hbm>>
        %dma_start3A_311 = tpu.memref_slice %arg2[%add3A_309] : memref<640000xi32, #tpu.memory_space<hbm>> -> memref<104xi32, #tpu.memory_space<hbm>>
        tpu.enqueue_dma source(%dma_start3A_311 : memref<104xi32, #tpu.memory_space<hbm>>) target(%arg13 : memref<104xi32, #tpu.memory_space<vmem>>) target_semaphore(%arg26 : memref<!tpu.dma_semaphore, #tpu.memory_space<semaphore_mem>>)
      } else {
      }
      %ge3A_257 = arith.constant 2 : i32
      %ge3A_258 = arith.cmpi sge, %add3A_229, %ge3A_257 : i32
      %convert_element_type3A_259 = arith.extui %ge3A_258 : i1 to i32
      %cond3A_260 = arith.constant 0 : i32
      %cond3A_261 = arith.cmpi ne, %convert_element_type3A_259, %cond3A_260 : i32
      scf.if %cond3A_261 {
        %dma_wait3A_298 = arith.constant 0 : i32
        %dma_wait3A_299 = arith.constant 0 : i32
        %dma_wait3A_300 = tpu.memref_slice %arg3[%dma_wait3A_298, %dma_wait3A_299] : memref<10000x128xf32, #tpu.memory_space<hbm>> -> memref<10000x128xf32, #tpu.memory_space<hbm>>
        tpu.wait_indirect_dma semaphore(%arg33 : memref<!tpu.dma_semaphore, #tpu.memory_space<semaphore_mem>>) src(%dma_wait3A_300 : memref<10000x128xf32, #tpu.memory_space<hbm>>) dst(%arg20 : memref<104x128xf32, #tpu.memory_space<vmem>>)
        %dma_start3A_301 = arith.constant 0 : i32
        %dma_start3A_302 = arith.constant 0 : i32
        %dma_start3A_303 = tpu.memref_slice %arg24[%dma_start3A_301, %dma_start3A_302] : memref<10000x128xf32, #tpu.memory_space<vmem_shared>> -> memref<10000x128xf32, #tpu.memory_space<vmem_shared>>
        tpu.enqueue_indirect_dma source(%arg20 : memref<104x128xf32, #tpu.memory_space<vmem>>) target(%dma_start3A_303 : memref<10000x128xf32, #tpu.memory_space<vmem_shared>>) offsets(%arg14 : memref<104xi32, #tpu.memory_space<vmem>>) semaphore(%arg36 : memref<!tpu.dma_semaphore, #tpu.memory_space<semaphore_mem>>) {add = true}
      } else {
      }
      %mul3A_262 = arith.constant 6 : i32
      %mul3A_263 = arith.muli %mul3A_262, %scan3A_83 : i32
      %add3A_264 = arith.constant 5 : i32
      %add3A_265 = arith.addi %mul3A_263, %add3A_264 : i32
      %mul3A_266 = arith.constant 104 : i32
      %mul3A_267 = arith.muli %add3A_265, %mul3A_266 : i32
      %add3A_268 = arith.addi %mul3A_2, %mul3A_267 : i32
      %dma_wait3A_269 = tpu.memref_slice %arg2[%add3A_268] : memref<640000xi32, #tpu.memory_space<hbm>> -> memref<104xi32, #tpu.memory_space<hbm>>
      %dma_wait3A_270 = tpu.memref_slice %arg2[%add3A_268] : memref<640000xi32, #tpu.memory_space<hbm>> -> memref<104xi32, #tpu.memory_space<hbm>>
      tpu.wait_dma2 semaphore(%arg30 : memref<!tpu.dma_semaphore, #tpu.memory_space<semaphore_mem>>) src(%dma_wait3A_270 : memref<104xi32, #tpu.memory_space<hbm>>) dst(%arg11 : memref<104xi32, #tpu.memory_space<vmem>>)
      %add3A_271 = arith.constant 320000 : i32
      %add3A_272 = arith.addi %add3A_271, %mul3A_2 : i32
      %mul3A_273 = arith.constant 104 : i32
      %mul3A_274 = arith.muli %add3A_265, %mul3A_273 : i32
      %add3A_275 = arith.addi %add3A_272, %mul3A_274 : i32
      %dma_wait3A_276 = tpu.memref_slice %arg2[%add3A_275] : memref<640000xi32, #tpu.memory_space<hbm>> -> memref<104xi32, #tpu.memory_space<hbm>>
      %dma_wait3A_277 = tpu.memref_slice %arg2[%add3A_275] : memref<640000xi32, #tpu.memory_space<hbm>> -> memref<104xi32, #tpu.memory_space<hbm>>
      tpu.wait_dma2 semaphore(%arg30 : memref<!tpu.dma_semaphore, #tpu.memory_space<semaphore_mem>>) src(%dma_wait3A_277 : memref<104xi32, #tpu.memory_space<hbm>>) dst(%arg17 : memref<104xi32, #tpu.memory_space<vmem>>)
      %ge3A_278 = arith.constant 3 : i32
      %ge3A_279 = arith.cmpi sge, %add3A_265, %ge3A_278 : i32
      %convert_element_type3A_280 = arith.extui %ge3A_279 : i1 to i32
      %cond3A_281 = arith.constant 0 : i32
      %cond3A_282 = arith.cmpi ne, %convert_element_type3A_280, %cond3A_281 : i32
      scf.if %cond3A_282 {
        %dma_wait3A_298 = arith.constant 0 : i32
        %dma_wait3A_299 = arith.constant 0 : i32
        %dma_wait3A_300 = tpu.memref_slice %arg24[%dma_wait3A_298, %dma_wait3A_299] : memref<10000x128xf32, #tpu.memory_space<vmem_shared>> -> memref<10000x128xf32, #tpu.memory_space<vmem_shared>>
        tpu.wait_indirect_dma semaphore(%arg36 : memref<!tpu.dma_semaphore, #tpu.memory_space<semaphore_mem>>) src(%arg20 : memref<104x128xf32, #tpu.memory_space<vmem>>) dst(%dma_wait3A_300 : memref<10000x128xf32, #tpu.memory_space<vmem_shared>>)
      } else {
      }
      %dma_start3A_283 = arith.constant 0 : i32
      %dma_start3A_284 = arith.constant 0 : i32
      %dma_start3A_285 = tpu.memref_slice %arg3[%dma_start3A_283, %dma_start3A_284] : memref<10000x128xf32, #tpu.memory_space<hbm>> -> memref<10000x128xf32, #tpu.memory_space<hbm>>
      tpu.enqueue_indirect_dma source(%dma_start3A_285 : memref<10000x128xf32, #tpu.memory_space<hbm>>) target(%arg20 : memref<104x128xf32, #tpu.memory_space<vmem>>) offsets(%arg11 : memref<104xi32, #tpu.memory_space<vmem>>) semaphore(%arg33 : memref<!tpu.dma_semaphore, #tpu.memory_space<semaphore_mem>>)
      %add3A_286 = arith.constant 3 : i32
      %add3A_287 = arith.addi %add3A_265, %add3A_286 : i32
      %lt3A_288 = arith.constant 96 : i32
      %lt3A_289 = arith.cmpi slt, %add3A_287, %lt3A_288 : i32
      %convert_element_type3A_290 = arith.extui %lt3A_289 : i1 to i32
      %cond3A_291 = arith.constant 0 : i32
      %cond3A_292 = arith.cmpi ne, %convert_element_type3A_290, %cond3A_291 : i32
      scf.if %cond3A_292 {
        %add3A_298 = arith.constant 3 : i32
        %add3A_299 = arith.addi %add3A_265, %add3A_298 : i32
        %mul3A_300 = arith.constant 104 : i32
        %mul3A_301 = arith.muli %add3A_299, %mul3A_300 : i32
        %add3A_302 = arith.addi %mul3A_2, %mul3A_301 : i32
        %dma_start3A_303 = tpu.memref_slice %arg2[%add3A_302] : memref<640000xi32, #tpu.memory_space<hbm>> -> memref<104xi32, #tpu.memory_space<hbm>>
        %dma_start3A_304 = tpu.memref_slice %arg2[%add3A_302] : memref<640000xi32, #tpu.memory_space<hbm>> -> memref<104xi32, #tpu.memory_space<hbm>>
        tpu.enqueue_dma source(%dma_start3A_304 : memref<104xi32, #tpu.memory_space<hbm>>) target(%arg8 : memref<104xi32, #tpu.memory_space<vmem>>) target_semaphore(%arg27 : memref<!tpu.dma_semaphore, #tpu.memory_space<semaphore_mem>>)
        %add3A_305 = arith.constant 320000 : i32
        %add3A_306 = arith.addi %add3A_305, %mul3A_2 : i32
        %mul3A_307 = arith.constant 104 : i32
        %mul3A_308 = arith.muli %add3A_299, %mul3A_307 : i32
        %add3A_309 = arith.addi %add3A_306, %mul3A_308 : i32
        %dma_start3A_310 = tpu.memref_slice %arg2[%add3A_309] : memref<640000xi32, #tpu.memory_space<hbm>> -> memref<104xi32, #tpu.memory_space<hbm>>
        %dma_start3A_311 = tpu.memref_slice %arg2[%add3A_309] : memref<640000xi32, #tpu.memory_space<hbm>> -> memref<104xi32, #tpu.memory_space<hbm>>
        tpu.enqueue_dma source(%dma_start3A_311 : memref<104xi32, #tpu.memory_space<hbm>>) target(%arg14 : memref<104xi32, #tpu.memory_space<vmem>>) target_semaphore(%arg27 : memref<!tpu.dma_semaphore, #tpu.memory_space<semaphore_mem>>)
      } else {
      }
      %ge3A_293 = arith.constant 2 : i32
      %ge3A_294 = arith.cmpi sge, %add3A_265, %ge3A_293 : i32
      %convert_element_type3A_295 = arith.extui %ge3A_294 : i1 to i32
      %cond3A_296 = arith.constant 0 : i32
      %cond3A_297 = arith.cmpi ne, %convert_element_type3A_295, %cond3A_296 : i32
      scf.if %cond3A_297 {
        %dma_wait3A_298 = arith.constant 0 : i32
        %dma_wait3A_299 = arith.constant 0 : i32
        %dma_wait3A_300 = tpu.memref_slice %arg3[%dma_wait3A_298, %dma_wait3A_299] : memref<10000x128xf32, #tpu.memory_space<hbm>> -> memref<10000x128xf32, #tpu.memory_space<hbm>>
        tpu.wait_indirect_dma semaphore(%arg31 : memref<!tpu.dma_semaphore, #tpu.memory_space<semaphore_mem>>) src(%dma_wait3A_300 : memref<10000x128xf32, #tpu.memory_space<hbm>>) dst(%arg18 : memref<104x128xf32, #tpu.memory_space<vmem>>)
        %dma_start3A_301 = arith.constant 0 : i32
        %dma_start3A_302 = arith.constant 0 : i32
        %dma_start3A_303 = tpu.memref_slice %arg24[%dma_start3A_301, %dma_start3A_302] : memref<10000x128xf32, #tpu.memory_space<vmem_shared>> -> memref<10000x128xf32, #tpu.memory_space<vmem_shared>>
        tpu.enqueue_indirect_dma source(%arg18 : memref<104x128xf32, #tpu.memory_space<vmem>>) target(%dma_start3A_303 : memref<10000x128xf32, #tpu.memory_space<vmem_shared>>) offsets(%arg15 : memref<104xi32, #tpu.memory_space<vmem>>) semaphore(%arg34 : memref<!tpu.dma_semaphore, #tpu.memory_space<semaphore_mem>>) {add = true}
      } else {
      }
    }
    %scan3A_42 = arith.constant 16 : i32
    %dma_wait3A = arith.constant 0 : i32
    %dma_wait3A_43 = arith.constant 0 : i32
    %dma_wait3A_44 = tpu.memref_slice %arg3[%dma_wait3A, %dma_wait3A_43] : memref<10000x128xf32, #tpu.memory_space<hbm>> -> memref<10000x128xf32, #tpu.memory_space<hbm>>
    tpu.wait_indirect_dma semaphore(%arg32 : memref<!tpu.dma_semaphore, #tpu.memory_space<semaphore_mem>>) src(%dma_wait3A_44 : memref<10000x128xf32, #tpu.memory_space<hbm>>) dst(%arg19 : memref<104x128xf32, #tpu.memory_space<vmem>>)
    %dma_start3A_45 = arith.constant 0 : i32
    %dma_start3A_46 = arith.constant 0 : i32
    %dma_start3A_47 = tpu.memref_slice %arg24[%dma_start3A_45, %dma_start3A_46] : memref<10000x128xf32, #tpu.memory_space<vmem_shared>> -> memref<10000x128xf32, #tpu.memory_space<vmem_shared>>
    tpu.enqueue_indirect_dma source(%arg19 : memref<104x128xf32, #tpu.memory_space<vmem>>) target(%dma_start3A_47 : memref<10000x128xf32, #tpu.memory_space<vmem_shared>>) offsets(%arg16 : memref<104xi32, #tpu.memory_space<vmem>>) semaphore(%arg35 : memref<!tpu.dma_semaphore, #tpu.memory_space<semaphore_mem>>) {add = true}
    %dma_wait3A_48 = arith.constant 0 : i32
    %dma_wait3A_49 = arith.constant 0 : i32
    %dma_wait3A_50 = tpu.memref_slice %arg3[%dma_wait3A_48, %dma_wait3A_49] : memref<10000x128xf32, #tpu.memory_space<hbm>> -> memref<10000x128xf32, #tpu.memory_space<hbm>>
    tpu.wait_indirect_dma semaphore(%arg33 : memref<!tpu.dma_semaphore, #tpu.memory_space<semaphore_mem>>) src(%dma_wait3A_50 : memref<10000x128xf32, #tpu.memory_space<hbm>>) dst(%arg20 : memref<104x128xf32, #tpu.memory_space<vmem>>)
    %dma_start3A_51 = arith.constant 0 : i32
    %dma_start3A_52 = arith.constant 0 : i32
    %dma_start3A_53 = tpu.memref_slice %arg24[%dma_start3A_51, %dma_start3A_52] : memref<10000x128xf32, #tpu.memory_space<vmem_shared>> -> memref<10000x128xf32, #tpu.memory_space<vmem_shared>>
    tpu.enqueue_indirect_dma source(%arg20 : memref<104x128xf32, #tpu.memory_space<vmem>>) target(%dma_start3A_53 : memref<10000x128xf32, #tpu.memory_space<vmem_shared>>) offsets(%arg17 : memref<104xi32, #tpu.memory_space<vmem>>) semaphore(%arg36 : memref<!tpu.dma_semaphore, #tpu.memory_space<semaphore_mem>>) {add = true}
    %dma_wait3A_54 = arith.constant 0 : i32
    %dma_wait3A_55 = arith.constant 0 : i32
    %dma_wait3A_56 = tpu.memref_slice %arg24[%dma_wait3A_54, %dma_wait3A_55] : memref<10000x128xf32, #tpu.memory_space<vmem_shared>> -> memref<10000x128xf32, #tpu.memory_space<vmem_shared>>
    tpu.wait_indirect_dma semaphore(%arg34 : memref<!tpu.dma_semaphore, #tpu.memory_space<semaphore_mem>>) src(%arg18 : memref<104x128xf32, #tpu.memory_space<vmem>>) dst(%dma_wait3A_56 : memref<10000x128xf32, #tpu.memory_space<vmem_shared>>)
    %dma_wait3A_57 = arith.constant 0 : i32
    %dma_wait3A_58 = arith.constant 0 : i32
    %dma_wait3A_59 = tpu.memref_slice %arg24[%dma_wait3A_57, %dma_wait3A_58] : memref<10000x128xf32, #tpu.memory_space<vmem_shared>> -> memref<10000x128xf32, #tpu.memory_space<vmem_shared>>
    tpu.wait_indirect_dma semaphore(%arg35 : memref<!tpu.dma_semaphore, #tpu.memory_space<semaphore_mem>>) src(%arg19 : memref<104x128xf32, #tpu.memory_space<vmem>>) dst(%dma_wait3A_59 : memref<10000x128xf32, #tpu.memory_space<vmem_shared>>)
    %dma_wait3A_60 = arith.constant 0 : i32
    %dma_wait3A_61 = arith.constant 0 : i32
    %dma_wait3A_62 = tpu.memref_slice %arg24[%dma_wait3A_60, %dma_wait3A_61] : memref<10000x128xf32, #tpu.memory_space<vmem_shared>> -> memref<10000x128xf32, #tpu.memory_space<vmem_shared>>
    tpu.wait_indirect_dma semaphore(%arg36 : memref<!tpu.dma_semaphore, #tpu.memory_space<semaphore_mem>>) src(%arg20 : memref<104x128xf32, #tpu.memory_space<vmem>>) dst(%dma_wait3A_62 : memref<10000x128xf32, #tpu.memory_space<vmem_shared>>)
    %add3A_63 = arith.constant 9984 : i32
    %add3A_64 = arith.addi %mul3A_2, %add3A_63 : i32
    "tpu.region"() ({
      %run_scoped3A = tpu.sem_alloc : memref<!tpu.dma_semaphore, #tpu.memory_space<semaphore_mem>>
      %dma_start3A_83 = tpu.memref_slice %arg2[%add3A_64] : memref<640000xi32, #tpu.memory_space<hbm>> -> memref<16xi32, #tpu.memory_space<hbm>>
      %dma_start3A_84 = tpu.memref_slice %arg2[%add3A_64] : memref<640000xi32, #tpu.memory_space<hbm>> -> memref<16xi32, #tpu.memory_space<hbm>>
      tpu.enqueue_dma source(%dma_start3A_84 : memref<16xi32, #tpu.memory_space<hbm>>) target(%arg21 : memref<16xi32, #tpu.memory_space<vmem>>) target_semaphore(%run_scoped3A : memref<!tpu.dma_semaphore, #tpu.memory_space<semaphore_mem>>)
      %dma_wait3A_85 = tpu.memref_slice %arg2[%add3A_64] : memref<640000xi32, #tpu.memory_space<hbm>> -> memref<16xi32, #tpu.memory_space<hbm>>
      %dma_wait3A_86 = tpu.memref_slice %arg2[%add3A_64] : memref<640000xi32, #tpu.memory_space<hbm>> -> memref<16xi32, #tpu.memory_space<hbm>>
      tpu.wait_dma2 semaphore(%run_scoped3A : memref<!tpu.dma_semaphore, #tpu.memory_space<semaphore_mem>>) src(%dma_wait3A_86 : memref<16xi32, #tpu.memory_space<hbm>>) dst(%arg21 : memref<16xi32, #tpu.memory_space<vmem>>)
      tpu.yield
    }) : () -> ()
    %add3A_65 = arith.constant 320000 : i32
    %add3A_66 = arith.addi %add3A_65, %add3A_64 : i32
    "tpu.region"() ({
      %run_scoped3A = tpu.sem_alloc : memref<!tpu.dma_semaphore, #tpu.memory_space<semaphore_mem>>
      %dma_start3A_83 = tpu.memref_slice %arg2[%add3A_66] : memref<640000xi32, #tpu.memory_space<hbm>> -> memref<16xi32, #tpu.memory_space<hbm>>
      %dma_start3A_84 = tpu.memref_slice %arg2[%add3A_66] : memref<640000xi32, #tpu.memory_space<hbm>> -> memref<16xi32, #tpu.memory_space<hbm>>
      tpu.enqueue_dma source(%dma_start3A_84 : memref<16xi32, #tpu.memory_space<hbm>>) target(%arg22 : memref<16xi32, #tpu.memory_space<vmem>>) target_semaphore(%run_scoped3A : memref<!tpu.dma_semaphore, #tpu.memory_space<semaphore_mem>>)
      %dma_wait3A_85 = tpu.memref_slice %arg2[%add3A_66] : memref<640000xi32, #tpu.memory_space<hbm>> -> memref<16xi32, #tpu.memory_space<hbm>>
      %dma_wait3A_86 = tpu.memref_slice %arg2[%add3A_66] : memref<640000xi32, #tpu.memory_space<hbm>> -> memref<16xi32, #tpu.memory_space<hbm>>
      tpu.wait_dma2 semaphore(%run_scoped3A : memref<!tpu.dma_semaphore, #tpu.memory_space<semaphore_mem>>) src(%dma_wait3A_86 : memref<16xi32, #tpu.memory_space<hbm>>) dst(%arg22 : memref<16xi32, #tpu.memory_space<vmem>>)
      tpu.yield
    }) : () -> ()
    %dma_start3A_67 = arith.constant 0 : i32
    %dma_start3A_68 = arith.constant 0 : i32
    %dma_start3A_69 = tpu.memref_slice %arg3[%dma_start3A_67, %dma_start3A_68] : memref<10000x128xf32, #tpu.memory_space<hbm>> -> memref<10000x128xf32, #tpu.memory_space<hbm>>
    tpu.enqueue_indirect_dma source(%dma_start3A_69 : memref<10000x128xf32, #tpu.memory_space<hbm>>) target(%arg23 : memref<16x128xf32, #tpu.memory_space<vmem>>) offsets(%arg21 : memref<16xi32, #tpu.memory_space<vmem>>) semaphore(%arg31 : memref<!tpu.dma_semaphore, #tpu.memory_space<semaphore_mem>>)
    %dma_wait3A_70 = arith.constant 0 : i32
    %dma_wait3A_71 = arith.constant 0 : i32
    %dma_wait3A_72 = tpu.memref_slice %arg3[%dma_wait3A_70, %dma_wait3A_71] : memref<10000x128xf32, #tpu.memory_space<hbm>> -> memref<10000x128xf32, #tpu.memory_space<hbm>>
    tpu.wait_indirect_dma semaphore(%arg31 : memref<!tpu.dma_semaphore, #tpu.memory_space<semaphore_mem>>) src(%dma_wait3A_72 : memref<10000x128xf32, #tpu.memory_space<hbm>>) dst(%arg23 : memref<16x128xf32, #tpu.memory_space<vmem>>)
    "tpu.region"() ({
      %run_scoped3A = tpu.sem_alloc : memref<!tpu.dma_semaphore, #tpu.memory_space<semaphore_mem>>
      %dma_start3A_83 = arith.constant 0 : i32
      %dma_start3A_84 = arith.constant 0 : i32
      %dma_start3A_85 = tpu.memref_slice %arg24[%dma_start3A_83, %dma_start3A_84] : memref<10000x128xf32, #tpu.memory_space<vmem_shared>> -> memref<10000x128xf32, #tpu.memory_space<vmem_shared>>
      tpu.enqueue_indirect_dma source(%arg23 : memref<16x128xf32, #tpu.memory_space<vmem>>) target(%dma_start3A_85 : memref<10000x128xf32, #tpu.memory_space<vmem_shared>>) offsets(%arg22 : memref<16xi32, #tpu.memory_space<vmem>>) semaphore(%run_scoped3A : memref<!tpu.dma_semaphore, #tpu.memory_space<semaphore_mem>>) {add = true}
      %dma_wait3A_86 = arith.constant 0 : i32
      %dma_wait3A_87 = arith.constant 0 : i32
      %dma_wait3A_88 = tpu.memref_slice %arg24[%dma_wait3A_86, %dma_wait3A_87] : memref<10000x128xf32, #tpu.memory_space<vmem_shared>> -> memref<10000x128xf32, #tpu.memory_space<vmem_shared>>
      tpu.wait_indirect_dma semaphore(%run_scoped3A : memref<!tpu.dma_semaphore, #tpu.memory_space<semaphore_mem>>) src(%arg23 : memref<16x128xf32, #tpu.memory_space<vmem>>) dst(%dma_wait3A_88 : memref<10000x128xf32, #tpu.memory_space<vmem_shared>>)
      tpu.yield
    }) : () -> ()
    %barrier3A_73 = arith.constant 0 : index
    tpu.barrier barrier_id(%barrier3A_73)
    %mul3A_74 = arith.constant 624 : i32
    %mul3A_75 = arith.muli %arg1, %mul3A_74 : i32
    %mul3A_76 = arith.constant 624 : i32
    %mul3A_77 = arith.muli %arg1, %mul3A_76 : i32
    "tpu.region"() ({
      %run_scoped3A = tpu.sem_alloc : memref<!tpu.dma_semaphore, #tpu.memory_space<semaphore_mem>>
      %dma_start3A_83 = arith.constant 0 : i32
      %dma_start3A_84 = tpu.memref_slice %arg5[%arg0, %mul3A_77, %dma_start3A_83] : memref<2x10000x128xf32, #tpu.memory_space<hbm>> -> memref<1x624x128xf32, #tpu.memory_space<hbm>>
      %dma_start3A_85 = tpu.memref_squeeze %dma_start3A_84 : memref<1x624x128xf32, #tpu.memory_space<hbm>> -> memref<624x128xf32, #tpu.memory_space<hbm>>
      %dma_start3A_86 = arith.constant 0 : i32
      %dma_start3A_87 = tpu.memref_slice %arg24[%mul3A_75, %dma_start3A_86] : memref<10000x128xf32, #tpu.memory_space<vmem_shared>> -> memref<624x128xf32, #tpu.memory_space<vmem_shared>>
      tpu.enqueue_dma source(%dma_start3A_87 : memref<624x128xf32, #tpu.memory_space<vmem_shared>>) target(%dma_start3A_85 : memref<624x128xf32, #tpu.memory_space<hbm>>) target_semaphore(%run_scoped3A : memref<!tpu.dma_semaphore, #tpu.memory_space<semaphore_mem>>)
      %dma_wait3A_88 = arith.constant 0 : i32
      %dma_wait3A_89 = tpu.memref_slice %arg5[%arg0, %mul3A_77, %dma_wait3A_88] : memref<2x10000x128xf32, #tpu.memory_space<hbm>> -> memref<1x624x128xf32, #tpu.memory_space<hbm>>
      %dma_wait3A_90 = tpu.memref_squeeze %dma_wait3A_89 : memref<1x624x128xf32, #tpu.memory_space<hbm>> -> memref<624x128xf32, #tpu.memory_space<hbm>>
      %dma_wait3A_91 = arith.constant 0 : i32
      %dma_wait3A_92 = tpu.memref_slice %arg24[%mul3A_75, %dma_wait3A_91] : memref<10000x128xf32, #tpu.memory_space<vmem_shared>> -> memref<624x128xf32, #tpu.memory_space<vmem_shared>>
      tpu.wait_dma2 semaphore(%run_scoped3A : memref<!tpu.dma_semaphore, #tpu.memory_space<semaphore_mem>>) src(%dma_wait3A_92 : memref<624x128xf32, #tpu.memory_space<vmem_shared>>) dst(%dma_wait3A_90 : memref<624x128xf32, #tpu.memory_space<hbm>>)
      tpu.yield
    }) : () -> ()
    %eq3A_78 = arith.constant 15 : i32
    %eq3A_79 = arith.cmpi eq, %arg1, %eq3A_78 : i32
    %convert_element_type3A_80 = arith.extui %eq3A_79 : i1 to i32
    %cond3A_81 = arith.constant 0 : i32
    %cond3A_82 = arith.cmpi ne, %convert_element_type3A_80, %cond3A_81 : i32
    scf.if %cond3A_82 {
      "tpu.region"() ({
        %run_scoped3A = tpu.sem_alloc : memref<!tpu.dma_semaphore, #tpu.memory_space<semaphore_mem>>
        %dma_start3A_83 = arith.constant 9984 : i32
        %dma_start3A_84 = arith.constant 0 : i32
        %dma_start3A_85 = tpu.memref_slice %arg5[%arg0, %dma_start3A_83, %dma_start3A_84] : memref<2x10000x128xf32, #tpu.memory_space<hbm>> -> memref<1x16x128xf32, #tpu.memory_space<hbm>>
        %dma_start3A_86 = tpu.memref_squeeze %dma_start3A_85 : memref<1x16x128xf32, #tpu.memory_space<hbm>> -> memref<16x128xf32, #tpu.memory_space<hbm>>
        %dma_start3A_87 = arith.constant 9984 : i32
        %dma_start3A_88 = arith.constant 0 : i32
        %dma_start3A_89 = tpu.memref_slice %arg24[%dma_start3A_87, %dma_start3A_88] : memref<10000x128xf32, #tpu.memory_space<vmem_shared>> -> memref<16x128xf32, #tpu.memory_space<vmem_shared>>
        tpu.enqueue_dma source(%dma_start3A_89 : memref<16x128xf32, #tpu.memory_space<vmem_shared>>) target(%dma_start3A_86 : memref<16x128xf32, #tpu.memory_space<hbm>>) target_semaphore(%run_scoped3A : memref<!tpu.dma_semaphore, #tpu.memory_space<semaphore_mem>>)
        %dma_wait3A_90 = arith.constant 9984 : i32
        %dma_wait3A_91 = arith.constant 0 : i32
        %dma_wait3A_92 = tpu.memref_slice %arg5[%arg0, %dma_wait3A_90, %dma_wait3A_91] : memref<2x10000x128xf32, #tpu.memory_space<hbm>> -> memref<1x16x128xf32, #tpu.memory_space<hbm>>
        %dma_wait3A_93 = tpu.memref_squeeze %dma_wait3A_92 : memref<1x16x128xf32, #tpu.memory_space<hbm>> -> memref<16x128xf32, #tpu.memory_space<hbm>>
        %dma_wait3A_94 = arith.constant 9984 : i32
        %dma_wait3A_95 = arith.constant 0 : i32
        %dma_wait3A_96 = tpu.memref_slice %arg24[%dma_wait3A_94, %dma_wait3A_95] : memref<10000x128xf32, #tpu.memory_space<vmem_shared>> -> memref<16x128xf32, #tpu.memory_space<vmem_shared>>
        tpu.wait_dma2 semaphore(%run_scoped3A : memref<!tpu.dma_semaphore, #tpu.memory_space<semaphore_mem>>) src(%dma_wait3A_96 : memref<16x128xf32, #tpu.memory_space<vmem_shared>>) dst(%dma_wait3A_93 : memref<16x128xf32, #tpu.memory_space<hbm>>)
        tpu.yield
      }) : () -> ()
    } else {
    }
    return
  }
}

module attributes {stable_mosaic.version = 14 : i64} {
  func.func @_mlp_body(%arg0: i32, %arg1: memref<2x1000x128xf32, #tpu.memory_space<vmem>>, %arg2: memref<1000x128xf32, #tpu.memory_space<vmem>>, %arg3: memref<2x1000x16xf32, #tpu.memory_space<vmem>>, %arg4: memref<128x512xf32, #tpu.memory_space<vmem>>, %arg5: memref<512xf32, #tpu.memory_space<vmem>>, %arg6: memref<512x512xf32, #tpu.memory_space<vmem>>, %arg7: memref<512xf32, #tpu.memory_space<vmem>>, %arg8: memref<512x1xf32, #tpu.memory_space<vmem>>, %arg9: memref<1xf32, #tpu.memory_space<vmem>>, %arg10: memref<1000x1xf32, #tpu.memory_space<vmem>>) attributes {dimension_semantics = [#tpu.dimension_semantics<arbitrary>], iteration_bounds = array<i64: 10>, scalar_prefetch = 0 : i64, scratch_operands = 0 : i64, tpu.core_type = #tpu.core_type<tc>, window_params = [{transform_indices = @transform_0, window_bounds = array<i64: 2, 1000, 128>}, {transform_indices = @transform_1, window_bounds = array<i64: 1000, 128>}, {transform_indices = @transform_2, window_bounds = array<i64: 2, 1000, 16>}, {pipeline_mode = #tpu.pipeline_mode<synchronous>, transform_indices = @transform_3, window_bounds = array<i64: 128, 512>}, {pipeline_mode = #tpu.pipeline_mode<synchronous>, transform_indices = @transform_4, window_bounds = array<i64: 512>}, {pipeline_mode = #tpu.pipeline_mode<synchronous>, transform_indices = @transform_5, window_bounds = array<i64: 512, 512>}, {pipeline_mode = #tpu.pipeline_mode<synchronous>, transform_indices = @transform_6, window_bounds = array<i64: 512>}, {pipeline_mode = #tpu.pipeline_mode<synchronous>, transform_indices = @transform_7, window_bounds = array<i64: 512, 1>}, {pipeline_mode = #tpu.pipeline_mode<synchronous>, transform_indices = @transform_8, window_bounds = array<i64: 1>}, {transform_indices = @transform_9, window_bounds = array<i64: 1000, 1>}]} {
    %get3A = arith.constant 0 : index
    %get3A_0 = arith.constant 0 : index
    %get3A_1 = arith.constant 0 : index
    %get3A_2 = vector.load %arg3[%get3A, %get3A_0, %get3A_1] : memref<2x1000x16xf32, #tpu.memory_space<vmem>>, vector<1x1000x16xf32>
    %get3A_3 = vector.shape_cast %get3A_2 : vector<1x1000x16xf32> to vector<1000x16xf32>
    %get3A_4 = arith.constant 1 : index
    %get3A_5 = arith.constant 0 : index
    %get3A_6 = arith.constant 0 : index
    %get3A_7 = vector.load %arg3[%get3A_4, %get3A_5, %get3A_6] : memref<2x1000x16xf32, #tpu.memory_space<vmem>>, vector<1x1000x16xf32>
    %get3A_8 = vector.shape_cast %get3A_7 : vector<1x1000x16xf32> to vector<1000x16xf32>
    %add3A = arith.addf %get3A_3, %get3A_8 : vector<1000x16xf32>
    %reduce_sum3A = arith.constant dense<0.000000e+00> : vector<1000xf32>
    %reduce_sum3A_9 = vector.multi_reduction <add>, %add3A, %reduce_sum3A [1] : vector<1000x16xf32> to vector<1000xf32>
    %mul3A = arith.constant 6.250000e-02 : f32
    %mul3A_10 = vector.broadcast %mul3A : f32 to vector<1000xf32>
    %mul3A_11 = arith.mulf %reduce_sum3A_9, %mul3A_10 : vector<1000xf32>
    %add3A_12 = arith.constant 1.000000e+00 : f32
    %add3A_13 = vector.broadcast %add3A_12 : f32 to vector<1000xf32>
    %add3A_14 = arith.addf %mul3A_11, %add3A_13 : vector<1000xf32>
    %rsqrt3A = math.rsqrt %add3A_14 : vector<1000xf32>
    %get3A_15 = arith.constant 0 : index
    %get3A_16 = arith.constant 0 : index
    %get3A_17 = arith.constant 0 : index
    %get3A_18 = vector.load %arg1[%get3A_15, %get3A_16, %get3A_17] : memref<2x1000x128xf32, #tpu.memory_space<vmem>>, vector<1x1000x128xf32>
    %get3A_19 = vector.shape_cast %get3A_18 : vector<1x1000x128xf32> to vector<1000x128xf32>
    %get3A_20 = arith.constant 1 : index
    %get3A_21 = arith.constant 0 : index
    %get3A_22 = arith.constant 0 : index
    %get3A_23 = vector.load %arg1[%get3A_20, %get3A_21, %get3A_22] : memref<2x1000x128xf32, #tpu.memory_space<vmem>>, vector<1x1000x128xf32>
    %get3A_24 = vector.shape_cast %get3A_23 : vector<1x1000x128xf32> to vector<1000x128xf32>
    %add3A_25 = arith.addf %get3A_19, %get3A_24 : vector<1000x128xf32>
    %get3A_26 = arith.constant 0 : index
    %get3A_27 = arith.constant 0 : index
    %get3A_28 = vector.load %arg2[%get3A_26, %get3A_27] : memref<1000x128xf32, #tpu.memory_space<vmem>>, vector<1000x128xf32>
    %add3A_29 = arith.addf %add3A_25, %get3A_28 : vector<1000x128xf32>
    %broadcast_in_dim3A = vector.shape_cast %rsqrt3A : vector<1000xf32> to vector<1000x1xf32>
    %mul3A_30 = vector.broadcast %broadcast_in_dim3A : vector<1000x1xf32> to vector<1000x128xf32>
    %mul3A_31 = arith.mulf %add3A_29, %mul3A_30 : vector<1000x128xf32>
    %get3A_32 = arith.constant 0 : index
    %get3A_33 = arith.constant 0 : index
    %get3A_34 = vector.load %arg4[%get3A_32, %get3A_33] : memref<128x512xf32, #tpu.memory_space<vmem>>, vector<128x512xf32>
    %dot_general3A = arith.constant dense<0.000000e+00> : vector<1000x512xf32>
    %dot_general3A_35 = tpu.matmul %mul3A_31, %get3A_34, %dot_general3A {dimension_numbers = #tpu.dot_dimension_numbers<[1], [0], [0], [1], [0, 0, 1, 1], [], []>, transpose_lhs_hint = false} : vector<1000x128xf32>, vector<128x512xf32>, vector<1000x512xf32> -> vector<1000x512xf32>
    %get3A_36 = arith.constant 0 : index
    %get3A_37 = vector.load %arg5[%get3A_36] : memref<512xf32, #tpu.memory_space<vmem>>, vector<512xf32>
    %broadcast_in_dim3A_38 = vector.shape_cast %get3A_37 : vector<512xf32> to vector<1x512xf32>
    %add3A_39 = vector.broadcast %broadcast_in_dim3A_38 : vector<1x512xf32> to vector<1000x512xf32>
    %add3A_40 = arith.addf %dot_general3A_35, %add3A_39 : vector<1000x512xf32>
    %gt3A = arith.constant 0.000000e+00 : f32
    %gt3A_41 = vector.broadcast %gt3A : f32 to vector<1000x512xf32>
    %gt3A_42 = arith.cmpf ogt, %add3A_40, %gt3A_41 : vector<1000x512xf32>
    %mul3A_43 = arith.constant 2.000000e-01 : f32
    %mul3A_44 = vector.broadcast %mul3A_43 : f32 to vector<1000x512xf32>
    %mul3A_45 = arith.mulf %mul3A_44, %add3A_40 : vector<1000x512xf32>
    %select_n3A = arith.select %gt3A_42, %add3A_40, %mul3A_45 : vector<1000x512xi1>, vector<1000x512xf32>
    %get3A_46 = arith.constant 0 : index
    %get3A_47 = arith.constant 0 : index
    %get3A_48 = vector.load %arg6[%get3A_46, %get3A_47] : memref<512x512xf32, #tpu.memory_space<vmem>>, vector<512x512xf32>
    %dot_general3A_49 = arith.constant dense<0.000000e+00> : vector<1000x512xf32>
    %dot_general3A_50 = tpu.matmul %select_n3A, %get3A_48, %dot_general3A_49 {dimension_numbers = #tpu.dot_dimension_numbers<[1], [0], [0], [1], [0, 0, 1, 1], [], []>, transpose_lhs_hint = false} : vector<1000x512xf32>, vector<512x512xf32>, vector<1000x512xf32> -> vector<1000x512xf32>
    %get3A_51 = arith.constant 0 : index
    %get3A_52 = vector.load %arg7[%get3A_51] : memref<512xf32, #tpu.memory_space<vmem>>, vector<512xf32>
    %broadcast_in_dim3A_53 = vector.shape_cast %get3A_52 : vector<512xf32> to vector<1x512xf32>
    %add3A_54 = vector.broadcast %broadcast_in_dim3A_53 : vector<1x512xf32> to vector<1000x512xf32>
    %add3A_55 = arith.addf %dot_general3A_50, %add3A_54 : vector<1000x512xf32>
    %gt3A_56 = arith.constant 0.000000e+00 : f32
    %gt3A_57 = vector.broadcast %gt3A_56 : f32 to vector<1000x512xf32>
    %gt3A_58 = arith.cmpf ogt, %add3A_55, %gt3A_57 : vector<1000x512xf32>
    %mul3A_59 = arith.constant 2.000000e-01 : f32
    %mul3A_60 = vector.broadcast %mul3A_59 : f32 to vector<1000x512xf32>
    %mul3A_61 = arith.mulf %mul3A_60, %add3A_55 : vector<1000x512xf32>
    %select_n3A_62 = arith.select %gt3A_58, %add3A_55, %mul3A_61 : vector<1000x512xi1>, vector<1000x512xf32>
    %get3A_63 = arith.constant 0 : index
    %get3A_64 = arith.constant 0 : index
    %get3A_65 = vector.load %arg8[%get3A_63, %get3A_64] : memref<512x1xf32, #tpu.memory_space<vmem>>, vector<512x1xf32>
    %dot_general3A_66 = arith.constant dense<0.000000e+00> : vector<1000x1xf32>
    %dot_general3A_67 = tpu.matmul %select_n3A_62, %get3A_65, %dot_general3A_66 {dimension_numbers = #tpu.dot_dimension_numbers<[1], [0], [0], [1], [0, 0, 1, 1], [], []>, transpose_lhs_hint = false} : vector<1000x512xf32>, vector<512x1xf32>, vector<1000x1xf32> -> vector<1000x1xf32>
    %get3A_68 = arith.constant 0 : index
    %get3A_69 = vector.load %arg9[%get3A_68] : memref<1xf32, #tpu.memory_space<vmem>>, vector<1xf32>
    %broadcast_in_dim3A_70 = vector.shape_cast %get3A_69 : vector<1xf32> to vector<1x1xf32>
    %add3A_71 = vector.broadcast %broadcast_in_dim3A_70 : vector<1x1xf32> to vector<1000x1xf32>
    %add3A_72 = arith.addf %dot_general3A_67, %add3A_71 : vector<1000x1xf32>
    %swap3A = arith.constant 0 : index
    %swap3A_73 = arith.constant 0 : index
    %swap3A_74 = vector.load %arg10[%swap3A, %swap3A_73] : memref<1000x1xf32, #tpu.memory_space<vmem>>, vector<1000x1xf32>
    tpu.vector_store %arg10[%swap3A, %swap3A_73], %add3A_72 {strides = array<i32>} : memref<1000x1xf32, #tpu.memory_space<vmem>>, vector<1000x1xf32>,
    return
  }
  func.func @transform_0(%arg0: i32) -> (i32, i32, i32) {
    %c0_i32 = arith.constant 0 : i32
    %c0_i32_0 = arith.constant 0 : i32
    %c0_i32_1 = arith.constant 0 : i32
    return %c0_i32, %arg0, %c0_i32_0 : i32, i32, i32
  }
  func.func @transform_1(%arg0: i32) -> (i32, i32) {
    %c0_i32 = arith.constant 0 : i32
    %c0_i32_0 = arith.constant 0 : i32
    return %arg0, %c0_i32 : i32, i32
  }
  func.func @transform_2(%arg0: i32) -> (i32, i32, i32) {
    %c0_i32 = arith.constant 0 : i32
    %c0_i32_0 = arith.constant 0 : i32
    %c0_i32_1 = arith.constant 0 : i32
    return %c0_i32, %arg0, %c0_i32_0 : i32, i32, i32
  }
  func.func @transform_3(%arg0: i32) -> (i32, i32) {
    %c0_i32 = arith.constant 0 : i32
    %c0_i32_0 = arith.constant 0 : i32
    %c0_i32_1 = arith.constant 0 : i32
    return %c0_i32, %c0_i32_0 : i32, i32
  }
  func.func @transform_4(%arg0: i32) -> i32 {
    %c0_i32 = arith.constant 0 : i32
    %c0_i32_0 = arith.constant 0 : i32
    return %c0_i32 : i32
  }
  func.func @transform_5(%arg0: i32) -> (i32, i32) {
    %c0_i32 = arith.constant 0 : i32
    %c0_i32_0 = arith.constant 0 : i32
    %c0_i32_1 = arith.constant 0 : i32
    return %c0_i32, %c0_i32_0 : i32, i32
  }
  func.func @transform_6(%arg0: i32) -> i32 {
    %c0_i32 = arith.constant 0 : i32
    %c0_i32_0 = arith.constant 0 : i32
    return %c0_i32 : i32
  }
  func.func @transform_7(%arg0: i32) -> (i32, i32) {
    %c0_i32 = arith.constant 0 : i32
    %c0_i32_0 = arith.constant 0 : i32
    %c0_i32_1 = arith.constant 0 : i32
    return %c0_i32, %c0_i32_0 : i32, i32
  }
  func.func @transform_8(%arg0: i32) -> i32 {
    %c0_i32 = arith.constant 0 : i32
    %c0_i32_0 = arith.constant 0 : i32
    return %c0_i32 : i32
  }
  func.func @transform_9(%arg0: i32) -> (i32, i32) {
    %c0_i32 = arith.constant 0 : i32
    %c0_i32_0 = arith.constant 0 : i32
    return %arg0, %c0_i32 : i32, i32
  }
}

module attributes {stable_mosaic.version = 14 : i64} {
  func.func @_scale_body(%arg0: i32, %arg1: memref<2x1000x16xf32, #tpu.memory_space<vmem>>, %arg2: memref<1000x128xf32, #tpu.memory_space<vmem>>, %arg3: memref<1000x128xf32, #tpu.memory_space<vmem>>) attributes {dimension_semantics = [#tpu.dimension_semantics<arbitrary>], iteration_bounds = array<i64: 10>, scalar_prefetch = 0 : i64, scratch_operands = 0 : i64, tpu.core_type = #tpu.core_type<tc>, window_params = [{transform_indices = @transform_0, window_bounds = array<i64: 2, 1000, 16>}, {transform_indices = @transform_1, window_bounds = array<i64: 1000, 128>}, {transform_indices = @transform_2, window_bounds = array<i64: 1000, 128>}]} {
    %get3A = arith.constant 0 : index
    %get3A_0 = arith.constant 0 : index
    %get3A_1 = arith.constant 0 : index
    %get3A_2 = vector.load %arg1[%get3A, %get3A_0, %get3A_1] : memref<2x1000x16xf32, #tpu.memory_space<vmem>>, vector<1x1000x16xf32>
    %get3A_3 = vector.shape_cast %get3A_2 : vector<1x1000x16xf32> to vector<1000x16xf32>
    %get3A_4 = arith.constant 1 : index
    %get3A_5 = arith.constant 0 : index
    %get3A_6 = arith.constant 0 : index
    %get3A_7 = vector.load %arg1[%get3A_4, %get3A_5, %get3A_6] : memref<2x1000x16xf32, #tpu.memory_space<vmem>>, vector<1x1000x16xf32>
    %get3A_8 = vector.shape_cast %get3A_7 : vector<1x1000x16xf32> to vector<1000x16xf32>
    %add3A = arith.addf %get3A_3, %get3A_8 : vector<1000x16xf32>
    %reduce_sum3A = arith.constant dense<0.000000e+00> : vector<1000xf32>
    %reduce_sum3A_9 = vector.multi_reduction <add>, %add3A, %reduce_sum3A [1] : vector<1000x16xf32> to vector<1000xf32>
    %mul3A = arith.constant 6.250000e-02 : f32
    %mul3A_10 = vector.broadcast %mul3A : f32 to vector<1000xf32>
    %mul3A_11 = arith.mulf %reduce_sum3A_9, %mul3A_10 : vector<1000xf32>
    %add3A_12 = arith.constant 1.000000e+00 : f32
    %add3A_13 = vector.broadcast %add3A_12 : f32 to vector<1000xf32>
    %add3A_14 = arith.addf %mul3A_11, %add3A_13 : vector<1000xf32>
    %rsqrt3A = math.rsqrt %add3A_14 : vector<1000xf32>
    %get3A_15 = arith.constant 0 : index
    %get3A_16 = arith.constant 0 : index
    %get3A_17 = vector.load %arg2[%get3A_15, %get3A_16] : memref<1000x128xf32, #tpu.memory_space<vmem>>, vector<1000x128xf32>
    %broadcast_in_dim3A = vector.shape_cast %rsqrt3A : vector<1000xf32> to vector<1000x1xf32>
    %mul3A_18 = vector.broadcast %broadcast_in_dim3A : vector<1000x1xf32> to vector<1000x128xf32>
    %mul3A_19 = arith.mulf %get3A_17, %mul3A_18 : vector<1000x128xf32>
    %swap3A = arith.constant 0 : index
    %swap3A_20 = arith.constant 0 : index
    %swap3A_21 = vector.load %arg3[%swap3A, %swap3A_20] : memref<1000x128xf32, #tpu.memory_space<vmem>>, vector<1000x128xf32>
    tpu.vector_store %arg3[%swap3A, %swap3A_20], %mul3A_19 {strides = array<i32>} : memref<1000x128xf32, #tpu.memory_space<vmem>>, vector<1000x128xf32>,
    return
  }
  func.func @transform_0(%arg0: i32) -> (i32, i32, i32) {
    %c0_i32 = arith.constant 0 : i32
    %c0_i32_0 = arith.constant 0 : i32
    %c0_i32_1 = arith.constant 0 : i32
    return %c0_i32, %arg0, %c0_i32_0 : i32, i32, i32
  }
  func.func @transform_1(%arg0: i32) -> (i32, i32) {
    %c0_i32 = arith.constant 0 : i32
    %c0_i32_0 = arith.constant 0 : i32
    return %arg0, %c0_i32 : i32, i32
  }
  func.func @transform_2(%arg0: i32) -> (i32, i32) {
    %c0_i32 = arith.constant 0 : i32
    %c0_i32_0 = arith.constant 0 : i32
    return %arg0, %c0_i32 : i32, i32
  }
}

</mosaic_0001>

<sc_bundles>
// kernel: kernel.6.cloned.1.call-start
scs
__scs_entry_jumppad:
0x0: {  	(pc) =	sbr.rel $0x88, $3  }
0x1: {  	(tag) =	ssettag $0x0;
	lr =	simm.s32 $0x1  }
0x2: {  	[smem:$0x3F99] =	sst lr;
	_ =	strace $0xD0000000  }
0x3: {  	_ = 	snop  }
0x4: {  	_ = 	snop  }
0x5: {  	_ = 	snop  }
0x6: {  	_ = 	snop  }
0x7: {  	_ = 	snop  }
__scs_overlays_trampoline_lowered:
0x8: {  	[smem:$0x3FA8] =	sst s0  }
0x9: {  	[smem:$0x3FA9] =	sst s1  }
0xa: {  	[smem:$0x3FAA] =	sst s2  }
0xb: {  	[smem:$0x3FAB] =	sst s3  }
0xc: {  	[smem:$0x3FAC] =	sst s4  }
0xd: {  	[smem:$0x3FAD] =	sst s5  }
0xe: {  	[smem:$0x3FAE] =	sst s6  }
0xf: {  	[smem:$0x3FAF] =	sst s7  }
0x10: {  	[smem:$0x3FB0] =	sst s8  }
0x11: {  	[smem:$0x3FB1] =	sst s9;
	s0 =	simm.s32 @!p0 $0x0  }
0x12: {  	s1 =	sld [smem:$0x3F97];
	s0 =	simm.s32 @p0 $0x1  }
0x13: {  	[smem:$0x3FB2] =	sst s0;
	s0 =	simm.s32 @!p1 $0x0  }
0x14: {  	s2 =	sld [smem:$0x3F96];
	s0 =	simm.s32 @p1 $0x1  }
0x15: {  	[smem:$0x3FB3] =	sst s0;
	s0 =	simm.s32 @!p2 $0x0  }
0x16: {  	s3 =	sld [smem:$0x3FDB];
	s0 =	simm.s32 @p2 $0x1  }
0x17: {  	s4 =	simm.s32 $0x1BF5;
	[smem:$0x3FB5] =	sst s0  }
0x18: {  	s0 =	sld [smem:$0x3F98];
	_ =	swait.ge [sflag:s4], $0x0  }
0x19: {  	s7 =	sld [smem:$0x3F99]  }
0x1a: {  	s8 =	sadd.s32 $0xFFFFE003, lr  }
0x1b: {  	s9 =	sadd.s32 $0xFFFFFEF7, lr;
	s5 =	simm.s32 $0xFFFFFFFF;
	p2 =	slt.u32 s8, $0xFFFFF086  }
0x1c: {  	p1 =	slt.u32 s9, $0xF7A;
	s5 =	simm.s32 @!p2 $0x0  }
0x1d: {  	s5 =	simm.s32 @p1 $0x1;
	p0 =	seq.s32 s7, s2  }
0x1e: {  	s7 =	smul.u32 @!p0 $0xF7A, s2;
	p2 =	seq.s32 @!p0 s5, $0x0  }
0x1f: {  	s9 =	smul.u32 $0xF7A, s1;
	s8 =	simm.s32 @!p0 $0x1BF5;
	p2 =	por !p2, p0  }
0x20: {  	[sflag:s8] =	ssyncset.s32 @!p0 $0xFFFFF086;
	s6 =	sadd.s32 @!p0 s3, s7;
	s7 =	simm.s32 @!p0 $0x108  }
0x21: {  	s3 =	sadd.s32 s3, s9;
	s6 =	sadd.s32 @!p0 $0x88, s6;
	s7 =	simm.s32 @p2 $0x1082  }
0x22: {  	[simem:s7], [sflag:s8] =	dma.local @!p0 [hbm:s6], $0xF7A  }
0x23: {  	s9 =	sor.u32 $0xD0000000, s2;
	s6 =	simm.s32 $0x108;
	_ =	swait.ge @!p0 [sflag:s8], $0x0  }
0x24: {  	s3 =	sadd.s32 $0x88, s3;
	s6 =	simm.s32 @!p1 $0x1082;
	[sflag:s4] =	ssyncset.s32 $0xFFFFF086  }
0x25: {  	[simem:s6], [sflag:s4] =	dma.local [hbm:s3], $0xF7A  }
0x26: {  	[smem:$0x3F99] =	sst s1;
	(tag) =	ssettag s2;
	_ =	strace s9  }
0x27: {  	s1 =	sld [smem:$0x3FA9]  }
0x28: {  	s2 =	sld [smem:$0x3FAA]  }
0x29: {  	s4 =	sld [smem:$0x3FAC]  }
0x2a: {  	p0 =	seq.s32 s5, $0x0;
	s5 =	sld [smem:$0x3FAD]  }
0x2b: {  	s6 =	sld [smem:$0x3FAE]  }
0x2c: {  	s7 =	sld [smem:$0x3FAF]  }
0x2d: {  	s3 =	simm.s32 $0x108;
	s8 =	sld [smem:$0x3FB0]  }
0x2e: {  	s3 =	simm.s32 @!p0 $0x1082;
	s9 =	sld [smem:$0x3FB1]  }
0x2f: {  	lr =	sadd.s32 s0, s3;
	s0 =	sld [smem:$0x3FA8]  }
0x30: {  	s3 =	sld [smem:$0x3FAB]  }
0x31: {  	[smem:$0x3FB4] =	sst s10  }
0x32: {  	s10 =	sld [smem:$0x3FB2];
	_ =	sdelay $0x3  }
0x33: {  	p0 =	seq.s32 s10, $0x1;
	s10 =	sld [smem:$0x3FB4];
	_ =	sdelay $0x3  }
0x34: {  	[smem:$0x3FB4] =	sst s10  }
0x35: {  	s10 =	sld [smem:$0x3FB3];
	_ =	sdelay $0x3  }
0x36: {  	p1 =	seq.s32 s10, $0x1;
	s10 =	sld [smem:$0x3FB4];
	_ =	sdelay $0x3  }
0x37: {  	[smem:$0x3FB4] =	sst s10  }
0x38: {  	s10 =	sld [smem:$0x3FB5]  }
0x39: {  	_ = 	snop;
	(pc) =	sbr.ind lr, $3  }
0x3a: {  	_ = 	snop  }
0x3b: {  	_ = 	snop  }
0x3c: {  	p2 =	seq.s32 s10, $0x1;
	s10 =	sld [smem:$0x3FB4]  }
0x3d: {  	_ =	shalt  }
0x3e: {  	_ =	shalt  }
0x3f: {  	_ =	shalt  }
0x40: {  	_ =	shalt  }
0x41: {  	_ =	shalt  }
0x42: {  	_ =	shalt  }
0x43: {  	_ =	shalt  }
0x44: {  	_ =	shalt  }
0x45: {  	_ =	shalt  }
0x46: {  	_ =	shalt  }
0x47: {  	_ =	shalt  }
0x48: {  	_ =	shalt  }
0x49: {  	_ =	shalt  }
0x4a: {  	_ =	shalt  }
0x4b: {  	_ =	shalt  }
0x4c: {  	_ =	shalt  }
0x4d: {  	_ =	shalt  }
0x4e: {  	_ =	shalt  }
0x4f: {  	_ =	shalt  }
0x50: {  	_ =	shalt  }
0x51: {  	_ =	shalt  }
0x52: {  	_ =	shalt  }
0x53: {  	_ =	shalt  }
0x54: {  	_ =	shalt  }
0x55: {  	_ =	shalt  }
0x56: {  	_ =	shalt  }
0x57: {  	_ =	shalt  }
0x58: {  	_ =	shalt  }
0x59: {  	_ =	shalt  }
0x5a: {  	_ =	shalt  }
0x5b: {  	_ =	shalt  }
0x5c: {  	_ =	shalt  }
0x5d: {  	_ =	shalt  }
0x5e: {  	_ =	shalt  }
0x5f: {  	_ =	shalt  }
0x60: {  	_ =	shalt  }
0x61: {  	_ =	shalt  }
0x62: {  	_ =	shalt  }
0x63: {  	_ =	shalt  }
0x64: {  	_ =	shalt  }
0x65: {  	_ =	shalt  }
0x66: {  	_ =	shalt  }
0x67: {  	_ =	shalt  }
0x68: {  	_ =	shalt  }
0x69: {  	_ =	shalt  }
0x6a: {  	_ =	shalt  }
0x6b: {  	_ =	shalt  }
0x6c: {  	_ =	shalt  }
0x6d: {  	_ =	shalt  }
0x6e: {  	_ =	shalt  }
0x6f: {  	_ =	shalt  }
0x70: {  	_ =	shalt  }
0x71: {  	_ =	shalt  }
0x72: {  	_ =	shalt  }
0x73: {  	_ =	shalt  }
0x74: {  	_ =	shalt  }
0x75: {  	_ =	shalt  }
0x76: {  	_ =	shalt  }
0x77: {  	_ =	shalt  }
0x78: {  	_ =	shalt  }
0x79: {  	_ =	shalt  }
0x7a: {  	_ =	shalt  }
0x7b: {  	_ =	shalt  }
0x7c: {  	_ =	shalt  }
0x7d: {  	_ =	shalt  }
0x7e: {  	_ =	shalt  }
0x7f: {  	_ =	shalt  }
0x80: {  	_ =	shalt  }
0x81: {  	_ =	shalt  }
0x82: {  	_ =	shalt  }
0x83: {  	_ =	shalt  }
0x84: {  	_ =	shalt  }
0x85: {  	_ =	shalt  }
0x86: {  	_ =	shalt  }
0x87: {  	_ =	shalt  }
.Lfunc_end0:
.L_simem_size_0:
called_computation_lowered:
.L_overlay_start_0:
0x88: {  	s2 =	sld [smem:$0x3FD9]  }
0x89: {  	s3 =	sld [smem:$0x3FFE];
	_ =	sdelay $0x1  }
0x8a: {  	s1 =	srdreg.scid  }
0x8b: {  	s0 =	sand.u32 $0x1, s1  }
0x8c: {  	s16 =	sshll.u32 s0, $0xA;
	s2 =	sadd.s32 s3, s2  }
0x8d: {  	s2 =	sadd.s32 s2, s16  }
0x8e: {  	[smem:$0x3FC0] =	sst s2  }
0x8f: {  	_ = 	snop  }
0x90: {  	(tm) =	ssettm $0x1  }
0x91: {  	s17 =	sld [smem:$0x3FFB];
	_ =	sdelay $0x3  }
0x92: {  	_ =	strace s17  }
0x93: {  	s2 =	sld [smem:$0x3FFC];
	_ =	sdelay $0x3  }
0x94: {  	_ =	strace s2  }
0x95: {  	s2 =	sld [smem:$0x3FFD];
	_ =	sdelay $0x3  }
0x96: {  	_ =	strace s2  }
0x97: {  	_ =	strace $0x8FFFFFFF  }
0x98: {  	s18 =	sld [smem:$0x3FDB];
	_ =	sdelay $0x1  }
0x99: {  	s19 =	simm.s32 $_scs_section_size  }
0x9a: {  	s4 =	simm.s32 $_size__tile_overlayer_lowered;
	s5 =	simm.s32 $_tile_overlayer_lowered  }
0x9b: {  	s22 =	simm.s32 $0x1BFF;
	s21 =	sshll.u32 s5, $0x1;
	s2 =	sadd.s32 s19, s18  }
0x9c: {  	s6 =	simm.s32 $0x0;
	s20 =	sshll.u32 s4, $0x1;
	s4 =	sadd.s32 s21, s2  }
0x9d: {  	[timem:s6], [sflag:s22] =	dma.local [hbm:s4], s20  }
0x9e: {  	_ =	swait.ge [sflag:s22], s20  }
0x9f: {  	s3 =	ssub.s32 $0x0, s20;
	[sflag:s22] =	ssyncset.done $0x0  }
0xa0: {  	[sflag:s22] =	ssyncadd.s32 s3;
	_ =	sdelay $0x1  }
0xa1: {  	s23 =	simm.s32 $0x1B8B  }
0xa2: {  	_ =	swait.ge [sflag:s23], $0x1  }
0xa3: {  	[sflag:s23] =	ssyncset.done $0x0  }
0xa4: {  	s25 =	simm.s32 $0x1B8E;
	s24 =	sld [smem:$0x3FFE];
	[sflag:s23] =	ssyncadd.s32 $0xFFFFFFFF  }
0xa5: {  	s26 =	simm.s32 $execute0_lowered;
	[smem:$0x3FD2] =	sst s25  }
0xa6: {  	s4 =	sshll.u32 s26, $0x1;
	_ =	strace $0x80000046;
	[dreg:$0x1] =	wrdreg $0xFFFFFFFF  }
0xa7: {  	s28 =	simm.s32 $_size_execute0_lowered;
	s2 =	sadd.s32 s2, s4;
	[dreg:$0x0] =	wrdreg $0x0  }
0xa8: {  	s4 =	sshll.u32 s28, $0x1;
	[dreg:$0x2] =	wrdreg s2  }
0xa9: {  	[dreg:$0x3] =	wrdreg s4  }
0xaa: {  	[dreg:$0x4] =	wrdreg $0xC0  }
0xab: {  	_ =	task [dreg:s6], $0x5FFFF  }
0xac: {  	[dreg:$0x1] =	wrdreg $0xFFFFFFFF  }
0xad: {  	[dreg:$0x0] =	wrdreg $0x60  }
0xae: {  	[dreg:$0x2] =	wrdreg s24  }
0xaf: {  	[dreg:$0x3] =	wrdreg $0x44800  }
0xb0: {  	[dreg:$0x4] =	wrdreg $0x9  }
0xb1: {  	_ =	task.clear_ibuf [dreg:s6], $0x5FFFF;
	_ =	strace $0x90000046  }
0xb2: {  	s29 =	simm.s32 $0x9;
	_ =	strace $0x80000048  }
0xb3: {  	_ =	swait.ge [sflag:s29], $0x1  }
0xb4: {  	[sflag:s29] =	ssyncadd.s32 $0xFFFFFFFF  }
0xb5: {  	_ =	strace $0x90000048  }
0xb6: {  	_ =	sfence  }
0xb7: {  	s30 =	sld [smem:$0x0];
	_ =	sdelay $0x2  }
0xb8: {  	s31 =	sshll.u32 s1, $0xD;
	s1 =	sshrl.u32 s1, $0x2  }
0xb9: {  	s3 =	sand.u32 $0x4000, s31;
	s1 =	sadd.s32 s1, s30  }
0xba: {  	s0 =	sor.u32 s3, s0;
	s1 =	sshll.u32 s1, $0x11  }
0xbb: {  	s0 =	sor.u32 s1, s0  }
0xbc: {  	s0 =	sadd.s32 $0x8F2B, s0  }
0xbd: {  	[sflag:s0] =	ssyncadd.remote.s32 $0x1  }
0xbe: {  	_ =	sfence.sel $0xFFFF  }
0xbf: {  	[dreg:$0x0] =	wrdreg $0xFFFFFFFF;
	(pc) =	sbr.abs _section_cstart, $3  }
0xc0: {  	[dreg:$0x1] =	wrdreg $0xFFFFFFFF  }
0xc1: {  	_ =	task.clear_ibuf [dreg:s6], $0x2FFFF;
	_ =	strace $0x9FFFFFFF  }
0xc2: {  	(tm) =	ssettm $0x7FFFFFFF  }
0xc3: {  	_ =	shalt  }
tec
execute0_lowered:
.L_overlay_start_1:
0x0: {  	(tag) =	ssettag $0x1  }
0x1: {  	s0 =	rddreg [dreg:$0x0]  }
0x2: {  	s2 =	rddreg [dreg:$0x1]  }
0x3: {  	s3 =	simm.s32 $0x0;
	s12 =	stileid.u32;
	s4 =	srdreg.scid  }
0x4: {  	s28 =	simm.s32 $0x4000;
	s29 =	simm.s32 $0x4100;
	s30 =	simm.s32 $0x4180  }
0x5: {  	s31 =	simm.s32 $0x1;
	[smem:$0x7FF] =	sst s3;
	s1 =	smul.u32 $0x13800, s12  }
0x6: {  	s6 =	sand.u32 $0x1, s4;
	s4 =	sadd.s32 $0x2200, s0;
	s9 =	smul.u32 $0x4E000, s12  }
0x7: {  	s11 =	sadd.s32 $0x3CE00, s0;
	s20 =	sshll.u32 s12, $0x6;
	s21 =	sadd.s32 $0x138000, s2  }
0x8: {  	s14 =	smul.u32 $0x2710, s12;
	p0 =	sne.s32 s12, $0xF;
	_ =	strace $0x80000047  }
0x9: {  	s7 =	sshll.u32 s6, $0x4;
	s8 =	ssub.s32 $0x2, s6;
	s24 =	smul.u32 $0x138800, s6  }
0xa: {  	[dreg:$0x6] =	wrdreg s21;
	s6 =	smul.u32 $0x27100, s6;
	s5 =	sshrl.u32 s1, $0x3  }
0xb: {  	s7 =	sor.u32 s12, s7;
	s19 =	sshrl.u32 s8, $0x1;
	s9 =	sshrl.u32 s9, $0x2  }
0xc: {  	s12 =	simm.s32 $0x4380;
	s10 =	sadd.s32 s5, s0;
	s7 =	smul.u32 $0x2710, s7  }
0xd: {  	s8 =	ssub.s32 s8, s19;
	s9 =	sadd.s32 s9, s2;
	s19 =	sor.u32 $0x1C0A, s20  }
0xe: {  	s0 =	sadd.s32 $0x3CC00, s0;
	s16 =	sadd.s32 s1, s24;
	s17 =	sshrl.u32 s24, $0x3  }
0xf: {  	s6 =	sadd.s32 s14, s6;
	s14 =	simm.s32 $0x9;
	[dreg:$0x3] =	wrdreg s9  }
0x10: {  	s10 =	sadd.s32 $0x15C00, s10;
	[dreg:$0x7] =	wrdreg s0;
	s18 =	sadd.s32 s11, s17  }
0x11: {  	s20 =	sadd.s32 $0x4E600, s6;
	s21 =	smax.u32 s8, $0x1;
	s24 =	sadd.s32 $0x4E700, s6  }
0x12: {  	s9 =	simm.s32 $0x3;
	[dreg:$0x5] =	wrdreg s19;
	s5 =	sadd.s32 $0x4E200, s7  }
0x13: {  	[dreg:$0x4] =	wrdreg s10;
	s7 =	sshrl.u32 s7, $0x3;
	s22 =	sshrl.u32 s5, $0x3  }
0x14: {  	[dreg:$0x11] =	wrdreg s21;
	s23 =	sadd.s32 s4, s7;
	s0 =	sadd.s32 s4, s22  }
0x15: {  	s17 =	simm.s32 $0x8;
	s25 =	sadd.s32 $0x9C50, s23;
	[dreg:$0x8] =	wrdreg s0  }
0x16: {  	s1 =	sshrl.u32 s24, $0x3;
	s26 =	sadd.s32 $0x9C60, s23;
	[dreg:$0x9] =	wrdreg s25  }
0x17: {  	s21 =	simm.s32 $0x0;
	s10 =	sadd.s32 $0x9C70, s23;
	[dreg:$0xa] =	wrdreg s26  }
0x18: {  	s7 =	simm.s32 $0x4280;
	s13 =	sadd.s32 $0xA100, s23;
	[dreg:$0xb] =	wrdreg s10  }
0x19: {  	s15 =	sadd.s32 $0xA110, s23;
	s22 =	sshrl.u32 s20, $0x3;
	[dreg:$0xc] =	wrdreg s13  }
0x1a: {  	s20 =	simm.s32 $0xA;
	[dreg:$0xd] =	wrdreg s15;
	s0 =	sadd.s32 $0xA120, s23  }
0x1b: {  	s23 =	sadd.s32 $0x4E680, s6;
	s6 =	sadd.s32 $0x4E780, s6;
	s25 =	sadd.s32 s1, s4  }
0x1c: {  	s1 =	simm.s32 $0x4200;
	[dreg:$0xe] =	wrdreg s0;
	s0 =	sshrl.u32 s16, $0x3  }
0x1d: {  	s10 =	simm.s32 $0x4300;
	[dreg:$0x14] =	wrdreg s25;
	s0 =	sadd.s32 s11, s0  }
0x1e: {  	s13 =	simm.s32 $0x5;
	[dreg:$0xf] =	wrdreg s0;
	s0 =	sadd.s32 $0x27000, s18  }
0x1f: {  	s15 =	simm.s32 $0x6;
	[dreg:$0x10] =	wrdreg s0;
	s0 =	sadd.s32 s22, s4  }
0x20: {  	s26 =	sshrl.u32 s6, $0x3;
	[dreg:$0x12] =	wrdreg s0;
	s0 =	sshrl.u32 s23, $0x3  }
0x21: {  	s25 =	simm.s32 $0x4080;
	s6 =	simm.s32 $0x2;
	s0 =	sadd.s32 s0, s4  }
0x22: {  	s16 =	simm.s32 $0x7;
	[dreg:$0x13] =	wrdreg s0;
	s0 =	sadd.s32 s26, s4  }
0x23: {  	v0 =	vimm.f32 $1.000000000e+00;
	s11 =	simm.s32 $0x4;
	[dreg:$0x15] =	wrdreg s0;
	s0 =	simm.s32 $0x80  }
.LBB2_1:
0x24: {  	[dreg:$0x16] =	wrdreg s21;
	s8 =	simm.s32 $0x200;
	s18 =	simm.s32 $0x0  }
.LBB2_2:
0x25: {  	p1 =	sne.s32 s8, $0xFE00;
	[tilespmem:s18+$0x0] =	vst v0;
	s18 =	smov.u32 s8;
	s8 =	sadd.s32 $0x200, s8  }
.Ltmp0:
0x26: {  	(pc) =	sbr.rel @p1 .LBB2_2-.Ltmp0, $2  }
0x27: {  	_ =	sdelay $0x2  }
0x28: {  	s18 =	sshra.s32 s18, $0x2  }
0x29: {  	s8 =	rddreg [dreg:$0x3]  }
0x2a: {  	s26 =	rddreg [dreg:$0x4];
	s24 =	sshrl.u32 s8, $0x3  }
0x2b: {  	[tilespmem:s18+$0x0] =	vst v0;
	[dreg:$0x17] =	wrdreg s24  }
0x2c: {  	[spmem:s24], [sflag:s19] =	dma.local [hbm:s26], $0x2700  }
0x2d: {  	_ =	swait.ge [sflag:s20], $0x2700  }
0x2e: {  	s8 =	rddreg [dreg:$0x6]  }
0x2f: {  	[sflag:s20] =	ssyncset.done $0x0;
	s18 =	sshrl.u32 @!p0 s8, $0x3;
	s8 =	rddreg [dreg:$0x7]  }
0x30: {  	[sflag:s20] =	ssyncadd.s32 $0xFFFFD900;
	[dreg:$0x18] =	wrdreg s18  }
0x31: {  	[spmem:s18], [sflag:s19] =	dma.local @!p0 [hbm:s8], $0x100  }
0x32: {  	s8 =	simm.s32 @!p0 $0xA  }
0x33: {  	_ =	swait.ge @!p0 [sflag:s8], $0x100  }
0x34: {  	[sflag:s8] =	ssyncset.done @!p0 $0x0  }
0x35: {  	[sflag:s8] =	ssyncadd.s32 @!p0 $0xFFFFFF00  }
0x36: {  	[bflag:$0x0] =	sbarrier.arrive $0xFFFF  }
0x37: {  	s20 =	rddreg [dreg:$0x8]  }
0x38: {  	[tilespmem:s28], [sflag:$0x1] =	stream.linear.gather [hbm4b:s20+s3], $0x80, $0x38;
	[tilespmem:$0x6B90] =	vst v63  }
0x39: {  	s21 =	rddreg [dreg:$0x9]  }
0x3a: {  	[tilespmem:s25], [sflag:$0x2] =	stream.linear.gather [hbm4b:s21+s3], $0x80, $0x38;
	[tilespmem:$0x6B90] =	vst v63  }
0x3b: {  	s22 =	rddreg [dreg:$0xa]  }
0x3c: {  	[tilespmem:s29], [sflag:$0x3] =	stream.linear.gather [hbm4b:s22+s3], $0x80, $0x38;
	[tilespmem:$0x6B90] =	vst v63  }
0x3d: {  	s23 =	rddreg [dreg:$0xb]  }
0x3e: {  	[tilespmem:s30], [sflag:$0x4] =	stream.linear.gather [hbm4b:s23+s3], $0x80, $0x38;
	[tilespmem:$0x6B90] =	vst v63  }
0x3f: {  	p1 =	por $0x1, $0x1;
	_ =	swait.ge [sflag:s31], $0x80  }
0x40: {  	s8 =	simm.s32 @!p1 $0x200;
	[sflag:s31] =	ssyncset.done $0x0  }
0x41: {  	s18 =	simm.s32 @!p1 $0x9;
	s8 =	simm.s32 @p1 $0x200;
	[sflag:s31] =	ssyncadd.s32 $0xFFFFFF80  }
0x42: {  	[spmem:s2] =	stream.indirect.scatter.add.f32 [tilespmem:s3], [sflag:$0x9], $0x10, s28, s0, $0xb8;
	[tilespmem:$0x6B90] =	vst v63  }
0x43: {  	s8 =	sadd.s32 s5, s8;
	_ =	swait.ge @!p1 [sflag:s18], $0x800  }
0x44: {  	s8 =	sshrl.u32 s8, $0x3;
	[sflag:s18] =	ssyncset.done @!p1 $0x0  }
0x45: {  	s8 =	sadd.s32 s4, s8;
	[sflag:s18] =	ssyncadd.s32 @!p1 $0xFFFFF800  }
0x46: {  	[tilespmem:s1], [sflag:$0x5] =	stream.linear.gather [hbm4b:s8+s3], $0x80, $0x38;
	[tilespmem:$0x6B90] =	vst v63  }
0x47: {  	_ =	swait.ge [sflag:s6], $0x80  }
0x48: {  	s8 =	simm.s32 @!p1 $0x280;
	[sflag:s6] =	ssyncset.done $0x0  }
0x49: {  	s8 =	simm.s32 @p1 $0x280;
	[sflag:s6] =	ssyncadd.s32 $0xFFFFFF80  }
0x4a: {  	[spmem:s2] =	stream.indirect.scatter.add.f32 [tilespmem:s3], [sflag:$0x9], $0x10, s25, s0, $0xb8;
	[tilespmem:$0x6B90] =	vst v63  }
0x4b: {  	s8 =	sadd.s32 s5, s8;
	_ =	swait.ge @!p1 [sflag:s18], $0x800  }
0x4c: {  	s8 =	sshrl.u32 s8, $0x3;
	[sflag:s18] =	ssyncset.done @!p1 $0x0  }
0x4d: {  	s8 =	sadd.s32 s4, s8;
	[sflag:s18] =	ssyncadd.s32 @!p1 $0xFFFFF800  }
0x4e: {  	[tilespmem:s7], [sflag:$0x6] =	stream.linear.gather [hbm4b:s8+s3], $0x80, $0x38;
	[tilespmem:$0x6B90] =	vst v63  }
0x4f: {  	_ =	swait.ge [sflag:s9], $0x80  }
0x50: {  	s8 =	simm.s32 @!p1 $0x300;
	[sflag:s9] =	ssyncset.done $0x0  }
0x51: {  	s8 =	simm.s32 @p1 $0x300;
	[sflag:s9] =	ssyncadd.s32 $0xFFFFFF80  }
0x52: {  	[spmem:s2] =	stream.indirect.scatter.add.f32 [tilespmem:s3], [sflag:$0x9], $0x10, s29, s0, $0xb8;
	[tilespmem:$0x6B90] =	vst v63  }
0x53: {  	s8 =	sadd.s32 s5, s8;
	_ =	swait.ge @!p1 [sflag:s18], $0x800  }
0x54: {  	s8 =	sshrl.u32 s8, $0x3;
	[sflag:s18] =	ssyncset.done @!p1 $0x0  }
0x55: {  	s8 =	sadd.s32 s4, s8;
	[sflag:s18] =	ssyncadd.s32 @!p1 $0xFFFFF800  }
0x56: {  	[tilespmem:s10], [sflag:$0x7] =	stream.linear.gather [hbm4b:s8+s3], $0x80, $0x38;
	[tilespmem:$0x6B90] =	vst v63  }
0x57: {  	_ =	swait.ge [sflag:s11], $0x80  }
0x58: {  	s8 =	simm.s32 $0x380;
	[sflag:s11] =	ssyncset.done $0x0  }
0x59: {  	s8 =	simm.s32 @p1 $0x380;
	[sflag:s11] =	ssyncadd.s32 $0xFFFFFF80  }
0x5a: {  	[spmem:s2] =	stream.indirect.scatter.add.f32 [tilespmem:s3], [sflag:$0x9], $0x10, s30, s0, $0xb8;
	[tilespmem:$0x6B90] =	vst v63  }
0x5b: {  	s8 =	sadd.s32 s5, s8;
	_ =	swait.ge @!p1 [sflag:s18], $0x800  }
0x5c: {  	s8 =	sshrl.u32 s8, $0x3;
	[sflag:s18] =	ssyncset.done @!p1 $0x0  }
0x5d: {  	s8 =	sadd.s32 s4, s8;
	[sflag:s18] =	ssyncadd.s32 @!p1 $0xFFFFF800  }
0x5e: {  	[tilespmem:s12], [sflag:$0x8] =	stream.linear.gather [hbm4b:s8+s3], $0x80, $0x38;
	[tilespmem:$0x6B90] =	vst v63  }
0x5f: {  	_ =	swait.ge [sflag:s13], $0x80  }
0x60: {  	[sflag:s13] =	ssyncset.done $0x0  }
0x61: {  	[sflag:s13] =	ssyncadd.s32 $0xFFFFFF80  }
0x62: {  	[spmem:s2] =	stream.indirect.scatter.add.f32 [tilespmem:s3], [sflag:$0x9], $0x10, s1, s0, $0xb8;
	[tilespmem:$0x6B90] =	vst v63  }
0x63: {  	_ =	swait.ge [sflag:s14], $0x800  }
0x64: {  	[sflag:s14] =	ssyncset.done $0x0  }
0x65: {  	s20 =	rddreg [dreg:$0x12];
	[sflag:s14] =	ssyncadd.s32 $0xFFFFF800  }
0x66: {  	[tilespmem:s28], [sflag:$0x1] =	stream.linear.gather [hbm4b:s20+s3], $0x80, $0x38;
	[tilespmem:$0x6B90] =	vst v63  }
0x67: {  	_ =	swait.ge [sflag:s15], $0x80  }
0x68: {  	[sflag:s15] =	ssyncset.done $0x0  }
0x69: {  	[sflag:s15] =	ssyncadd.s32 $0xFFFFFF80  }
0x6a: {  	[spmem:s2] =	stream.indirect.scatter.add.f32 [tilespmem:s3], [sflag:$0x9], $0x10, s7, s0, $0xb8;
	[tilespmem:$0x6B90] =	vst v63  }
0x6b: {  	_ =	swait.ge [sflag:s14], $0x800  }
0x6c: {  	[sflag:s14] =	ssyncset.done $0x0  }
0x6d: {  	s24 =	rddreg [dreg:$0x13];
	[sflag:s14] =	ssyncadd.s32 $0xFFFFF800  }
0x6e: {  	[tilespmem:s25], [sflag:$0x2] =	stream.linear.gather [hbm4b:s24+s3], $0x80, $0x38;
	[tilespmem:$0x6B90] =	vst v63  }
0x6f: {  	_ =	swait.ge [sflag:s16], $0x80  }
0x70: {  	[sflag:s16] =	ssyncset.done $0x0  }
0x71: {  	[sflag:s16] =	ssyncadd.s32 $0xFFFFFF80  }
0x72: {  	[spmem:s2] =	stream.indirect.scatter.add.f32 [tilespmem:s3], [sflag:$0x9], $0x10, s10, s0, $0xb8;
	[tilespmem:$0x6B90] =	vst v63  }
0x73: {  	s21 =	simm.s32 $0x780;
	_ =	swait.ge [sflag:s14], $0x800  }
0x74: {  	s23 =	sadd.s32 $0x80, s24;
	[sflag:s14] =	ssyncset.done $0x0;
	s26 =	rddreg [dreg:$0x15]  }
0x75: {  	s25 =	rddreg [dreg:$0x14];
	[sflag:s14] =	ssyncadd.s32 $0xFFFFF800;
	s22 =	sadd.s32 $0x80, s26  }
0x76: {  	[tilespmem:s29], [sflag:$0x3] =	stream.linear.gather [hbm4b:s25+s3], $0x80, $0x38;
	[tilespmem:$0x6B90] =	vst v63  }
0x77: {  	s24 =	sadd.s32 $0x80, s25;
	s18 =	smov.u32 s26;
	_ =	swait.ge [sflag:s17], $0x80  }
.LBB2_4:
0x78: {  	[sflag:s17] =	ssyncset.done $0x0  }
0x79: {  	s20 =	sadd.s32 $0x80, s20;
	s8 =	smov.u32 s21;
	s21 =	sadd.s32 $0x400, s21  }
0x7a: {  	p1 =	sne.s32 s21, $0x2780;
	[sflag:s17] =	ssyncadd.s32 $0xFFFFFF80  }
0x7b: {  	[spmem:s2] =	stream.indirect.scatter.add.f32 [tilespmem:s3], [sflag:$0x9], $0x10, s12, s0, $0xb8;
	[tilespmem:$0x6B90] =	vst v63  }
0x7c: {  	p2 =	seq.s32 s8, $0x380;
	s26 =	smov.u32 s8;
	_ =	swait.ge [sflag:s14], $0x800  }
0x7d: {  	s25 =	sadd.s32 @!p2 $0xFFFFFE80, s8;
	s19 =	sadd.s32 @!p2 $0xFFFFFF00, s8;
	[sflag:s14] =	ssyncset.done $0x0  }
0x7e: {  	s26 =	simm.s32 @p2 $0x380;
	s19 =	simm.s32 @p2 $0x280;
	[sflag:s14] =	ssyncadd.s32 $0xFFFFF800  }
0x7f: {  	[tilespmem:s30], [sflag:$0x4] =	stream.linear.gather [hbm4b:s18+s3], $0x80, $0x38;
	[tilespmem:$0x6B90] =	vst v63  }
0x80: {  	s25 =	simm.s32 @p2 $0x200;
	s19 =	sadd.s32 s5, s19;
	s18 =	sadd.s32 @!p2 $0xFFFFFF80, s8  }
0x81: {  	s25 =	sadd.s32 s5, s25;
	s18 =	simm.s32 @p2 $0x300;
	_ =	swait.ge [sflag:s31], $0x80  }
0x82: {  	s25 =	sshrl.u32 s25, $0x3;
	s8 =	simm.s32 @!p2 $0x9;
	[sflag:s31] =	ssyncset.done $0x0  }
0x83: {  	s26 =	sadd.s32 s5, s26;
	s25 =	sadd.s32 s4, s25;
	[sflag:s31] =	ssyncadd.s32 $0xFFFFFF80  }
0x84: {  	[spmem:s2] =	stream.indirect.scatter.add.f32 [tilespmem:s3], [sflag:$0x9], $0x10, s28, s0, $0xb8;
	[tilespmem:$0x6B90] =	vst v63  }
0x85: {  	s26 =	sshrl.u32 s26, $0x3;
	s18 =	sadd.s32 s5, s18;
	_ =	swait.ge @!p2 [sflag:s8], $0x800  }
0x86: {  	s28 =	sshrl.u32 s18, $0x3;
	s18 =	smov.u32 s22;
	[sflag:s8] =	ssyncset.done @!p2 $0x0  }
0x87: {  	s19 =	sshrl.u32 s19, $0x3;
	[sflag:s8] =	ssyncadd.s32 @!p2 $0xFFFFF800  }
0x88: {  	[tilespmem:s1], [sflag:$0x5] =	stream.linear.gather [hbm4b:s25+s3], $0x80, $0x38;
	[tilespmem:$0x6B90] =	vst v63  }
0x89: {  	s25 =	simm.s32 $0x4080  }
0x8a: {  	s19 =	sadd.s32 s4, s19;
	_ =	swait.ge [sflag:s6], $0x80  }
0x8b: {  	[sflag:s6] =	ssyncset.done $0x0  }
0x8c: {  	[sflag:s6] =	ssyncadd.s32 $0xFFFFFF80  }
0x8d: {  	[spmem:s2] =	stream.indirect.scatter.add.f32 [tilespmem:s3], [sflag:$0x9], $0x10, s25, s0, $0xb8;
	[tilespmem:$0x6B90] =	vst v63  }
0x8e: {  	_ =	swait.ge @!p2 [sflag:s8], $0x800  }
0x8f: {  	[sflag:s8] =	ssyncset.done @!p2 $0x0  }
0x90: {  	[sflag:s8] =	ssyncadd.s32 @!p2 $0xFFFFF800  }
0x91: {  	[tilespmem:s7], [sflag:$0x6] =	stream.linear.gather [hbm4b:s19+s3], $0x80, $0x38;
	[tilespmem:$0x6B90] =	vst v63  }
0x92: {  	_ =	swait.ge [sflag:s9], $0x80  }
0x93: {  	s19 =	sadd.s32 s4, s28;
	s28 =	simm.s32 $0x4000;
	[sflag:s9] =	ssyncset.done $0x0  }
0x94: {  	[sflag:s9] =	ssyncadd.s32 $0xFFFFFF80  }
0x95: {  	[spmem:s2] =	stream.indirect.scatter.add.f32 [tilespmem:s3], [sflag:$0x9], $0x10, s29, s0, $0xb8;
	[tilespmem:$0x6B90] =	vst v63  }
0x96: {  	_ =	swait.ge @!p2 [sflag:s8], $0x800  }
0x97: {  	[sflag:s8] =	ssyncset.done @!p2 $0x0  }
0x98: {  	[sflag:s8] =	ssyncadd.s32 @!p2 $0xFFFFF800  }
0x99: {  	[tilespmem:s10], [sflag:$0x7] =	stream.linear.gather [hbm4b:s19+s3], $0x80, $0x38;
	[tilespmem:$0x6B90] =	vst v63  }
0x9a: {  	_ =	swait.ge [sflag:s11], $0x80  }
0x9b: {  	s19 =	sadd.s32 s4, s26;
	[sflag:s11] =	ssyncset.done $0x0  }
0x9c: {  	[sflag:s11] =	ssyncadd.s32 $0xFFFFFF80  }
0x9d: {  	[spmem:s2] =	stream.indirect.scatter.add.f32 [tilespmem:s3], [sflag:$0x9], $0x10, s30, s0, $0xb8;
	[tilespmem:$0x6B90] =	vst v63  }
0x9e: {  	_ =	swait.ge @!p2 [sflag:s8], $0x800  }
0x9f: {  	[sflag:s8] =	ssyncset.done @!p2 $0x0  }
0xa0: {  	[sflag:s8] =	ssyncadd.s32 @!p2 $0xFFFFF800  }
0xa1: {  	[tilespmem:s12], [sflag:$0x8] =	stream.linear.gather [hbm4b:s19+s3], $0x80, $0x38;
	[tilespmem:$0x6B90] =	vst v63  }
0xa2: {  	_ =	swait.ge [sflag:s13], $0x80  }
0xa3: {  	[sflag:s13] =	ssyncset.done $0x0  }
0xa4: {  	[sflag:s13] =	ssyncadd.s32 $0xFFFFFF80  }
0xa5: {  	[spmem:s2] =	stream.indirect.scatter.add.f32 [tilespmem:s3], [sflag:$0x9], $0x10, s1, s0, $0xb8;
	[tilespmem:$0x6B90] =	vst v63  }
0xa6: {  	_ =	swait.ge [sflag:s14], $0x800  }
0xa7: {  	[sflag:s14] =	ssyncset.done $0x0  }
0xa8: {  	[sflag:s14] =	ssyncadd.s32 $0xFFFFF800  }
0xa9: {  	[tilespmem:s28], [sflag:$0x1] =	stream.linear.gather [hbm4b:s20+s3], $0x80, $0x38;
	[tilespmem:$0x6B90] =	vst v63  }
0xaa: {  	_ =	swait.ge [sflag:s15], $0x80  }
0xab: {  	[sflag:s15] =	ssyncset.done $0x0  }
0xac: {  	[sflag:s15] =	ssyncadd.s32 $0xFFFFFF80  }
0xad: {  	[spmem:s2] =	stream.indirect.scatter.add.f32 [tilespmem:s3], [sflag:$0x9], $0x10, s7, s0, $0xb8;
	[tilespmem:$0x6B90] =	vst v63  }
0xae: {  	_ =	swait.ge [sflag:s14], $0x800  }
0xaf: {  	[sflag:s14] =	ssyncset.done $0x0  }
0xb0: {  	[sflag:s14] =	ssyncadd.s32 $0xFFFFF800  }
0xb1: {  	[tilespmem:s25], [sflag:$0x2] =	stream.linear.gather [hbm4b:s23+s3], $0x80, $0x38;
	[tilespmem:$0x6B90] =	vst v63  }
0xb2: {  	_ =	swait.ge [sflag:s16], $0x80  }
0xb3: {  	[sflag:s16] =	ssyncset.done $0x0  }
0xb4: {  	[sflag:s16] =	ssyncadd.s32 $0xFFFFFF80  }
0xb5: {  	[spmem:s2] =	stream.indirect.scatter.add.f32 [tilespmem:s3], [sflag:$0x9], $0x10, s10, s0, $0xb8;
	[tilespmem:$0x6B90] =	vst v63  }
.Ltmp1:
0xb6: {  	_ =	swait.ge [sflag:s14], $0x800;
	(pc) =	sbr.rel @p1 .LBB2_4-.Ltmp1, $4  }
0xb7: {  	[sflag:s14] =	ssyncset.done $0x0  }
0xb8: {  	s22 =	sadd.s32 $0x80, s22;
	[sflag:s14] =	ssyncadd.s32 $0xFFFFF800  }
0xb9: {  	[tilespmem:s29], [sflag:$0x3] =	stream.linear.gather [hbm4b:s24+s3], $0x80, $0x38;
	[tilespmem:$0x6B90] =	vst v63  }
0xba: {  	s23 =	sadd.s32 $0x80, s23;
	s24 =	sadd.s32 $0x80, s24;
	_ =	swait.ge [sflag:s17], $0x80  }
0xbb: {  	[sflag:s17] =	ssyncset.done $0x0  }
0xbc: {  	[sflag:s17] =	ssyncadd.s32 $0xFFFFFF80  }
0xbd: {  	[spmem:s2] =	stream.indirect.scatter.add.f32 [tilespmem:s3], [sflag:$0x9], $0x10, s12, s0, $0xb8;
	[tilespmem:$0x6B90] =	vst v63  }
0xbe: {  	_ =	swait.ge [sflag:s14], $0x800  }
0xbf: {  	[sflag:s14] =	ssyncset.done $0x0  }
0xc0: {  	[sflag:s14] =	ssyncadd.s32 $0xFFFFF800  }
0xc1: {  	[tilespmem:s30], [sflag:$0x4] =	stream.linear.gather [hbm4b:s18+s3], $0x80, $0x38;
	[tilespmem:$0x6B90] =	vst v63  }
0xc2: {  	_ =	swait.ge [sflag:s31], $0x80  }
0xc3: {  	[sflag:s31] =	ssyncset.done $0x0  }
0xc4: {  	[sflag:s31] =	ssyncadd.s32 $0xFFFFFF80  }
0xc5: {  	[spmem:s2] =	stream.indirect.scatter.add.f32 [tilespmem:s3], [sflag:$0x9], $0x10, s28, s0, $0xb8;
	[tilespmem:$0x6B90] =	vst v63  }
0xc6: {  	_ =	swait.ge [sflag:s14], $0x800  }
0xc7: {  	[sflag:s14] =	ssyncset.done $0x0  }
0xc8: {  	s8 =	rddreg [dreg:$0xc];
	[sflag:s14] =	ssyncadd.s32 $0xFFFFF800  }
0xc9: {  	[tilespmem:s1], [sflag:$0x5] =	stream.linear.gather [hbm4b:s8+s3], $0x80, $0x38;
	[tilespmem:$0x6B90] =	vst v63  }
0xca: {  	_ =	swait.ge [sflag:s6], $0x80  }
0xcb: {  	[sflag:s6] =	ssyncset.done $0x0  }
0xcc: {  	[sflag:s6] =	ssyncadd.s32 $0xFFFFFF80  }
0xcd: {  	[spmem:s2] =	stream.indirect.scatter.add.f32 [tilespmem:s3], [sflag:$0x9], $0x10, s25, s0, $0xb8;
	[tilespmem:$0x6B90] =	vst v63  }
0xce: {  	_ =	swait.ge [sflag:s14], $0x800  }
0xcf: {  	[sflag:s14] =	ssyncset.done $0x0  }
0xd0: {  	s19 =	rddreg [dreg:$0xd];
	[sflag:s14] =	ssyncadd.s32 $0xFFFFF800  }
0xd1: {  	[tilespmem:s7], [sflag:$0x6] =	stream.linear.gather [hbm4b:s19+s3], $0x80, $0x38;
	[tilespmem:$0x6B90] =	vst v63  }
0xd2: {  	_ =	swait.ge [sflag:s9], $0x80  }
0xd3: {  	[sflag:s9] =	ssyncset.done $0x0  }
0xd4: {  	[sflag:s9] =	ssyncadd.s32 $0xFFFFFF80  }
0xd5: {  	[spmem:s2] =	stream.indirect.scatter.add.f32 [tilespmem:s3], [sflag:$0x9], $0x10, s29, s0, $0xb8;
	[tilespmem:$0x6B90] =	vst v63  }
0xd6: {  	_ =	swait.ge [sflag:s14], $0x800  }
0xd7: {  	[sflag:s14] =	ssyncset.done $0x0  }
0xd8: {  	[sflag:s14] =	ssyncadd.s32 $0xFFFFF800  }
0xd9: {  	_ =	swait.ge [sflag:s11], $0x80  }
0xda: {  	[sflag:s11] =	ssyncset.done $0x0  }
0xdb: {  	[sflag:s11] =	ssyncadd.s32 $0xFFFFFF80  }
0xdc: {  	[spmem:s2] =	stream.indirect.scatter.add.f32 [tilespmem:s3], [sflag:$0x9], $0x10, s30, s0, $0xb8;
	[tilespmem:$0x6B90] =	vst v63  }
0xdd: {  	_ =	swait.ge [sflag:s14], $0x800  }
0xde: {  	[sflag:s14] =	ssyncset.done $0x0  }
0xdf: {  	[sflag:s14] =	ssyncadd.s32 $0xFFFFF800  }
0xe0: {  	_ =	swait.ge [sflag:s13], $0x80  }
0xe1: {  	[sflag:s13] =	ssyncset.done $0x0  }
0xe2: {  	[sflag:s13] =	ssyncadd.s32 $0xFFFFFF80  }
0xe3: {  	[spmem:s2] =	stream.indirect.scatter.add.f32 [tilespmem:s3], [sflag:$0x9], $0x10, s1, s0, $0xb8;
	[tilespmem:$0x6B90] =	vst v63  }
0xe4: {  	_ =	swait.ge [sflag:s14], $0x800  }
0xe5: {  	[sflag:s14] =	ssyncset.done $0x0  }
0xe6: {  	[sflag:s14] =	ssyncadd.s32 $0xFFFFF800  }
0xe7: {  	_ =	swait.ge [sflag:s15], $0x80  }
0xe8: {  	[sflag:s15] =	ssyncset.done $0x0  }
0xe9: {  	[sflag:s15] =	ssyncadd.s32 $0xFFFFFF80  }
0xea: {  	[spmem:s2] =	stream.indirect.scatter.add.f32 [tilespmem:s3], [sflag:$0x9], $0x10, s7, s0, $0xb8;
	[tilespmem:$0x6B90] =	vst v63  }
0xeb: {  	_ =	swait.ge [sflag:s14], $0x800  }
0xec: {  	[sflag:s14] =	ssyncset.done $0x0  }
0xed: {  	[sflag:s14] =	ssyncadd.s32 $0xFFFFF800  }
0xee: {  	_ =	swait.ge [sflag:s14], $0x800  }
0xef: {  	[sflag:s14] =	ssyncset.done $0x0  }
0xf0: {  	[sflag:s14] =	ssyncadd.s32 $0xFFFFF800  }
0xf1: {  	_ =	swait.ge [sflag:s14], $0x800  }
0xf2: {  	[sflag:s14] =	ssyncset.done $0x0  }
0xf3: {  	[sflag:s14] =	ssyncadd.s32 $0xFFFFF800  }
0xf4: {  	_ =	swait.ge [sflag:s14], $0x800  }
0xf5: {  	[sflag:s14] =	ssyncset.done $0x0  }
0xf6: {  	[sflag:s14] =	ssyncadd.s32 $0xFFFFF800  }
0xf7: {  	_ =	swait.ge [sflag:s14], $0x800  }
0xf8: {  	[sflag:s14] =	ssyncset.done $0x0  }
0xf9: {  	s21 =	simm.s32 $0x4400;
	s20 =	rddreg [dreg:$0xe];
	[sflag:s14] =	ssyncadd.s32 $0xFFFFF800  }
0xfa: {  	[tilespmem:s21], [sflag:$0xA] =	stream.linear.gather [hbm4b:s20+s3], $0x10, $0x38;
	[tilespmem:$0x6B90] =	vst v63  }
0xfb: {  	s20 =	simm.s32 $0xA  }
0xfc: {  	_ =	swait.ge [sflag:s20], $0x10  }
0xfd: {  	[sflag:s20] =	ssyncset.done $0x0  }
0xfe: {  	s22 =	simm.s32 $0x10;
	[sflag:s20] =	ssyncadd.s32 $0xFFFFFFF0  }
0xff: {  	[spmem:s2] =	stream.indirect.scatter.add.f32 [tilespmem:s3], [sflag:$0xA], $0x10, s21, s22, $0xb8;
	[tilespmem:$0x6B90] =	vst v63  }
0x100: {  	_ =	swait.ge [sflag:s20], $0x100  }
0x101: {  	[sflag:s20] =	ssyncset.done $0x0  }
0x102: {  	[sflag:s20] =	ssyncadd.s32 $0xFFFFFF00  }
0x103: {  	[bflag:$0x0] =	sbarrier.arrive $0xFFFF  }
0x104: {  	s19 =	rddreg [dreg:$0x5]  }
0x105: {  	s23 =	rddreg [dreg:$0xf]  }
0x106: {  	s24 =	rddreg [dreg:$0x17]  }
0x107: {  	[hbm:s23], [sflag:s19] =	dma.local [spmem:s24], $0x2700  }
0x108: {  	_ =	swait.ge [sflag:s20], $0x2700  }
0x109: {  	[sflag:s20] =	ssyncset.done $0x0;
	s8 =	rddreg [dreg:$0x10]  }
0x10a: {  	s18 =	rddreg [dreg:$0x18];
	[sflag:s20] =	ssyncadd.s32 $0xFFFFD900  }
0x10b: {  	[hbm:s8], [sflag:s19] =	dma.local @!p0 [spmem:s18], $0x100  }
0x10c: {  	s8 =	simm.s32 @!p0 $0xA  }
0x10d: {  	_ =	swait.ge @!p0 [sflag:s8], $0x100  }
0x10e: {  	s21 =	rddreg [dreg:$0x16]  }
0x10f: {  	s26 =	rddreg [dreg:$0x11];
	s21 =	sadd.s32 $0x1, s21  }
0x110: {  	p1 =	sne.s32 s21, s26  }
.Ltmp2:
0x111: {  	_ = 	snop;
	(pc) =	sbr.rel @p1 .LBB2_1-.Ltmp2, $3  }
0x112: {  	_ =	sdelay $0x1  }
0x113: {  	[sflag:s8] =	ssyncset.done @!p0 $0x0  }
0x114: {  	[sflag:s8] =	ssyncadd.s32 @!p0 $0xFFFFFF00  }
0x115: {  	_ =	sfence.sel $0x180000  }
0x116: {  	[bflag:$0x0] =	sbarrier.arrive $0xFFFF  }
0x117: {  	_ =	strace $0x90000047  }
0x118: {  	s0 =	stileid.u32;
	[bflag:$0x2] =	sbarrier.arrive $0xFFFF  }
0x119: {  	p0 =	sne.s32 s0, $0x0;
	s0 =	rddreg [dreg:$0x2]  }
0x11a: {  	s0 =	sadd.s32 @!p0 $0x100000, s0  }
0x11b: {  	[sflag:s0] =	ssyncadd.tile.s32 @!p0 $0x1;
	_ =	shalt  }
.Lfunc_end2:
_tile_overlayer_lowered:
.L_overlay_start_2:
0x11c: {  	(tag) =	ssettag $0x2  }
0x11d: {  	s0 =	rddreg [dreg:$0x0];
	s2 =	stileid.u32  }
0x11e: {  	s1 =	rddreg [dreg:$0x1];
	p0 =	sne.s32 s2, $0x0  }
0x11f: {  	s3 =	rddreg [dreg:$0x2];
	[bflag:$0x3] =	sbarrier.arrive $0xFFFF;
	s2 =	simm.s32 @!p0 $0x1C0A  }
0x120: {  	[timem:s3], [sflag:s2] =	dma.local @!p0 [hbm:s0], s1  }
0x121: {  	s0 =	simm.s32 @!p0 $0xA  }
0x122: {  	_ =	swait.ge @!p0 [sflag:s0], s1  }
0x123: {  	s1 =	ssub.s32 @!p0 $0x0, s1;
	[sflag:s0] =	ssyncset.done @!p0 $0x0  }
0x124: {  	[sflag:s0] =	ssyncadd.s32 @!p0 s1  }
0x125: {  	[bflag:$0x3] =	sbarrier.arrive $0xFFFF  }
0x126: {  	_ =	shalt  }

// kernel: kernel.9.cloned.1.call-start
scs
__scs_entry_jumppad:
0x0: {  	(pc) =	sbr.rel $0x88, $3  }
0x1: {  	(tag) =	ssettag $0x0;
	lr =	simm.s32 $0x1  }
0x2: {  	[smem:$0x3F99] =	sst lr;
	_ =	strace $0xD0000000  }
0x3: {  	_ = 	snop  }
0x4: {  	_ = 	snop  }
0x5: {  	_ = 	snop  }
0x6: {  	_ = 	snop  }
0x7: {  	_ = 	snop  }
__scs_overlays_trampoline_lowered:
0x8: {  	[smem:$0x3FA8] =	sst s0  }
0x9: {  	[smem:$0x3FA9] =	sst s1  }
0xa: {  	[smem:$0x3FAA] =	sst s2  }
0xb: {  	[smem:$0x3FAB] =	sst s3  }
0xc: {  	[smem:$0x3FAC] =	sst s4  }
0xd: {  	[smem:$0x3FAD] =	sst s5  }
0xe: {  	[smem:$0x3FAE] =	sst s6  }
0xf: {  	[smem:$0x3FAF] =	sst s7  }
0x10: {  	[smem:$0x3FB0] =	sst s8  }
0x11: {  	[smem:$0x3FB1] =	sst s9;
	s0 =	simm.s32 @!p0 $0x0  }
0x12: {  	s1 =	sld [smem:$0x3F97];
	s0 =	simm.s32 @p0 $0x1  }
0x13: {  	[smem:$0x3FB2] =	sst s0;
	s0 =	simm.s32 @!p1 $0x0  }
0x14: {  	s2 =	sld [smem:$0x3F96];
	s0 =	simm.s32 @p1 $0x1  }
0x15: {  	[smem:$0x3FB3] =	sst s0;
	s0 =	simm.s32 @!p2 $0x0  }
0x16: {  	s3 =	sld [smem:$0x3FDB];
	s0 =	simm.s32 @p2 $0x1  }
0x17: {  	s4 =	simm.s32 $0x1BF5;
	[smem:$0x3FB5] =	sst s0  }
0x18: {  	s0 =	sld [smem:$0x3F98];
	_ =	swait.ge [sflag:s4], $0x0  }
0x19: {  	s7 =	sld [smem:$0x3F99]  }
0x1a: {  	s8 =	sadd.s32 $0xFFFFE003, lr  }
0x1b: {  	s9 =	sadd.s32 $0xFFFFFEF7, lr;
	s5 =	simm.s32 $0xFFFFFFFF;
	p2 =	slt.u32 s8, $0xFFFFF086  }
0x1c: {  	p1 =	slt.u32 s9, $0xF7A;
	s5 =	simm.s32 @!p2 $0x0  }
0x1d: {  	s5 =	simm.s32 @p1 $0x1;
	p0 =	seq.s32 s7, s2  }
0x1e: {  	s7 =	smul.u32 @!p0 $0xF7A, s2;
	p2 =	seq.s32 @!p0 s5, $0x0  }
0x1f: {  	s9 =	smul.u32 $0xF7A, s1;
	s8 =	simm.s32 @!p0 $0x1BF5;
	p2 =	por !p2, p0  }
0x20: {  	[sflag:s8] =	ssyncset.s32 @!p0 $0xFFFFF086;
	s6 =	sadd.s32 @!p0 s3, s7;
	s7 =	simm.s32 @!p0 $0x108  }
0x21: {  	s3 =	sadd.s32 s3, s9;
	s6 =	sadd.s32 @!p0 $0x88, s6;
	s7 =	simm.s32 @p2 $0x1082  }
0x22: {  	[simem:s7], [sflag:s8] =	dma.local @!p0 [hbm:s6], $0xF7A  }
0x23: {  	s9 =	sor.u32 $0xD0000000, s2;
	s6 =	simm.s32 $0x108;
	_ =	swait.ge @!p0 [sflag:s8], $0x0  }
0x24: {  	s3 =	sadd.s32 $0x88, s3;
	s6 =	simm.s32 @!p1 $0x1082;
	[sflag:s4] =	ssyncset.s32 $0xFFFFF086  }
0x25: {  	[simem:s6], [sflag:s4] =	dma.local [hbm:s3], $0xF7A  }
0x26: {  	[smem:$0x3F99] =	sst s1;
	(tag) =	ssettag s2;
	_ =	strace s9  }
0x27: {  	s1 =	sld [smem:$0x3FA9]  }
0x28: {  	s2 =	sld [smem:$0x3FAA]  }
0x29: {  	s4 =	sld [smem:$0x3FAC]  }
0x2a: {  	p0 =	seq.s32 s5, $0x0;
	s5 =	sld [smem:$0x3FAD]  }
0x2b: {  	s6 =	sld [smem:$0x3FAE]  }
0x2c: {  	s7 =	sld [smem:$0x3FAF]  }
0x2d: {  	s3 =	simm.s32 $0x108;
	s8 =	sld [smem:$0x3FB0]  }
0x2e: {  	s3 =	simm.s32 @!p0 $0x1082;
	s9 =	sld [smem:$0x3FB1]  }
0x2f: {  	lr =	sadd.s32 s0, s3;
	s0 =	sld [smem:$0x3FA8]  }
0x30: {  	s3 =	sld [smem:$0x3FAB]  }
0x31: {  	[smem:$0x3FB4] =	sst s10  }
0x32: {  	s10 =	sld [smem:$0x3FB2];
	_ =	sdelay $0x3  }
0x33: {  	p0 =	seq.s32 s10, $0x1;
	s10 =	sld [smem:$0x3FB4];
	_ =	sdelay $0x3  }
0x34: {  	[smem:$0x3FB4] =	sst s10  }
0x35: {  	s10 =	sld [smem:$0x3FB3];
	_ =	sdelay $0x3  }
0x36: {  	p1 =	seq.s32 s10, $0x1;
	s10 =	sld [smem:$0x3FB4];
	_ =	sdelay $0x3  }
0x37: {  	[smem:$0x3FB4] =	sst s10  }
0x38: {  	s10 =	sld [smem:$0x3FB5]  }
0x39: {  	_ = 	snop;
	(pc) =	sbr.ind lr, $3  }
0x3a: {  	_ = 	snop  }
0x3b: {  	_ = 	snop  }
0x3c: {  	p2 =	seq.s32 s10, $0x1;
	s10 =	sld [smem:$0x3FB4]  }
0x3d: {  	_ =	shalt  }
0x3e: {  	_ =	shalt  }
0x3f: {  	_ =	shalt  }
0x40: {  	_ =	shalt  }
0x41: {  	_ =	shalt  }
0x42: {  	_ =	shalt  }
0x43: {  	_ =	shalt  }
0x44: {  	_ =	shalt  }
0x45: {  	_ =	shalt  }
0x46: {  	_ =	shalt  }
0x47: {  	_ =	shalt  }
0x48: {  	_ =	shalt  }
0x49: {  	_ =	shalt  }
0x4a: {  	_ =	shalt  }
0x4b: {  	_ =	shalt  }
0x4c: {  	_ =	shalt  }
0x4d: {  	_ =	shalt  }
0x4e: {  	_ =	shalt  }
0x4f: {  	_ =	shalt  }
0x50: {  	_ =	shalt  }
0x51: {  	_ =	shalt  }
0x52: {  	_ =	shalt  }
0x53: {  	_ =	shalt  }
0x54: {  	_ =	shalt  }
0x55: {  	_ =	shalt  }
0x56: {  	_ =	shalt  }
0x57: {  	_ =	shalt  }
0x58: {  	_ =	shalt  }
0x59: {  	_ =	shalt  }
0x5a: {  	_ =	shalt  }
0x5b: {  	_ =	shalt  }
0x5c: {  	_ =	shalt  }
0x5d: {  	_ =	shalt  }
0x5e: {  	_ =	shalt  }
0x5f: {  	_ =	shalt  }
0x60: {  	_ =	shalt  }
0x61: {  	_ =	shalt  }
0x62: {  	_ =	shalt  }
0x63: {  	_ =	shalt  }
0x64: {  	_ =	shalt  }
0x65: {  	_ =	shalt  }
0x66: {  	_ =	shalt  }
0x67: {  	_ =	shalt  }
0x68: {  	_ =	shalt  }
0x69: {  	_ =	shalt  }
0x6a: {  	_ =	shalt  }
0x6b: {  	_ =	shalt  }
0x6c: {  	_ =	shalt  }
0x6d: {  	_ =	shalt  }
0x6e: {  	_ =	shalt  }
0x6f: {  	_ =	shalt  }
0x70: {  	_ =	shalt  }
0x71: {  	_ =	shalt  }
0x72: {  	_ =	shalt  }
0x73: {  	_ =	shalt  }
0x74: {  	_ =	shalt  }
0x75: {  	_ =	shalt  }
0x76: {  	_ =	shalt  }
0x77: {  	_ =	shalt  }
0x78: {  	_ =	shalt  }
0x79: {  	_ =	shalt  }
0x7a: {  	_ =	shalt  }
0x7b: {  	_ =	shalt  }
0x7c: {  	_ =	shalt  }
0x7d: {  	_ =	shalt  }
0x7e: {  	_ =	shalt  }
0x7f: {  	_ =	shalt  }
0x80: {  	_ =	shalt  }
0x81: {  	_ =	shalt  }
0x82: {  	_ =	shalt  }
0x83: {  	_ =	shalt  }
0x84: {  	_ =	shalt  }
0x85: {  	_ =	shalt  }
0x86: {  	_ =	shalt  }
0x87: {  	_ =	shalt  }
.Lfunc_end0:
.L_simem_size_0:
called_computation.1_lowered:
.L_overlay_start_0:
0x88: {  	s2 =	sld [smem:$0x3FD9]  }
0x89: {  	s3 =	sld [smem:$0x3FFE];
	_ =	sdelay $0x1  }
0x8a: {  	s1 =	srdreg.scid  }
0x8b: {  	s0 =	sand.u32 $0x1, s1  }
0x8c: {  	s16 =	sshll.u32 s0, $0xA;
	s2 =	sadd.s32 s3, s2  }
0x8d: {  	s2 =	sadd.s32 s2, s16  }
0x8e: {  	[smem:$0x3FC0] =	sst s2  }
0x8f: {  	_ = 	snop  }
0x90: {  	(tm) =	ssettm $0x1  }
0x91: {  	s17 =	sld [smem:$0x3FFB];
	_ =	sdelay $0x3  }
0x92: {  	_ =	strace s17  }
0x93: {  	s2 =	sld [smem:$0x3FFC];
	_ =	sdelay $0x3  }
0x94: {  	_ =	strace s2  }
0x95: {  	s2 =	sld [smem:$0x3FFD];
	_ =	sdelay $0x3  }
0x96: {  	_ =	strace s2  }
0x97: {  	_ =	strace $0x8FFFFFFF  }
0x98: {  	s18 =	sld [smem:$0x3FDB];
	_ =	sdelay $0x1  }
0x99: {  	s19 =	simm.s32 $_scs_section_size  }
0x9a: {  	s4 =	simm.s32 $_size__tile_overlayer_lowered;
	s5 =	simm.s32 $_tile_overlayer_lowered  }
0x9b: {  	s22 =	simm.s32 $0x1BFF;
	s21 =	sshll.u32 s5, $0x1;
	s2 =	sadd.s32 s19, s18  }
0x9c: {  	s6 =	simm.s32 $0x0;
	s20 =	sshll.u32 s4, $0x1;
	s4 =	sadd.s32 s21, s2  }
0x9d: {  	[timem:s6], [sflag:s22] =	dma.local [hbm:s4], s20  }
0x9e: {  	_ =	swait.ge [sflag:s22], s20  }
0x9f: {  	s3 =	ssub.s32 $0x0, s20;
	[sflag:s22] =	ssyncset.done $0x0  }
0xa0: {  	[sflag:s22] =	ssyncadd.s32 s3;
	_ =	sdelay $0x1  }
0xa1: {  	s23 =	simm.s32 $0x1B8B  }
0xa2: {  	_ =	swait.ge [sflag:s23], $0x1  }
0xa3: {  	[sflag:s23] =	ssyncset.done $0x0  }
0xa4: {  	s25 =	simm.s32 $0x1B8E;
	s24 =	sld [smem:$0x3FFE];
	[sflag:s23] =	ssyncadd.s32 $0xFFFFFFFF  }
0xa5: {  	s26 =	simm.s32 $execute0_lowered;
	[smem:$0x3FD2] =	sst s25  }
0xa6: {  	s4 =	sshll.u32 s26, $0x1;
	_ =	strace $0x80000049;
	[dreg:$0x1] =	wrdreg $0xFFFFFFFF  }
0xa7: {  	s28 =	simm.s32 $_size_execute0_lowered;
	s2 =	sadd.s32 s2, s4;
	[dreg:$0x0] =	wrdreg $0x0  }
0xa8: {  	s4 =	sshll.u32 s28, $0x1;
	[dreg:$0x2] =	wrdreg s2  }
0xa9: {  	[dreg:$0x3] =	wrdreg s4  }
0xaa: {  	[dreg:$0x4] =	wrdreg $0xC0  }
0xab: {  	_ =	task [dreg:s6], $0x5FFFF  }
0xac: {  	[dreg:$0x1] =	wrdreg $0xFFFFFFFF  }
0xad: {  	[dreg:$0x0] =	wrdreg $0x60  }
0xae: {  	[dreg:$0x2] =	wrdreg s24  }
0xaf: {  	[dreg:$0x3] =	wrdreg $0xAB000  }
0xb0: {  	[dreg:$0x4] =	wrdreg $0x9  }
0xb1: {  	_ =	task.clear_ibuf [dreg:s6], $0x5FFFF;
	_ =	strace $0x90000049  }
0xb2: {  	s29 =	simm.s32 $0x9;
	_ =	strace $0x8000004B  }
0xb3: {  	_ =	swait.ge [sflag:s29], $0x1  }
0xb4: {  	[sflag:s29] =	ssyncadd.s32 $0xFFFFFFFF  }
0xb5: {  	_ =	strace $0x9000004B  }
0xb6: {  	_ =	sfence  }
0xb7: {  	s30 =	sld [smem:$0x0];
	_ =	sdelay $0x2  }
0xb8: {  	s31 =	sshll.u32 s1, $0xD;
	s1 =	sshrl.u32 s1, $0x2  }
0xb9: {  	s3 =	sand.u32 $0x4000, s31;
	s1 =	sadd.s32 s1, s30  }
0xba: {  	s0 =	sor.u32 s3, s0;
	s1 =	sshll.u32 s1, $0x11  }
0xbb: {  	s0 =	sor.u32 s1, s0  }
0xbc: {  	s0 =	sadd.s32 $0x8F2B, s0  }
0xbd: {  	[sflag:s0] =	ssyncadd.remote.s32 $0x1  }
0xbe: {  	_ =	sfence.sel $0xFFFF  }
0xbf: {  	[dreg:$0x0] =	wrdreg $0xFFFFFFFF;
	(pc) =	sbr.abs _section_cstart, $3  }
0xc0: {  	[dreg:$0x1] =	wrdreg $0xFFFFFFFF  }
0xc1: {  	_ =	task.clear_ibuf [dreg:s6], $0x2FFFF;
	_ =	strace $0x9FFFFFFF  }
0xc2: {  	(tm) =	ssettm $0x7FFFFFFF  }
0xc3: {  	_ =	shalt  }
tec
execute0_lowered:
.L_overlay_start_1:
0x0: {  	(tag) =	ssettag $0x1  }
0x1: {  	s0 =	rddreg [dreg:$0x0]  }
0x2: {  	s2 =	rddreg [dreg:$0x1]  }
0x3: {  	s3 =	simm.s32 $0x0;
	s13 =	stileid.u32;
	s6 =	srdreg.scid  }
0x4: {  	s28 =	simm.s32 $0x80;
	s29 =	simm.s32 $0x400;
	s30 =	simm.s32 $0x1  }
0x5: {  	[smem:$0x7FF] =	sst s3;
	s1 =	smul.u32 $0x13800, s13;
	s14 =	sadd.s32 $0x2200, s0  }
0x6: {  	s5 =	sadd.s32 $0x15C00, s0;
	s6 =	sand.u32 $0x1, s6;
	s9 =	smul.u32 $0x4E000, s13  }
0x7: {  	s10 =	sadd.s32 $0xB2200, s0;
	s16 =	sshll.u32 s13, $0x6;
	s18 =	sadd.s32 $0x138000, s2  }
0x8: {  	_ =	strace $0x8000004A;
	s8 =	sshll.u32 s6, $0x4;
	s11 =	ssub.s32 $0x2, s6  }
0x9: {  	s23 =	sor.u32 $0x1C0D, s16;
	[dreg:$0x11] =	wrdreg s18;
	s24 =	smul.u32 $0x138800, s6  }
0xa: {  	s7 =	sshrl.u32 s1, $0x3;
	s8 =	sor.u32 s13, s8;
	s12 =	sshrl.u32 s11, $0x1  }
0xb: {  	s9 =	sshrl.u32 s9, $0x2;
	[dreg:$0x10] =	wrdreg s23;
	s7 =	sadd.s32 s7, s0  }
0xc: {  	s8 =	smul.u32 $0x2710, s8;
	s11 =	ssub.s32 s11, s12;
	s9 =	sadd.s32 s9, s2  }
0xd: {  	s0 =	sadd.s32 $0xB2000, s0;
	s1 =	sadd.s32 s1, s24;
	[dreg:$0xe] =	wrdreg s9  }
0xe: {  	s7 =	sadd.s32 $0x8B000, s7;
	[dreg:$0x12] =	wrdreg s0;
	s1 =	sshrl.u32 s1, $0x3  }
0xf: {  	[dreg:$0xf] =	wrdreg s7;
	s17 =	sshrl.u32 s8, $0x3;
	s1 =	sadd.s32 s10, s1  }
0x10: {  	s21 =	sadd.s32 $0x68, s8;
	s19 =	sadd.s32 s14, s17;
	[dreg:$0x1b] =	wrdreg s1  }
0x11: {  	s0 =	sshrl.u32 s21, $0x3;
	s21 =	smax.u32 s11, $0x1;
	[dreg:$0x13] =	wrdreg s19  }
0x12: {  	s22 =	sadd.s32 $0x4E268, s8;
	s20 =	sadd.s32 $0x9C40, s19;
	[dreg:$0x1d] =	wrdreg s21  }
0x13: {  	s7 =	sshrl.u32 s22, $0x3;
	s0 =	sadd.s32 s14, s0;
	[dreg:$0x14] =	wrdreg s20  }
0x14: {  	s31 =	simm.s32 $0x68;
	s25 =	sadd.s32 s14, s7;
	[dreg:$0x15] =	wrdreg s0  }
0x15: {  	p0 =	sne.s32 s13, $0xF;
	s4 =	sadd.s32 $0x1A, s19;
	[dreg:$0x16] =	wrdreg s25  }
0x16: {  	s26 =	smul.u32 $0x27100, s6;
	s7 =	sadd.s32 $0x9C5A, s19;
	[dreg:$0x17] =	wrdreg s4  }
0x17: {  	s12 =	smul.u32 $0x2710, s13;
	s15 =	sadd.s32 $0x4E0, s19;
	[dreg:$0x18] =	wrdreg s7  }
0x18: {  	s17 =	sshrl.u32 s24, $0x3;
	s16 =	sadd.s32 $0xA120, s19;
	[dreg:$0x19] =	wrdreg s15  }
0x19: {  	s13 =	simm.s32 $0x280;
	s18 =	sadd.s32 s10, s17;
	[dreg:$0x1a] =	wrdreg s16  }
0x1a: {  	s0 =	sadd.s32 s12, s26;
	s1 =	sadd.s32 $0x27000, s18;
	s7 =	simm.s32 $0x3A00  }
0x1b: {  	s6 =	sadd.s32 $0x4E470, s0;
	[dreg:$0x1c] =	wrdreg s1;
	s20 =	sadd.s32 $0x2D8, s0  }
0x1c: {  	s24 =	sadd.s32 $0x4E4D8, s0;
	s26 =	sadd.s32 $0x340, s0;
	s4 =	sadd.s32 $0x4E540, s0  }
0x1d: {  	s10 =	sadd.s32 $0x208, s0;
	s12 =	sadd.s32 $0x4E408, s0;
	s15 =	sadd.s32 $0x1A0, s0  }
0x1e: {  	s21 =	sadd.s32 $0x138, s0;
	s19 =	sshrl.u32 s6, $0x3;
	s6 =	sshrl.u32 s20, $0x3  }
0x1f: {  	s25 =	sshrl.u32 s24, $0x3;
	s8 =	sshrl.u32 s4, $0x3;
	s11 =	sshrl.u32 s10, $0x3  }
0x20: {  	s17 =	sshrl.u32 s15, $0x3;
	s10 =	simm.s32 $0x300;
	s4 =	simm.s32 $0x100  }
0x21: {  	s15 =	simm.s32 $0x7;
	s1 =	sadd.s32 s19, s14;
	s22 =	sadd.s32 s6, s14  }
0x22: {  	s6 =	sshrl.u32 s26, $0x3;
	s9 =	sadd.s32 s8, s14;
	[dreg:$0x3] =	wrdreg s1  }
0x23: {  	s18 =	sadd.s32 s17, s14;
	s19 =	sadd.s32 $0x4E3A0, s0;
	[dreg:$0x4] =	wrdreg s22  }
0x24: {  	s17 =	simm.s32 $0xA;
	s1 =	sadd.s32 s25, s14;
	[dreg:$0x7] =	wrdreg s9  }
0x25: {  	s6 =	sadd.s32 s6, s14;
	[dreg:$0xa] =	wrdreg s18;
	s20 =	sshrl.u32 s19, $0x3  }
0x26: {  	s22 =	sadd.s32 $0x4E338, s0;
	s0 =	sadd.s32 $0x270, s0;
	s9 =	simm.s32 $0x200  }
0x27: {  	s18 =	simm.s32 $0x8;
	s19 =	simm.s32 $0x5;
	[dreg:$0x5] =	wrdreg s1  }
0x28: {  	[dreg:$0x6] =	wrdreg s6;
	s1 =	sadd.s32 s11, s14;
	s6 =	sshrl.u32 s12, $0x3  }
0x29: {  	s25 =	sshrl.u32 s22, $0x3;
	[dreg:$0x1e] =	wrdreg s0;
	s0 =	simm.s32 $0x600  }
0x2a: {  	s12 =	simm.s32 $0x6E00;
	s11 =	simm.s32 $0x6;
	s22 =	simm.s32 $0xC  }
0x2b: {  	[dreg:$0x8] =	wrdreg s1;
	s16 =	sadd.s32 s6, s14;
	s1 =	sadd.s32 s20, s14  }
0x2c: {  	s6 =	sshrl.u32 s21, $0x3;
	s26 =	sadd.s32 s25, s14;
	[dreg:$0x9] =	wrdreg s16  }
0x2d: {  	s20 =	simm.s32 $0xB;
	s21 =	simm.s32 $0x9;
	[dreg:$0xb] =	wrdreg s1  }
0x2e: {  	s25 =	simm.s32 $0x0;
	s24 =	sadd.s32 s6, s14;
	[dreg:$0xd] =	wrdreg s26  }
0x2f: {  	s26 =	simm.s32 $0x380;
	s1 =	simm.s32 $0x180;
	s6 =	simm.s32 $0x480  }
0x30: {  	s16 =	simm.s32 $0x4;
	[dreg:$0xc] =	wrdreg s24;
	s24 =	simm.s32 $0xD  }
.LBB2_1:
0x31: {  	[dreg:$0x1f] =	wrdreg s25  }
0x32: {  	s8 =	rddreg [dreg:$0xe]  }
0x33: {  	s25 =	sshrl.u32 s8, $0x3;
	s8 =	rddreg [dreg:$0xf]  }
0x34: {  	[smem:$0x7FC] =	sst s25  }
0x35: {  	[spmem:s25], [sflag:s23] =	dma.local [hbm:s8], $0x2700  }
0x36: {  	_ =	swait.ge [sflag:s24], $0x2700  }
0x37: {  	[sflag:s24] =	ssyncset.done $0x0;
	s8 =	rddreg [dreg:$0x11]  }
0x38: {  	[sflag:s24] =	ssyncadd.s32 $0xFFFFD900;
	s24 =	sshrl.u32 @!p0 s8, $0x3;
	s8 =	rddreg [dreg:$0x12]  }
0x39: {  	[smem:$0x7FD] =	sst s24  }
0x3a: {  	[spmem:s24], [sflag:s23] =	dma.local @!p0 [hbm:s8], $0x100  }
0x3b: {  	s8 =	simm.s32 @!p0 $0xD  }
0x3c: {  	_ =	swait.ge @!p0 [sflag:s8], $0x100  }
0x3d: {  	[sflag:s8] =	ssyncset.done @!p0 $0x0  }
0x3e: {  	[sflag:s8] =	ssyncadd.s32 @!p0 $0xFFFFFF00  }
0x3f: {  	[bflag:$0x0] =	sbarrier.arrive $0xFFFF  }
0x40: {  	s25 =	rddreg [dreg:$0x13]  }
0x41: {  	[tilespmem:s3], [sflag:$0x1] =	stream.linear.gather [hbm4b:s25+s3], $0x68, $0x38;
	[tilespmem:$0x1E380] =	vst v63  }
0x42: {  	s23 =	rddreg [dreg:$0x14]  }
0x43: {  	[tilespmem:s10], [sflag:$0x1] =	stream.linear.gather [hbm4b:s23+s3], $0x68, $0x38;
	[tilespmem:$0x1E380] =	vst v63  }
0x44: {  	s24 =	rddreg [dreg:$0x15]  }
0x45: {  	[tilespmem:s28], [sflag:$0x2] =	stream.linear.gather [hbm4b:s24+s3], $0x68, $0x38;
	[tilespmem:$0x1E380] =	vst v63  }
0x46: {  	s25 =	rddreg [dreg:$0x16]  }
0x47: {  	[tilespmem:s26], [sflag:$0x2] =	stream.linear.gather [hbm4b:s25+s3], $0x68, $0x38;
	[tilespmem:$0x1E380] =	vst v63  }
0x48: {  	s23 =	rddreg [dreg:$0x17]  }
0x49: {  	[tilespmem:s4], [sflag:$0x3] =	stream.linear.gather [hbm4b:s23+s3], $0x68, $0x38;
	[tilespmem:$0x1E380] =	vst v63  }
0x4a: {  	s24 =	rddreg [dreg:$0x18]  }
0x4b: {  	[tilespmem:s29], [sflag:$0x3] =	stream.linear.gather [hbm4b:s24+s3], $0x68, $0x38;
	[tilespmem:$0x1E380] =	vst v63  }
0x4c: {  	_ =	swait.ge [sflag:s30], $0x68  }
0x4d: {  	[sflag:s30] =	ssyncset.done $0x0  }
0x4e: {  	[sflag:s30] =	ssyncadd.s32 $0xFFFFFF98  }
0x4f: {  	_ =	swait.ge [sflag:s30], $0x68  }
0x50: {  	p1 =	por $0x1, $0x1;
	[sflag:s30] =	ssyncset.done $0x0  }
0x51: {  	s8 =	simm.s32 @!p1 $0xA;
	[sflag:s30] =	ssyncadd.s32 $0xFFFFFF98  }
0x52: {  	_ =	swait.ge @!p1 [sflag:s8], $0x3400  }
0x53: {  	[sflag:s8] =	ssyncset.done @!p1 $0x0  }
0x54: {  	s25 =	rddreg [dreg:$0xc];
	[sflag:s8] =	ssyncadd.s32 @!p1 $0xFFFFCC00  }
0x55: {  	[tilespmem:s0], [sflag:$0x7] =	stream.indirect.gather [hbm4b:s5+s31], $0x80, s3, s31, $0xb8;
	[tilespmem:$0x1E380] =	vst v63  }
0x56: {  	s24 =	rddreg [dreg:$0xd];
	s23 =	sadd.s32 $0x0, s25  }
0x57: {  	[tilespmem:s1], [sflag:$0x4] =	stream.linear.gather [hbm4b:s23+s3], $0x68, $0x38;
	[tilespmem:$0x1E380] =	vst v63  }
0x58: {  	s8 =	sadd.s32 $0x0, s24;
	s23 =	simm.s32 @p1 $0x2  }
0x59: {  	[tilespmem:s6], [sflag:$0x4] =	stream.linear.gather [hbm4b:s8+s3], $0x68, $0x38;
	[tilespmem:$0x1E380] =	vst v63  }
0x5a: {  	_ =	swait.ge @p1 [sflag:s23], $0x68  }
0x5b: {  	[sflag:s23] =	ssyncset.done @p1 $0x0  }
0x5c: {  	[sflag:s23] =	ssyncadd.s32 @p1 $0xFFFFFF98  }
0x5d: {  	_ =	swait.ge @p1 [sflag:s23], $0x68  }
0x5e: {  	[sflag:s23] =	ssyncset.done @p1 $0x0  }
0x5f: {  	s8 =	simm.s32 @!p1 $0x8;
	[sflag:s23] =	ssyncadd.s32 @p1 $0xFFFFFF98  }
0x60: {  	_ =	swait.ge @!p1 [sflag:s8], $0x3400  }
0x61: {  	s24 =	simm.s32 @!p1 $0x2;
	s25 =	simm.s32 @!p1 $0x500;
	[sflag:s8] =	ssyncset.done @!p1 $0x0  }
0x62: {  	s23 =	simm.s32 @!p1 $0x3A00;
	[sflag:s8] =	ssyncadd.s32 @!p1 $0xFFFFCC00;
	s8 =	simm.s32 @!p1 $0x68  }
0x63: {  	[spmem:s2] =	stream.indirect.scatter.add.f32 @!p1 [tilespmem:s23], [sflag:$0xB], $0x80, s25, s8, $0xb8;
	[tilespmem:$0x1E380] =	vst v63  }
0x64: {  	_ =	swait.ge @!p1 [sflag:s24], $0x68  }
0x65: {  	[sflag:s24] =	ssyncset.done @!p1 $0x0  }
0x66: {  	[sflag:s24] =	ssyncadd.s32 @!p1 $0xFFFFFF98  }
0x67: {  	_ =	swait.ge @!p1 [sflag:s24], $0x68  }
0x68: {  	[sflag:s24] =	ssyncset.done @!p1 $0x0  }
0x69: {  	s23 =	simm.s32 @!p1 $0xB;
	[sflag:s24] =	ssyncadd.s32 @!p1 $0xFFFFFF98  }
0x6a: {  	_ =	swait.ge @!p1 [sflag:s23], $0x3400  }
0x6b: {  	[sflag:s23] =	ssyncset.done @!p1 $0x0  }
0x6c: {  	s24 =	rddreg [dreg:$0xa];
	[sflag:s23] =	ssyncadd.s32 @!p1 $0xFFFFCC00  }
0x6d: {  	[tilespmem:s7], [sflag:$0x8] =	stream.indirect.gather [hbm4b:s5+s31], $0x80, s28, s31, $0xb8;
	[tilespmem:$0x1E380] =	vst v63  }
0x6e: {  	s25 =	rddreg [dreg:$0xb];
	s24 =	sadd.s32 $0x0, s24  }
0x6f: {  	[tilespmem:s9], [sflag:$0x5] =	stream.linear.gather [hbm4b:s24+s3], $0x68, $0x38;
	[tilespmem:$0x1E380] =	vst v63  }
0x70: {  	s23 =	sadd.s32 $0x0, s25;
	s28 =	simm.s32 $0x500;
	s24 =	simm.s32 @p1 $0x3  }
0x71: {  	[tilespmem:s28], [sflag:$0x5] =	stream.linear.gather [hbm4b:s23+s3], $0x68, $0x38;
	[tilespmem:$0x1E380] =	vst v63  }
0x72: {  	_ =	swait.ge @p1 [sflag:s24], $0x68  }
0x73: {  	[sflag:s24] =	ssyncset.done @p1 $0x0  }
0x74: {  	[sflag:s24] =	ssyncadd.s32 @p1 $0xFFFFFF98  }
0x75: {  	_ =	swait.ge @p1 [sflag:s24], $0x68  }
0x76: {  	[sflag:s24] =	ssyncset.done @p1 $0x0  }
0x77: {  	s23 =	simm.s32 @!p1 $0x9;
	[sflag:s24] =	ssyncadd.s32 @p1 $0xFFFFFF98  }
0x78: {  	_ =	swait.ge @!p1 [sflag:s23], $0x3400  }
0x79: {  	s25 =	simm.s32 @!p1 $0x6E00;
	[sflag:s23] =	ssyncset.done @!p1 $0x0  }
0x7a: {  	s24 =	simm.s32 @!p1 $0x3;
	[sflag:s23] =	ssyncadd.s32 @!p1 $0xFFFFCC00;
	s23 =	simm.s32 @!p1 $0x580  }
0x7b: {  	[spmem:s2] =	stream.indirect.scatter.add.f32 @!p1 [tilespmem:s25], [sflag:$0xC], $0x80, s23, s8, $0xb8;
	[tilespmem:$0x1E380] =	vst v63  }
0x7c: {  	_ =	swait.ge @!p1 [sflag:s24], $0x68  }
0x7d: {  	[sflag:s24] =	ssyncset.done @!p1 $0x0  }
0x7e: {  	[sflag:s24] =	ssyncadd.s32 @!p1 $0xFFFFFF98  }
0x7f: {  	_ =	swait.ge @!p1 [sflag:s24], $0x68  }
0x80: {  	[sflag:s24] =	ssyncset.done @!p1 $0x0  }
0x81: {  	s8 =	simm.s32 @!p1 $0xC;
	[sflag:s24] =	ssyncadd.s32 @!p1 $0xFFFFFF98  }
0x82: {  	_ =	swait.ge @!p1 [sflag:s8], $0x3400  }
0x83: {  	[sflag:s8] =	ssyncset.done @!p1 $0x0  }
0x84: {  	s24 =	rddreg [dreg:$0x8];
	[sflag:s8] =	ssyncadd.s32 @!p1 $0xFFFFCC00  }
0x85: {  	[tilespmem:s12], [sflag:$0x9] =	stream.indirect.gather [hbm4b:s5+s31], $0x80, s4, s31, $0xb8;
	[tilespmem:$0x1E380] =	vst v63  }
0x86: {  	s25 =	rddreg [dreg:$0x9];
	s23 =	sadd.s32 $0x0, s24  }
0x87: {  	[tilespmem:s13], [sflag:$0x6] =	stream.linear.gather [hbm4b:s23+s3], $0x68, $0x38;
	[tilespmem:$0x1E380] =	vst v63  }
0x88: {  	s28 =	simm.s32 $0x580;
	s8 =	sadd.s32 $0x0, s25  }
0x89: {  	[tilespmem:s28], [sflag:$0x6] =	stream.linear.gather [hbm4b:s8+s3], $0x68, $0x38;
	[tilespmem:$0x1E380] =	vst v63  }
0x8a: {  	_ =	swait.ge [sflag:s15], $0x3400  }
0x8b: {  	[sflag:s15] =	ssyncset.done $0x0  }
0x8c: {  	[sflag:s15] =	ssyncadd.s32 $0xFFFFCC00  }
0x8d: {  	[spmem:s2] =	stream.indirect.scatter.add.f32 [tilespmem:s0], [sflag:$0xA], $0x80, s10, s31, $0xb8;
	[tilespmem:$0x1E380] =	vst v63  }
0x8e: {  	_ =	swait.ge [sflag:s16], $0x68  }
0x8f: {  	[sflag:s16] =	ssyncset.done $0x0  }
0x90: {  	[sflag:s16] =	ssyncadd.s32 $0xFFFFFF98  }
0x91: {  	_ =	swait.ge [sflag:s16], $0x68  }
0x92: {  	[sflag:s16] =	ssyncset.done $0x0  }
0x93: {  	[sflag:s16] =	ssyncadd.s32 $0xFFFFFF98  }
0x94: {  	_ =	swait.ge [sflag:s17], $0x3400  }
0x95: {  	p1 =	por $0x0, $0x0;
	[sflag:s17] =	ssyncset.done $0x0;
	s10 =	rddreg [dreg:$0x1e]  }
0x96: {  	[sflag:s17] =	ssyncadd.s32 $0xFFFFCC00;
	s23 =	sshrl.u32 @!p1 s10, $0x3  }
0x97: {  	[tilespmem:s0], [sflag:$0x7] =	stream.indirect.gather [hbm4b:s5+s31], $0x80, s1, s31, $0xb8;
	[tilespmem:$0x1E380] =	vst v63  }
0x98: {  	s24 =	simm.s32 @!p1 $0x0;
	s8 =	rddreg [dreg:$0x3];
	s23 =	sadd.s32 @!p1 s14, s23  }
0x99: {  	[tilespmem:s24], [sflag:$0x1] =	stream.linear.gather @!p1 [hbm4b:s23+s24], $0x68, $0x38;
	[tilespmem:$0x1E380] =	vst v63  }
0x9a: {  	s8 =	sadd.s32 @!p1 $0x0, s8;
	s23 =	simm.s32 @!p1 $0x300  }
0x9b: {  	[tilespmem:s23], [sflag:$0x1] =	stream.linear.gather @!p1 [hbm4b:s8+s24], $0x68, $0x38;
	[tilespmem:$0x1E380] =	vst v63  }
0x9c: {  	_ =	swait.ge [sflag:s18], $0x3400  }
0x9d: {  	[sflag:s18] =	ssyncset.done $0x0  }
0x9e: {  	[sflag:s18] =	ssyncadd.s32 $0xFFFFCC00  }
0x9f: {  	[spmem:s2] =	stream.indirect.scatter.add.f32 [tilespmem:s7], [sflag:$0xB], $0x80, s26, s31, $0xb8;
	[tilespmem:$0x1E380] =	vst v63  }
0xa0: {  	_ =	swait.ge [sflag:s19], $0x68  }
0xa1: {  	[sflag:s19] =	ssyncset.done $0x0  }
0xa2: {  	[sflag:s19] =	ssyncadd.s32 $0xFFFFFF98  }
0xa3: {  	_ =	swait.ge [sflag:s19], $0x68  }
0xa4: {  	[sflag:s19] =	ssyncset.done $0x0  }
0xa5: {  	[sflag:s19] =	ssyncadd.s32 $0xFFFFFF98  }
0xa6: {  	_ =	swait.ge [sflag:s20], $0x3400  }
0xa7: {  	[sflag:s20] =	ssyncset.done $0x0  }
0xa8: {  	s8 =	rddreg [dreg:$0x4];
	[sflag:s20] =	ssyncadd.s32 $0xFFFFCC00  }
0xa9: {  	[tilespmem:s7], [sflag:$0x8] =	stream.indirect.gather [hbm4b:s5+s31], $0x80, s9, s31, $0xb8;
	[tilespmem:$0x1E380] =	vst v63  }
0xaa: {  	s25 =	simm.s32 @!p1 $0x80;
	s23 =	rddreg [dreg:$0x5];
	s8 =	sadd.s32 @!p1 $0x0, s8  }
0xab: {  	[tilespmem:s25], [sflag:$0x2] =	stream.linear.gather @!p1 [hbm4b:s8+s24], $0x68, $0x38;
	[tilespmem:$0x1E380] =	vst v63  }
0xac: {  	s23 =	sadd.s32 @!p1 $0x0, s23;
	s8 =	simm.s32 @!p1 $0x380  }
0xad: {  	[tilespmem:s8], [sflag:$0x2] =	stream.linear.gather @!p1 [hbm4b:s23+s24], $0x68, $0x38;
	[tilespmem:$0x1E380] =	vst v63  }
0xae: {  	_ =	swait.ge [sflag:s21], $0x3400  }
0xaf: {  	[sflag:s21] =	ssyncset.done $0x0  }
0xb0: {  	[sflag:s21] =	ssyncadd.s32 $0xFFFFCC00  }
0xb1: {  	[spmem:s2] =	stream.indirect.scatter.add.f32 [tilespmem:s12], [sflag:$0xC], $0x80, s29, s31, $0xb8;
	[tilespmem:$0x1E380] =	vst v63  }
0xb2: {  	_ =	swait.ge [sflag:s11], $0x68  }
0xb3: {  	[sflag:s11] =	ssyncset.done $0x0  }
0xb4: {  	[sflag:s11] =	ssyncadd.s32 $0xFFFFFF98  }
0xb5: {  	_ =	swait.ge [sflag:s11], $0x68  }
0xb6: {  	[sflag:s11] =	ssyncset.done $0x0  }
0xb7: {  	[sflag:s11] =	ssyncadd.s32 $0xFFFFFF98  }
0xb8: {  	_ =	swait.ge [sflag:s22], $0x3400  }
0xb9: {  	[sflag:s22] =	ssyncset.done $0x0  }
0xba: {  	s8 =	rddreg [dreg:$0x6];
	[sflag:s22] =	ssyncadd.s32 $0xFFFFCC00  }
0xbb: {  	[tilespmem:s12], [sflag:$0x9] =	stream.indirect.gather [hbm4b:s5+s31], $0x80, s13, s31, $0xb8;
	[tilespmem:$0x1E380] =	vst v63  }
0xbc: {  	s25 =	simm.s32 @!p1 $0x100;
	s23 =	rddreg [dreg:$0x7];
	s8 =	sadd.s32 @!p1 $0x0, s8  }
0xbd: {  	[tilespmem:s25], [sflag:$0x3] =	stream.linear.gather @!p1 [hbm4b:s8+s24], $0x68, $0x38;
	[tilespmem:$0x1E380] =	vst v63  }
0xbe: {  	s23 =	sadd.s32 @!p1 $0x0, s23;
	s8 =	simm.s32 @!p1 $0x400  }
0xbf: {  	[tilespmem:s8], [sflag:$0x3] =	stream.linear.gather @!p1 [hbm4b:s23+s24], $0x68, $0x38;
	[tilespmem:$0x1E380] =	vst v63  }
0xc0: {  	s4 =	simm.s32 $0x400;
	_ =	swait.ge [sflag:s15], $0x3400  }
0xc1: {  	s8 =	simm.s32 $0x4E;
	s23 =	smov.u32 s10;
	[sflag:s15] =	ssyncset.done $0x0  }
.LBB2_2:
0xc2: {  	[sflag:s15] =	ssyncadd.s32 $0xFFFFCC00  }
0xc3: {  	[spmem:s2] =	stream.indirect.scatter.add.f32 [tilespmem:s0], [sflag:$0xA], $0x80, s6, s31, $0xb8;
	[tilespmem:$0x1E380] =	vst v63  }
0xc4: {  	_ =	swait.ge [sflag:s30], $0x68  }
0xc5: {  	[sflag:s30] =	ssyncset.done $0x0  }
0xc6: {  	[sflag:s30] =	ssyncadd.s32 $0xFFFFFF98  }
0xc7: {  	s24 =	smov.u32 s8;
	_ =	swait.ge [sflag:s30], $0x68  }
0xc8: {  	p2 =	seq.s32 s24, $0x0;
	[sflag:s30] =	ssyncset.done $0x0  }
0xc9: {  	s25 =	simm.s32 @!p2 $0xA;
	[sflag:s30] =	ssyncadd.s32 $0xFFFFFF98  }
0xca: {  	_ =	swait.ge @!p2 [sflag:s25], $0x3400  }
0xcb: {  	[sflag:s25] =	ssyncset.done @!p2 $0x0  }
0xcc: {  	s26 =	rddreg [dreg:$0xc];
	[sflag:s25] =	ssyncadd.s32 @!p2 $0xFFFFCC00  }
0xcd: {  	[tilespmem:s0], [sflag:$0x7] =	stream.indirect.gather [hbm4b:s5+s31], $0x80, s3, s31, $0xb8;
	[tilespmem:$0x1E380] =	vst v63  }
0xce: {  	s28 =	rddreg [dreg:$0xd];
	s26 =	sadd.s32 s24, s26  }
0xcf: {  	[tilespmem:s1], [sflag:$0x4] =	stream.linear.gather [hbm4b:s26+s3], $0x68, $0x38;
	[tilespmem:$0x1E380] =	vst v63  }
0xd0: {  	s25 =	sadd.s32 s24, s28;
	s26 =	simm.s32 @p2 $0x2  }
0xd1: {  	[tilespmem:s6], [sflag:$0x4] =	stream.linear.gather [hbm4b:s25+s3], $0x68, $0x38;
	[tilespmem:$0x1E380] =	vst v63  }
0xd2: {  	_ =	swait.ge @p2 [sflag:s26], $0x68  }
0xd3: {  	[sflag:s26] =	ssyncset.done @p2 $0x0  }
0xd4: {  	[sflag:s26] =	ssyncadd.s32 @p2 $0xFFFFFF98  }
0xd5: {  	_ =	swait.ge @p2 [sflag:s26], $0x68  }
0xd6: {  	[sflag:s26] =	ssyncset.done @p2 $0x0  }
0xd7: {  	s25 =	simm.s32 @!p2 $0x8;
	[sflag:s26] =	ssyncadd.s32 @p2 $0xFFFFFF98  }
0xd8: {  	_ =	swait.ge @!p2 [sflag:s25], $0x3400  }
0xd9: {  	s29 =	simm.s32 @!p2 $0x500;
	s28 =	simm.s32 @!p2 $0x2;
	[sflag:s25] =	ssyncset.done @!p2 $0x0  }
0xda: {  	s26 =	simm.s32 @!p2 $0x3A00;
	[sflag:s25] =	ssyncadd.s32 @!p2 $0xFFFFCC00;
	s25 =	simm.s32 @!p2 $0x68  }
0xdb: {  	[spmem:s2] =	stream.indirect.scatter.add.f32 @!p2 [tilespmem:s26], [sflag:$0xB], $0x80, s29, s25, $0xb8;
	[tilespmem:$0x1E380] =	vst v63  }
0xdc: {  	_ =	swait.ge @!p2 [sflag:s28], $0x68  }
0xdd: {  	[sflag:s28] =	ssyncset.done @!p2 $0x0  }
0xde: {  	[sflag:s28] =	ssyncadd.s32 @!p2 $0xFFFFFF98  }
0xdf: {  	_ =	swait.ge @!p2 [sflag:s28], $0x68  }
0xe0: {  	[sflag:s28] =	ssyncset.done @!p2 $0x0  }
0xe1: {  	s26 =	simm.s32 @!p2 $0xB;
	[sflag:s28] =	ssyncadd.s32 @!p2 $0xFFFFFF98  }
0xe2: {  	_ =	swait.ge @!p2 [sflag:s26], $0x3400  }
0xe3: {  	[sflag:s26] =	ssyncset.done @!p2 $0x0  }
0xe4: {  	s10 =	simm.s32 $0x80;
	s28 =	rddreg [dreg:$0xa];
	[sflag:s26] =	ssyncadd.s32 @!p2 $0xFFFFCC00  }
0xe5: {  	[tilespmem:s7], [sflag:$0x8] =	stream.indirect.gather [hbm4b:s5+s31], $0x80, s10, s31, $0xb8;
	[tilespmem:$0x1E380] =	vst v63  }
0xe6: {  	s29 =	rddreg [dreg:$0xb];
	s28 =	sadd.s32 s24, s28  }
0xe7: {  	[tilespmem:s9], [sflag:$0x5] =	stream.linear.gather [hbm4b:s28+s3], $0x68, $0x38;
	[tilespmem:$0x1E380] =	vst v63  }
0xe8: {  	s26 =	sadd.s32 s24, s29;
	s29 =	simm.s32 $0x500;
	s28 =	simm.s32 @p2 $0x3  }
0xe9: {  	[tilespmem:s29], [sflag:$0x5] =	stream.linear.gather [hbm4b:s26+s3], $0x68, $0x38;
	[tilespmem:$0x1E380] =	vst v63  }
0xea: {  	_ =	swait.ge @p2 [sflag:s28], $0x68  }
0xeb: {  	[sflag:s28] =	ssyncset.done @p2 $0x0  }
0xec: {  	[sflag:s28] =	ssyncadd.s32 @p2 $0xFFFFFF98  }
0xed: {  	_ =	swait.ge @p2 [sflag:s28], $0x68  }
0xee: {  	[sflag:s28] =	ssyncset.done @p2 $0x0  }
0xef: {  	s26 =	simm.s32 @!p2 $0x9;
	[sflag:s28] =	ssyncadd.s32 @p2 $0xFFFFFF98  }
0xf0: {  	_ =	swait.ge @!p2 [sflag:s26], $0x3400  }
0xf1: {  	s29 =	simm.s32 @!p2 $0x6E00;
	[sflag:s26] =	ssyncset.done @!p2 $0x0  }
0xf2: {  	s28 =	simm.s32 @!p2 $0x3;
	[sflag:s26] =	ssyncadd.s32 @!p2 $0xFFFFCC00;
	s26 =	simm.s32 @!p2 $0x580  }
0xf3: {  	[spmem:s2] =	stream.indirect.scatter.add.f32 @!p2 [tilespmem:s29], [sflag:$0xC], $0x80, s26, s25, $0xb8;
	[tilespmem:$0x1E380] =	vst v63  }
0xf4: {  	_ =	swait.ge @!p2 [sflag:s28], $0x68  }
0xf5: {  	[sflag:s28] =	ssyncset.done @!p2 $0x0  }
0xf6: {  	[sflag:s28] =	ssyncadd.s32 @!p2 $0xFFFFFF98  }
0xf7: {  	_ =	swait.ge @!p2 [sflag:s28], $0x68  }
0xf8: {  	[sflag:s28] =	ssyncset.done @!p2 $0x0  }
0xf9: {  	s25 =	simm.s32 @!p2 $0xC;
	[sflag:s28] =	ssyncadd.s32 @!p2 $0xFFFFFF98  }
0xfa: {  	_ =	swait.ge @!p2 [sflag:s25], $0x3400  }
0xfb: {  	[sflag:s25] =	ssyncset.done @!p2 $0x0  }
0xfc: {  	s29 =	simm.s32 $0x100;
	s26 =	rddreg [dreg:$0x8];
	[sflag:s25] =	ssyncadd.s32 @!p2 $0xFFFFCC00  }
0xfd: {  	[tilespmem:s12], [sflag:$0x9] =	stream.indirect.gather [hbm4b:s5+s31], $0x80, s29, s31, $0xb8;
	[tilespmem:$0x1E380] =	vst v63  }
0xfe: {  	s28 =	rddreg [dreg:$0x9];
	s26 =	sadd.s32 s24, s26  }
0xff: {  	[tilespmem:s13], [sflag:$0x6] =	stream.linear.gather [hbm4b:s26+s3], $0x68, $0x38;
	[tilespmem:$0x1E380] =	vst v63  }
0x100: {  	s25 =	sadd.s32 s24, s28;
	s26 =	simm.s32 $0x580  }
0x101: {  	[tilespmem:s26], [sflag:$0x6] =	stream.linear.gather [hbm4b:s25+s3], $0x68, $0x38;
	[tilespmem:$0x1E380] =	vst v63  }
0x102: {  	_ =	swait.ge [sflag:s15], $0x3400  }
0x103: {  	[sflag:s15] =	ssyncset.done $0x0  }
0x104: {  	s28 =	simm.s32 $0x300;
	[sflag:s15] =	ssyncadd.s32 $0xFFFFCC00  }
0x105: {  	[spmem:s2] =	stream.indirect.scatter.add.f32 [tilespmem:s0], [sflag:$0xA], $0x80, s28, s31, $0xb8;
	[tilespmem:$0x1E380] =	vst v63  }
0x106: {  	_ =	swait.ge [sflag:s16], $0x68  }
0x107: {  	[sflag:s16] =	ssyncset.done $0x0  }
0x108: {  	[sflag:s16] =	ssyncadd.s32 $0xFFFFFF98  }
0x109: {  	_ =	swait.ge [sflag:s16], $0x68  }
0x10a: {  	[sflag:s16] =	ssyncset.done $0x0  }
0x10b: {  	[sflag:s16] =	ssyncadd.s32 $0xFFFFFF98  }
0x10c: {  	_ =	swait.ge [sflag:s17], $0x3400  }
0x10d: {  	s23 =	sadd.s32 $0x270, s23;
	p2 =	seq.s32 s24, $0x492;
	[sflag:s17] =	ssyncset.done $0x0  }
0x10e: {  	s28 =	sshrl.u32 @!p2 s23, $0x3;
	[sflag:s17] =	ssyncadd.s32 $0xFFFFCC00  }
0x10f: {  	[tilespmem:s0], [sflag:$0x7] =	stream.indirect.gather [hbm4b:s5+s31], $0x80, s1, s31, $0xb8;
	[tilespmem:$0x1E380] =	vst v63  }
0x110: {  	s25 =	simm.s32 @!p2 $0x0;
	s28 =	sadd.s32 @!p2 s14, s28;
	s26 =	rddreg [dreg:$0x3]  }
0x111: {  	[tilespmem:s25], [sflag:$0x1] =	stream.linear.gather @!p2 [hbm4b:s28+s25], $0x68, $0x38;
	[tilespmem:$0x1E380] =	vst v63  }
0x112: {  	s29 =	simm.s32 @!p2 $0x300;
	s26 =	sadd.s32 @!p2 s24, s26  }
0x113: {  	[tilespmem:s29], [sflag:$0x1] =	stream.linear.gather @!p2 [hbm4b:s26+s25], $0x68, $0x38;
	[tilespmem:$0x1E380] =	vst v63  }
0x114: {  	_ =	swait.ge [sflag:s18], $0x3400  }
0x115: {  	[sflag:s18] =	ssyncset.done $0x0  }
0x116: {  	s29 =	simm.s32 $0x380;
	[sflag:s18] =	ssyncadd.s32 $0xFFFFCC00  }
0x117: {  	[spmem:s2] =	stream.indirect.scatter.add.f32 [tilespmem:s7], [sflag:$0xB], $0x80, s29, s31, $0xb8;
	[tilespmem:$0x1E380] =	vst v63  }
0x118: {  	_ =	swait.ge [sflag:s19], $0x68  }
0x119: {  	[sflag:s19] =	ssyncset.done $0x0  }
0x11a: {  	[sflag:s19] =	ssyncadd.s32 $0xFFFFFF98  }
0x11b: {  	_ =	swait.ge [sflag:s19], $0x68  }
0x11c: {  	[sflag:s19] =	ssyncset.done $0x0  }
0x11d: {  	[sflag:s19] =	ssyncadd.s32 $0xFFFFFF98  }
0x11e: {  	_ =	swait.ge [sflag:s20], $0x3400  }
0x11f: {  	[sflag:s20] =	ssyncset.done $0x0  }
0x120: {  	s26 =	rddreg [dreg:$0x4];
	[sflag:s20] =	ssyncadd.s32 $0xFFFFCC00  }
0x121: {  	[tilespmem:s7], [sflag:$0x8] =	stream.indirect.gather [hbm4b:s5+s31], $0x80, s9, s31, $0xb8;
	[tilespmem:$0x1E380] =	vst v63  }
0x122: {  	s29 =	simm.s32 @!p2 $0x80;
	s28 =	rddreg [dreg:$0x5];
	s26 =	sadd.s32 @!p2 s24, s26  }
0x123: {  	[tilespmem:s29], [sflag:$0x2] =	stream.linear.gather @!p2 [hbm4b:s26+s25], $0x68, $0x38;
	[tilespmem:$0x1E380] =	vst v63  }
0x124: {  	s10 =	simm.s32 @!p2 $0x380;
	s26 =	sadd.s32 @!p2 s24, s28  }
0x125: {  	[tilespmem:s10], [sflag:$0x2] =	stream.linear.gather @!p2 [hbm4b:s26+s25], $0x68, $0x38;
	[tilespmem:$0x1E380] =	vst v63  }
0x126: {  	_ =	swait.ge [sflag:s21], $0x3400  }
0x127: {  	[sflag:s21] =	ssyncset.done $0x0  }
0x128: {  	[sflag:s21] =	ssyncadd.s32 $0xFFFFCC00  }
0x129: {  	[spmem:s2] =	stream.indirect.scatter.add.f32 [tilespmem:s12], [sflag:$0xC], $0x80, s4, s31, $0xb8;
	[tilespmem:$0x1E380] =	vst v63  }
0x12a: {  	_ =	swait.ge [sflag:s11], $0x68  }
0x12b: {  	[sflag:s11] =	ssyncset.done $0x0  }
0x12c: {  	[sflag:s11] =	ssyncadd.s32 $0xFFFFFF98  }
0x12d: {  	_ =	swait.ge [sflag:s11], $0x68  }
0x12e: {  	[sflag:s11] =	ssyncset.done $0x0  }
0x12f: {  	[sflag:s11] =	ssyncadd.s32 $0xFFFFFF98  }
0x130: {  	_ =	swait.ge [sflag:s22], $0x3400  }
0x131: {  	[sflag:s22] =	ssyncset.done $0x0  }
0x132: {  	s8 =	sadd.s32 $0x4E, s8;
	s10 =	rddreg [dreg:$0x6];
	[sflag:s22] =	ssyncadd.s32 $0xFFFFCC00  }
0x133: {  	[tilespmem:s12], [sflag:$0x9] =	stream.indirect.gather [hbm4b:s5+s31], $0x80, s13, s31, $0xb8;
	[tilespmem:$0x1E380] =	vst v63  }
0x134: {  	p1 =	sne.s32 s8, $0x4E0;
	s28 =	simm.s32 @!p2 $0x100;
	s10 =	sadd.s32 @!p2 s24, s10  }
0x135: {  	[tilespmem:s28], [sflag:$0x3] =	stream.linear.gather @!p2 [hbm4b:s10+s25], $0x68, $0x38;
	[tilespmem:$0x1E380] =	vst v63  }
.Ltmp0:
0x136: {  	s26 =	rddreg [dreg:$0x7];
	(pc) =	sbr.rel @p1 .LBB2_2-.Ltmp0, $4  }
0x137: {  	s29 =	simm.s32 @!p2 $0x400;
	s10 =	sadd.s32 @!p2 s24, s26  }
0x138: {  	[tilespmem:s29], [sflag:$0x3] =	stream.linear.gather @!p2 [hbm4b:s10+s25], $0x68, $0x38;
	[tilespmem:$0x1E380] =	vst v63  }
0x139: {  	_ =	swait.ge [sflag:s15], $0x3400  }
0x13a: {  	[sflag:s15] =	ssyncset.done $0x0  }
0x13b: {  	[sflag:s15] =	ssyncadd.s32 $0xFFFFCC00  }
0x13c: {  	[spmem:s2] =	stream.indirect.scatter.add.f32 [tilespmem:s0], [sflag:$0xA], $0x80, s6, s31, $0xb8;
	[tilespmem:$0x1E380] =	vst v63  }
0x13d: {  	_ =	swait.ge [sflag:s18], $0x3400  }
0x13e: {  	[sflag:s18] =	ssyncset.done $0x0  }
0x13f: {  	s4 =	simm.s32 $0x500;
	[sflag:s18] =	ssyncadd.s32 $0xFFFFCC00  }
0x140: {  	[spmem:s2] =	stream.indirect.scatter.add.f32 [tilespmem:s7], [sflag:$0xB], $0x80, s4, s31, $0xb8;
	[tilespmem:$0x1E380] =	vst v63  }
0x141: {  	_ =	swait.ge [sflag:s21], $0x3400  }
0x142: {  	[sflag:s21] =	ssyncset.done $0x0  }
0x143: {  	s24 =	simm.s32 $0x580;
	[sflag:s21] =	ssyncadd.s32 $0xFFFFCC00  }
0x144: {  	[spmem:s2] =	stream.indirect.scatter.add.f32 [tilespmem:s12], [sflag:$0xC], $0x80, s24, s31, $0xb8;
	[tilespmem:$0x1E380] =	vst v63  }
0x145: {  	_ =	swait.ge [sflag:s17], $0x3400  }
0x146: {  	[sflag:s17] =	ssyncset.done $0x0  }
0x147: {  	[sflag:s17] =	ssyncadd.s32 $0xFFFFCC00  }
0x148: {  	_ =	swait.ge [sflag:s20], $0x3400  }
0x149: {  	[sflag:s20] =	ssyncset.done $0x0  }
0x14a: {  	[sflag:s20] =	ssyncadd.s32 $0xFFFFCC00  }
0x14b: {  	_ =	swait.ge [sflag:s22], $0x3400  }
0x14c: {  	s4 =	simm.s32 $0xA200;
	[sflag:s22] =	ssyncset.done $0x0  }
0x14d: {  	s24 =	simm.s32 $0xD;
	s8 =	rddreg [dreg:$0x19];
	[sflag:s22] =	ssyncadd.s32 $0xFFFFCC00  }
0x14e: {  	[tilespmem:s4], [sflag:$0xD] =	stream.linear.gather [hbm4b:s8+s3], $0x10, $0x38;
	[tilespmem:$0x1E380] =	vst v63  }
0x14f: {  	_ =	swait.ge [sflag:s24], $0x10  }
0x150: {  	[sflag:s24] =	ssyncset.done $0x0  }
0x151: {  	s10 =	simm.s32 $0xA280;
	s25 =	rddreg [dreg:$0x1a];
	[sflag:s24] =	ssyncadd.s32 $0xFFFFFFF0  }
0x152: {  	[tilespmem:s10], [sflag:$0xD] =	stream.linear.gather [hbm4b:s25+s3], $0x10, $0x38;
	[tilespmem:$0x1E380] =	vst v63  }
0x153: {  	_ =	swait.ge [sflag:s24], $0x10  }
0x154: {  	[sflag:s24] =	ssyncset.done $0x0  }
0x155: {  	s26 =	simm.s32 $0x10;
	s23 =	simm.s32 $0xA300;
	[sflag:s24] =	ssyncadd.s32 $0xFFFFFFF0  }
0x156: {  	[tilespmem:s23], [sflag:$0x7] =	stream.indirect.gather [hbm4b:s5+s26], $0x80, s4, s26, $0xb8;
	[tilespmem:$0x1E380] =	vst v63  }
0x157: {  	_ =	swait.ge [sflag:s15], $0x800  }
0x158: {  	[sflag:s15] =	ssyncset.done $0x0  }
0x159: {  	[sflag:s15] =	ssyncadd.s32 $0xFFFFF800  }
0x15a: {  	[spmem:s2] =	stream.indirect.scatter.add.f32 [tilespmem:s23], [sflag:$0xD], $0x80, s10, s26, $0xb8;
	[tilespmem:$0x1E380] =	vst v63  }
0x15b: {  	_ =	swait.ge [sflag:s24], $0x800  }
0x15c: {  	[sflag:s24] =	ssyncset.done $0x0  }
0x15d: {  	[sflag:s24] =	ssyncadd.s32 $0xFFFFF800  }
0x15e: {  	[bflag:$0x0] =	sbarrier.arrive $0xFFFF  }
0x15f: {  	s25 =	sld [smem:$0x7FC]  }
0x160: {  	s23 =	rddreg [dreg:$0x10]  }
0x161: {  	s10 =	rddreg [dreg:$0x1b]  }
0x162: {  	[hbm:s10], [sflag:s23] =	dma.local [spmem:s25], $0x2700  }
0x163: {  	_ =	swait.ge [sflag:s24], $0x2700  }
0x164: {  	s4 =	sld [smem:$0x7FD]  }
0x165: {  	[sflag:s24] =	ssyncset.done $0x0  }
0x166: {  	s8 =	rddreg [dreg:$0x1c];
	[sflag:s24] =	ssyncadd.s32 $0xFFFFD900  }
0x167: {  	[hbm:s8], [sflag:s23] =	dma.local @!p0 [spmem:s4], $0x100  }
0x168: {  	s8 =	simm.s32 @!p0 $0xD  }
0x169: {  	_ =	swait.ge @!p0 [sflag:s8], $0x100  }
0x16a: {  	s25 =	rddreg [dreg:$0x1f]  }
0x16b: {  	s26 =	rddreg [dreg:$0x1d];
	s25 =	sadd.s32 $0x1, s25  }
0x16c: {  	p1 =	sne.s32 s25, s26  }
.Ltmp1:
0x16d: {  	_ = 	snop;
	(pc) =	sbr.rel @p1 .LBB2_1-.Ltmp1, $4  }
0x16e: {  	_ = 	snop  }
0x16f: {  	s28 =	simm.s32 $0x80  }
0x170: {  	s29 =	simm.s32 $0x400;
	s10 =	simm.s32 $0x300;
	[sflag:s8] =	ssyncset.done @!p0 $0x0  }
0x171: {  	s4 =	simm.s32 $0x100;
	[sflag:s8] =	ssyncadd.s32 @!p0 $0xFFFFFF00;
	s26 =	simm.s32 $0x380  }
0x172: {  	_ =	sfence.sel $0x180000  }
0x173: {  	[bflag:$0x0] =	sbarrier.arrive $0xFFFF  }
0x174: {  	_ =	strace $0x9000004A  }
0x175: {  	s0 =	stileid.u32;
	[bflag:$0x2] =	sbarrier.arrive $0xFFFF  }
0x176: {  	p0 =	sne.s32 s0, $0x0;
	s0 =	rddreg [dreg:$0x2]  }
0x177: {  	s0 =	sadd.s32 @!p0 $0x100000, s0  }
0x178: {  	[sflag:s0] =	ssyncadd.tile.s32 @!p0 $0x1;
	_ =	shalt  }
.Lfunc_end2:
_tile_overlayer_lowered:
.L_overlay_start_2:
0x179: {  	(tag) =	ssettag $0x2  }
0x17a: {  	s0 =	rddreg [dreg:$0x0];
	s2 =	stileid.u32  }
0x17b: {  	s1 =	rddreg [dreg:$0x1];
	p0 =	sne.s32 s2, $0x0  }
0x17c: {  	s3 =	rddreg [dreg:$0x2];
	[bflag:$0x3] =	sbarrier.arrive $0xFFFF;
	s2 =	simm.s32 @!p0 $0x1C0D  }
0x17d: {  	[timem:s3], [sflag:s2] =	dma.local @!p0 [hbm:s0], s1  }
0x17e: {  	s0 =	simm.s32 @!p0 $0xD  }
0x17f: {  	_ =	swait.ge @!p0 [sflag:s0], s1  }
0x180: {  	s1 =	ssub.s32 @!p0 $0x0, s1;
	[sflag:s0] =	ssyncset.done @!p0 $0x0  }
0x181: {  	[sflag:s0] =	ssyncadd.s32 @!p0 s1  }
0x182: {  	[bflag:$0x3] =	sbarrier.arrive $0xFFFF  }
0x183: {  	_ =	shalt  }

</sc_bundles>
